<compile_context>
chip_gen: v7x
topology: tpu7x:2x2x1
jax: 0.10.2.dev20260603
libtpu: 0.0.44.dev20260713+nightly
codegen_flags: <defaults>
</compile_context>

<pallas_src>
import functools
import numpy as np
import jax
import jax.numpy as jnp
from jax import lax
from jax.experimental import pallas as pl
from jax.experimental.pallas import tpu as pltpu
from jax.experimental.pallas import tpu_sc as plsc

B, N, K, D = 16, 512, 32, 128
BH = 16
C = 64
NCHUNK = (BH * N) // C
NW = 32
CHUNKS_PER_W = NCHUNK // NW
PAIRS = C * K
LANES = 16
GROUPS = PAIRS // LANES


def _sc_scatter_body(cols_hbm, vals_hbm, m_hbm,
                     idx_v, val_v, acc_v, sems, sem_in):
    wid = lax.axis_index("s") * 2 + lax.axis_index("c")
    zeros = jnp.zeros((LANES,), jnp.float32)

    def dst(chunk):
        return m_hbm.at[chunk // (N // C),
                        pl.ds((chunk % (N // C)) * (C // 8), C // 8)]

    bown = wid // 2
    half = wid % 2
    cin = pltpu.async_copy(
        cols_hbm.at[bown, :, pl.ds(2 * half, 2), :, :], idx_v, sem_in)
    vin = pltpu.async_copy(
        vals_hbm.at[bown, :, pl.ds(2 * half, 2), :, :], val_v, sem_in)

    @plsc.parallel_loop(0, C, unroll=4)
    def _(i):
        rb = i // 8
        r = i % 8
        for buf in range(2):
            for cb in range(N // 128):
                for j in range(128 // LANES):
                    acc_v[buf, rb, cb, r, pl.ds(j * LANES, LANES)] = zeros

    cin.wait()
    vin.wait()

    iota = lax.iota(jnp.int32, LANES)

    def scatter_idx(s, cols):
        rowv = s * LANES + iota
        return [lax.shift_right_logical(rowv, 3),
                lax.shift_right_logical(cols, 7),
                lax.bitwise_and(rowv, 7),
                lax.bitwise_and(cols, 127)]

    for cc in range(CHUNKS_PER_W):
        buf = cc % 2
        chunk = wid * CHUNKS_PER_W + cc
        nbr = cc // 2
        ns0 = (cc % 2) * C

        if cc >= 2:
            pltpu.make_async_copy(
                acc_v.at[buf], dst(chunk - 2), sems.at[buf]).wait()
            pnbr, pns0 = (cc - 2) // 2, ((cc - 2) % 2) * C

            @plsc.parallel_loop(0, GROUPS, unroll=4)
            def _(g):
                kb = g // 32
                ks = (g // 4) % 8
                s = g % 4
                cols = idx_v[kb, pnbr, ks, pl.ds(pns0 + s * LANES, LANES)]
                plsc.store_scatter(acc_v.at[buf], scatter_idx(s, cols), zeros)

        @plsc.parallel_loop(0, GROUPS, unroll=4)
        def _(g):
            kb = g // 32
            ks = (g // 4) % 8
            s = g % 4
            cols = idx_v[kb, nbr, ks, pl.ds(ns0 + s * LANES, LANES)]
            vals = val_v[kb, nbr, ks, pl.ds(ns0 + s * LANES, LANES)]
            plsc.addupdate_scatter(acc_v.at[buf], scatter_idx(s, cols), vals)
        pltpu.async_copy(acc_v.at[buf], dst(chunk), sems.at[buf])

    for cc in range(CHUNKS_PER_W - 2, CHUNKS_PER_W):
        buf = cc % 2
        chunk = wid * CHUNKS_PER_W + cc
        pltpu.make_async_copy(
            acc_v.at[buf], dst(chunk), sems.at[buf]).wait()


def _build_m_sc(cols_flat, vals_flat):
    mesh = plsc.VectorSubcoreMesh(core_axis_name="c", subcore_axis_name="s",
                                  num_cores=2, num_subcores=16)
    k = pl.kernel(
        _sc_scatter_body,
        out_type=jax.ShapeDtypeStruct((BH, N // 8, N // 128, 8, 128),
                                      jnp.float32),
        mesh=mesh,
        scratch_types=[
            pltpu.VMEM((K // 8, 2, 8, 128), jnp.int32),
            pltpu.VMEM((K // 8, 2, 8, 128), jnp.float32),
            pltpu.VMEM((2, C // 8, N // 128, 8, 128), jnp.float32),
            pltpu.SemaphoreType.DMA((2,)),
            pltpu.SemaphoreType.DMA,
        ],
        compiler_params=pltpu.CompilerParams(
            needs_layout_passes=False, use_tc_tiling_on_sc=False),
    )
    return k(cols_flat, vals_flat)


def _mm_body(m_ref, h_ref, o_ref):
    for j in range(8):
        m = m_ref[j]
        h1 = jnp.dot(m, h_ref[j], preferred_element_type=jnp.float32)
        o_ref[j] = jnp.dot(m, h1, preferred_element_type=jnp.float32)


def _two_layer_mm(m, h):
    return pl.pallas_call(
        _mm_body,
        grid=(BH // 8,),
        in_specs=[
            pl.BlockSpec((8, N, N), lambda b: (b, 0, 0)),
            pl.BlockSpec((8, N, D), lambda b: (b, 0, 0)),
        ],
        out_specs=pl.BlockSpec((8, N, D), lambda b: (b, 0, 0)),
        out_shape=jax.ShapeDtypeStruct((BH, N, D), jnp.float32),
    )(m, h)


@jax.jit
def kernel(node_hidden, in_node_index, in_node_mask):
    def tile_view(x):
        return (x.transpose(0, 2, 1)
                 .reshape(B, K // 8, 8, N // 128, 128)
                 .transpose(0, 1, 3, 2, 4))

    cols_flat = tile_view(in_node_index)
    vals_flat = tile_view(in_node_mask)

    m5 = _build_m_sc(cols_flat, vals_flat)
    m = m5.transpose(0, 1, 3, 2, 4).reshape(B, N, N)
    return _two_layer_mm(m, node_hidden)

# --- scband reference (transcript-rebuilt; emitter-appended) ---
"""Pipeline reference for scband-gs-lstm-41437844471984 (READ-ONLY COPY).

The authoritative reference and input builder live on the scoring server;
editing this copy changes nothing except your own understanding.
"""

import jax, jax.numpy as jnp
import numpy as np

LAYER_NUM = 2

def setup_inputs(seed: int = 0) -> dict:
    key = jax.random.key(seed)
    k1, k2, k3 = jax.random.split(key, 3)
    B, N, K, D = 16, 512, 32, 128
    node_hidden = jax.random.normal(k1, (B, N, D), dtype=jnp.float32)
    in_node_index = jax.random.randint(k2, (B, N, K), 0, N, dtype=jnp.int32)
    in_node_mask = jax.random.uniform(k3, (B, N, K), dtype=jnp.float32)
    return {"node_hidden": node_hidden, "in_node_index": in_node_index, "in_node_mask": in_node_mask}


def _get_neighbour_rep(node_hidden, neighbour_index):
    # node_hidden: [B, N, D]; neighbour_index: [B, N, K] -> rep: [B, N, K, D]
    # Faithful jax translation of the triple python loop: per-batch row gather.
    return jax.vmap(lambda h, idx: h[idx])(node_hidden, neighbour_index)


def reference(node_hidden, in_node_index, in_node_mask):
    h = node_hidden
    for _ in range(LAYER_NUM):
        rep = _get_neighbour_rep(h, in_node_index)  # [B, N, K, D]
        # torch.matmul(rep, mask.unsqueeze(-1)) then squeeze(dim=2):
        # intended masked sum over neighbours -> [B, N, D]
        h = jnp.einsum('bnk,bnkd->bnd', in_node_mask, rep)
    return h

if __name__ == "__main__":
    import jax
    _d = setup_inputs()
    print(jax.jit(kernel)(*tuple(_d.values())))

</pallas_src>

<mosaic_0001>
#map = affine_map<(d0, d1) -> (0, 0, 0, 0, 0)>
module attributes {stable_mosaic.version = 14 : i64} {
  func.func @_sc_scatter_body(%arg0: i32, %arg1: i32, %arg2: memref<16x4x4x8x128xi32, #tpu.memory_space<hbm>>, %arg3: memref<16x4x4x8x128xf32, #tpu.memory_space<hbm>>, %arg4: memref<16x64x4x8x128xf32, #tpu.memory_space<hbm>>, %arg5: memref<4x2x8x128xi32, #tpu.memory_space<vmem>>, %arg6: memref<4x2x8x128xf32, #tpu.memory_space<vmem>>, %arg7: memref<2x8x4x8x128xf32, #tpu.memory_space<vmem>>, %arg8: memref<2x!tpu.dma_semaphore, #tpu.memory_space<semaphore_mem>>, %arg9: memref<!tpu.dma_semaphore, #tpu.memory_space<semaphore_mem>>) attributes {dimension_semantics = [#tpu.dimension_semantics<core_parallel>, #tpu.dimension_semantics<subcore_parallel>], iteration_bounds = array<i64: 2, 16>, scalar_prefetch = 0 : i64, scratch_operands = 5 : i64, tpu.core_type = #tpu.core_type<sc_vector_subcore>, window_params = [{transform_indices = #map}, {transform_indices = #map}, {transform_indices = #map}]} {
    %mul3A = arith.constant 2 : i32
    %mul3A_0 = arith.muli %arg1, %mul3A : i32
    %add3A = arith.addi %mul3A_0, %arg0 : i32
    %broadcast_in_dim3A = arith.constant 0.000000e+00 : f32
    %broadcast_in_dim3A_1 = vector.broadcast %broadcast_in_dim3A : f32 to vector<16xf32>
    %jit3A = arith.constant 2 : i32
    %div3A = arith.divsi %add3A, %jit3A : i32
    %sign3A = arith.constant 0 : i32
    %sign3A_2 = arith.cmpi sgt, %add3A, %sign3A : i32
    %sign3A_3 = arith.extui %sign3A_2 : i1 to i32
    %sign3A_4 = arith.constant 0 : i32
    %sign3A_5 = arith.cmpi slt, %add3A, %sign3A_4 : i32
    %sign3A_6 = arith.extui %sign3A_5 : i1 to i32
    %sign3A_7 = arith.subi %sign3A_3, %sign3A_6 : i32
    %sign3A_8 = arith.constant 0 : i32
    %sign3A_9 = arith.cmpi sgt, %jit3A, %sign3A_8 : i32
    %sign3A_10 = arith.extui %sign3A_9 : i1 to i32
    %sign3A_11 = arith.constant 0 : i32
    %sign3A_12 = arith.cmpi slt, %jit3A, %sign3A_11 : i32
    %sign3A_13 = arith.extui %sign3A_12 : i1 to i32
    %sign3A_14 = arith.subi %sign3A_10, %sign3A_13 : i32
    %ne3A = arith.cmpi ne, %sign3A_7, %sign3A_14 : i32
    %rem3A = arith.remsi %add3A, %jit3A : i32
    %ne3A_15 = arith.constant 0 : i32
    %ne3A_16 = arith.cmpi ne, %rem3A, %ne3A_15 : i32
    %and3A = arith.andi %ne3A, %ne3A_16 : i1
    %sub3A = arith.constant 1 : i32
    %sub3A_17 = arith.subi %div3A, %sub3A : i32
    %select_n3A = arith.select %and3A, %sub3A_17, %div3A : i32
    %jit3A_18 = arith.constant 2 : i32
    %eq3A = arith.constant 0 : i32
    %eq3A_19 = arith.cmpi eq, %jit3A_18, %eq3A : i32
    %jit3A_20 = arith.constant 1 : i32
    %select_n3A_21 = arith.select %eq3A_19, %jit3A_20, %jit3A_18 : i32
    %rem3A_22 = arith.remsi %add3A, %select_n3A_21 : i32
    %ne3A_23 = arith.constant 0 : i32
    %ne3A_24 = arith.cmpi ne, %rem3A_22, %ne3A_23 : i32
    %lt3A = arith.constant 0 : i32
    %lt3A_25 = arith.cmpi slt, %rem3A_22, %lt3A : i32
    %lt3A_26 = arith.constant 0 : i32
    %lt3A_27 = arith.cmpi slt, %select_n3A_21, %lt3A_26 : i32
    %ne3A_28 = arith.xori %lt3A_25, %lt3A_27 : i1
    %and3A_29 = arith.andi %ne3A_28, %ne3A_24 : i1
    %add3A_30 = arith.addi %rem3A_22, %select_n3A_21 : i32
    %select_n3A_31 = arith.select %and3A_29, %add3A_30, %rem3A_22 : i32
    %mul3A_32 = arith.constant 2 : i32
    %mul3A_33 = arith.muli %mul3A_32, %select_n3A_31 : i32
    %dma_start3A = arith.constant 0 : i32
    %dma_start3A_34 = arith.constant 0 : i32
    %dma_start3A_35 = arith.constant 0 : i32
    %dma_start3A_36 = tpu.memref_slice %arg2[%select_n3A, %dma_start3A, %mul3A_33, %dma_start3A_34, %dma_start3A_35] : memref<16x4x4x8x128xi32, #tpu.memory_space<hbm>> -> memref<1x4x2x8x128xi32, #tpu.memory_space<hbm>>
    %dma_start3A_37 = tpu.memref_squeeze %dma_start3A_36 : memref<1x4x2x8x128xi32, #tpu.memory_space<hbm>> -> memref<4x2x8x128xi32, #tpu.memory_space<hbm>>
    %dma_start3A_38 = arith.constant 0 : i32
    %dma_start3A_39 = arith.constant 0 : i32
    %dma_start3A_40 = arith.constant 0 : i32
    %dma_start3A_41 = tpu.memref_slice %arg2[%select_n3A, %dma_start3A_38, %mul3A_33, %dma_start3A_39, %dma_start3A_40] : memref<16x4x4x8x128xi32, #tpu.memory_space<hbm>> -> memref<1x4x2x8x128xi32, #tpu.memory_space<hbm>>
    %dma_start3A_42 = tpu.memref_squeeze %dma_start3A_41 : memref<1x4x2x8x128xi32, #tpu.memory_space<hbm>> -> memref<4x2x8x128xi32, #tpu.memory_space<hbm>>
    tpu.enqueue_dma source(%dma_start3A_42 : memref<4x2x8x128xi32, #tpu.memory_space<hbm>>) target(%arg5 : memref<4x2x8x128xi32, #tpu.memory_space<vmem>>) target_semaphore(%arg9 : memref<!tpu.dma_semaphore, #tpu.memory_space<semaphore_mem>>)
    %mul3A_43 = arith.constant 2 : i32
    %mul3A_44 = arith.muli %mul3A_43, %select_n3A_31 : i32
    %dma_start3A_45 = arith.constant 0 : i32
    %dma_start3A_46 = arith.constant 0 : i32
    %dma_start3A_47 = arith.constant 0 : i32
    %dma_start3A_48 = tpu.memref_slice %arg3[%select_n3A, %dma_start3A_45, %mul3A_44, %dma_start3A_46, %dma_start3A_47] : memref<16x4x4x8x128xf32, #tpu.memory_space<hbm>> -> memref<1x4x2x8x128xf32, #tpu.memory_space<hbm>>
    %dma_start3A_49 = tpu.memref_squeeze %dma_start3A_48 : memref<1x4x2x8x128xf32, #tpu.memory_space<hbm>> -> memref<4x2x8x128xf32, #tpu.memory_space<hbm>>
    %dma_start3A_50 = arith.constant 0 : i32
    %dma_start3A_51 = arith.constant 0 : i32
    %dma_start3A_52 = arith.constant 0 : i32
    %dma_start3A_53 = tpu.memref_slice %arg3[%select_n3A, %dma_start3A_50, %mul3A_44, %dma_start3A_51, %dma_start3A_52] : memref<16x4x4x8x128xf32, #tpu.memory_space<hbm>> -> memref<1x4x2x8x128xf32, #tpu.memory_space<hbm>>
    %dma_start3A_54 = tpu.memref_squeeze %dma_start3A_53 : memref<1x4x2x8x128xf32, #tpu.memory_space<hbm>> -> memref<4x2x8x128xf32, #tpu.memory_space<hbm>>
    tpu.enqueue_dma source(%dma_start3A_54 : memref<4x2x8x128xf32, #tpu.memory_space<hbm>>) target(%arg6 : memref<4x2x8x128xf32, #tpu.memory_space<vmem>>) target_semaphore(%arg9 : memref<!tpu.dma_semaphore, #tpu.memory_space<semaphore_mem>>)
    %parallel_loop3A = arith.constant 0 : i32
    %parallel_loop3A_55 = arith.constant 64 : i32
    %parallel_loop3A_56 = arith.constant 1 : i32
    scf.for %parallel_loop3A_666 = %parallel_loop3A to %parallel_loop3A_55 step %parallel_loop3A_56  : i32 {
      %parallel_loop3A_667 = arith.constant 8 : i32
      %parallel_loop3A_668 = arith.divsi %parallel_loop3A_666, %parallel_loop3A_667 : i32
      %parallel_loop3A_669 = arith.constant 0 : i32
      %parallel_loop3A_670 = arith.cmpi sgt, %parallel_loop3A_666, %parallel_loop3A_669 : i32
      %parallel_loop3A_671 = arith.extui %parallel_loop3A_670 : i1 to i32
      %parallel_loop3A_672 = arith.constant 0 : i32
      %parallel_loop3A_673 = arith.cmpi slt, %parallel_loop3A_666, %parallel_loop3A_672 : i32
      %parallel_loop3A_674 = arith.extui %parallel_loop3A_673 : i1 to i32
      %parallel_loop3A_675 = arith.subi %parallel_loop3A_671, %parallel_loop3A_674 : i32
      %parallel_loop3A_676 = arith.constant 0 : i32
      %parallel_loop3A_677 = arith.cmpi sgt, %parallel_loop3A_667, %parallel_loop3A_676 : i32
      %parallel_loop3A_678 = arith.extui %parallel_loop3A_677 : i1 to i32
      %parallel_loop3A_679 = arith.constant 0 : i32
      %parallel_loop3A_680 = arith.cmpi slt, %parallel_loop3A_667, %parallel_loop3A_679 : i32
      %parallel_loop3A_681 = arith.extui %parallel_loop3A_680 : i1 to i32
      %parallel_loop3A_682 = arith.subi %parallel_loop3A_678, %parallel_loop3A_681 : i32
      %parallel_loop3A_683 = arith.cmpi ne, %parallel_loop3A_675, %parallel_loop3A_682 : i32
      %parallel_loop3A_684 = arith.remsi %parallel_loop3A_666, %parallel_loop3A_667 : i32
      %parallel_loop3A_685 = arith.constant 0 : i32
      %parallel_loop3A_686 = arith.cmpi ne, %parallel_loop3A_684, %parallel_loop3A_685 : i32
      %parallel_loop3A_687 = arith.andi %parallel_loop3A_683, %parallel_loop3A_686 : i1
      %parallel_loop3A_688 = arith.constant 1 : i32
      %parallel_loop3A_689 = arith.subi %parallel_loop3A_668, %parallel_loop3A_688 : i32
      %parallel_loop3A_690 = arith.select %parallel_loop3A_687, %parallel_loop3A_689, %parallel_loop3A_668 : i32
      %parallel_loop3A_691 = arith.constant 8 : i32
      %parallel_loop3A_692 = arith.constant 0 : i32
      %parallel_loop3A_693 = arith.cmpi eq, %parallel_loop3A_691, %parallel_loop3A_692 : i32
      %parallel_loop3A_694 = arith.constant 1 : i32
      %parallel_loop3A_695 = arith.select %parallel_loop3A_693, %parallel_loop3A_694, %parallel_loop3A_691 : i32
      %parallel_loop3A_696 = arith.remsi %parallel_loop3A_666, %parallel_loop3A_695 : i32
      %parallel_loop3A_697 = arith.constant 0 : i32
      %parallel_loop3A_698 = arith.cmpi ne, %parallel_loop3A_696, %parallel_loop3A_697 : i32
      %parallel_loop3A_699 = arith.constant 0 : i32
      %parallel_loop3A_700 = arith.cmpi slt, %parallel_loop3A_696, %parallel_loop3A_699 : i32
      %parallel_loop3A_701 = arith.constant 0 : i32
      %parallel_loop3A_702 = arith.cmpi slt, %parallel_loop3A_695, %parallel_loop3A_701 : i32
      %parallel_loop3A_703 = arith.xori %parallel_loop3A_700, %parallel_loop3A_702 : i1
      %parallel_loop3A_704 = arith.andi %parallel_loop3A_703, %parallel_loop3A_698 : i1
      %parallel_loop3A_705 = arith.addi %parallel_loop3A_696, %parallel_loop3A_695 : i32
      %parallel_loop3A_706 = arith.select %parallel_loop3A_704, %parallel_loop3A_705, %parallel_loop3A_696 : i32
      %parallel_loop3A_707 = arith.constant 0 : i32
      %parallel_loop3A_708 = arith.constant 0 : i32
      %parallel_loop3A_709 = arith.index_cast %parallel_loop3A_707 : i32 to index
      %parallel_loop3A_710 = arith.index_cast %parallel_loop3A_690 : i32 to index
      %parallel_loop3A_711 = arith.index_cast %parallel_loop3A_708 : i32 to index
      %parallel_loop3A_712 = arith.index_cast %parallel_loop3A_706 : i32 to index
      %parallel_loop3A_713 = arith.constant 0 : index
      %parallel_loop3A_714 = tpu.vector_load %arg7[%parallel_loop3A_709, %parallel_loop3A_710, %parallel_loop3A_711, %parallel_loop3A_712, %parallel_loop3A_713] {strides = array<i32>} : memref<2x8x4x8x128xf32, #tpu.memory_space<vmem>>, vector<16xf32>,
      tpu.vector_store %arg7[%parallel_loop3A_709, %parallel_loop3A_710, %parallel_loop3A_711, %parallel_loop3A_712, %parallel_loop3A_713], %broadcast_in_dim3A_1 {strides = array<i32>} : memref<2x8x4x8x128xf32, #tpu.memory_space<vmem>>, vector<16xf32>,
      %parallel_loop3A_715 = arith.constant 0 : i32
      %parallel_loop3A_716 = arith.constant 0 : i32
      %parallel_loop3A_717 = arith.index_cast %parallel_loop3A_715 : i32 to index
      %parallel_loop3A_718 = arith.index_cast %parallel_loop3A_690 : i32 to index
      %parallel_loop3A_719 = arith.index_cast %parallel_loop3A_716 : i32 to index
      %parallel_loop3A_720 = arith.index_cast %parallel_loop3A_706 : i32 to index
      %parallel_loop3A_721 = arith.constant 16 : index
      %parallel_loop3A_722 = tpu.vector_load %arg7[%parallel_loop3A_717, %parallel_loop3A_718, %parallel_loop3A_719, %parallel_loop3A_720, %parallel_loop3A_721] {strides = array<i32>} : memref<2x8x4x8x128xf32, #tpu.memory_space<vmem>>, vector<16xf32>,
      tpu.vector_store %arg7[%parallel_loop3A_717, %parallel_loop3A_718, %parallel_loop3A_719, %parallel_loop3A_720, %parallel_loop3A_721], %broadcast_in_dim3A_1 {strides = array<i32>} : memref<2x8x4x8x128xf32, #tpu.memory_space<vmem>>, vector<16xf32>,
      %parallel_loop3A_723 = arith.constant 0 : i32
      %parallel_loop3A_724 = arith.constant 0 : i32
      %parallel_loop3A_725 = arith.index_cast %parallel_loop3A_723 : i32 to index
      %parallel_loop3A_726 = arith.index_cast %parallel_loop3A_690 : i32 to index
      %parallel_loop3A_727 = arith.index_cast %parallel_loop3A_724 : i32 to index
      %parallel_loop3A_728 = arith.index_cast %parallel_loop3A_706 : i32 to index
      %parallel_loop3A_729 = arith.constant 32 : index
      %parallel_loop3A_730 = tpu.vector_load %arg7[%parallel_loop3A_725, %parallel_loop3A_726, %parallel_loop3A_727, %parallel_loop3A_728, %parallel_loop3A_729] {strides = array<i32>} : memref<2x8x4x8x128xf32, #tpu.memory_space<vmem>>, vector<16xf32>,
      tpu.vector_store %arg7[%parallel_loop3A_725, %parallel_loop3A_726, %parallel_loop3A_727, %parallel_loop3A_728, %parallel_loop3A_729], %broadcast_in_dim3A_1 {strides = array<i32>} : memref<2x8x4x8x128xf32, #tpu.memory_space<vmem>>, vector<16xf32>,
      %parallel_loop3A_731 = arith.constant 0 : i32
      %parallel_loop3A_732 = arith.constant 0 : i32
      %parallel_loop3A_733 = arith.index_cast %parallel_loop3A_731 : i32 to index
      %parallel_loop3A_734 = arith.index_cast %parallel_loop3A_690 : i32 to index
      %parallel_loop3A_735 = arith.index_cast %parallel_loop3A_732 : i32 to index
      %parallel_loop3A_736 = arith.index_cast %parallel_loop3A_706 : i32 to index
      %parallel_loop3A_737 = arith.constant 48 : index
      %parallel_loop3A_738 = tpu.vector_load %arg7[%parallel_loop3A_733, %parallel_loop3A_734, %parallel_loop3A_735, %parallel_loop3A_736, %parallel_loop3A_737] {strides = array<i32>} : memref<2x8x4x8x128xf32, #tpu.memory_space<vmem>>, vector<16xf32>,
      tpu.vector_store %arg7[%parallel_loop3A_733, %parallel_loop3A_734, %parallel_loop3A_735, %parallel_loop3A_736, %parallel_loop3A_737], %broadcast_in_dim3A_1 {strides = array<i32>} : memref<2x8x4x8x128xf32, #tpu.memory_space<vmem>>, vector<16xf32>,
      %parallel_loop3A_739 = arith.constant 0 : i32
      %parallel_loop3A_740 = arith.constant 0 : i32
      %parallel_loop3A_741 = arith.index_cast %parallel_loop3A_739 : i32 to index
      %parallel_loop3A_742 = arith.index_cast %parallel_loop3A_690 : i32 to index
      %parallel_loop3A_743 = arith.index_cast %parallel_loop3A_740 : i32 to index
      %parallel_loop3A_744 = arith.index_cast %parallel_loop3A_706 : i32 to index
      %parallel_loop3A_745 = arith.constant 64 : index
      %parallel_loop3A_746 = tpu.vector_load %arg7[%parallel_loop3A_741, %parallel_loop3A_742, %parallel_loop3A_743, %parallel_loop3A_744, %parallel_loop3A_745] {strides = array<i32>} : memref<2x8x4x8x128xf32, #tpu.memory_space<vmem>>, vector<16xf32>,
      tpu.vector_store %arg7[%parallel_loop3A_741, %parallel_loop3A_742, %parallel_loop3A_743, %parallel_loop3A_744, %parallel_loop3A_745], %broadcast_in_dim3A_1 {strides = array<i32>} : memref<2x8x4x8x128xf32, #tpu.memory_space<vmem>>, vector<16xf32>,
      %parallel_loop3A_747 = arith.constant 0 : i32
      %parallel_loop3A_748 = arith.constant 0 : i32
      %parallel_loop3A_749 = arith.index_cast %parallel_loop3A_747 : i32 to index
      %parallel_loop3A_750 = arith.index_cast %parallel_loop3A_690 : i32 to index
      %parallel_loop3A_751 = arith.index_cast %parallel_loop3A_748 : i32 to index
      %parallel_loop3A_752 = arith.index_cast %parallel_loop3A_706 : i32 to index
      %parallel_loop3A_753 = arith.constant 80 : index
      %parallel_loop3A_754 = tpu.vector_load %arg7[%parallel_loop3A_749, %parallel_loop3A_750, %parallel_loop3A_751, %parallel_loop3A_752, %parallel_loop3A_753] {strides = array<i32>} : memref<2x8x4x8x128xf32, #tpu.memory_space<vmem>>, vector<16xf32>,
      tpu.vector_store %arg7[%parallel_loop3A_749, %parallel_loop3A_750, %parallel_loop3A_751, %parallel_loop3A_752, %parallel_loop3A_753], %broadcast_in_dim3A_1 {strides = array<i32>} : memref<2x8x4x8x128xf32, #tpu.memory_space<vmem>>, vector<16xf32>,
      %parallel_loop3A_755 = arith.constant 0 : i32
      %parallel_loop3A_756 = arith.constant 0 : i32
      %parallel_loop3A_757 = arith.index_cast %parallel_loop3A_755 : i32 to index
      %parallel_loop3A_758 = arith.index_cast %parallel_loop3A_690 : i32 to index
      %parallel_loop3A_759 = arith.index_cast %parallel_loop3A_756 : i32 to index
      %parallel_loop3A_760 = arith.index_cast %parallel_loop3A_706 : i32 to index
      %parallel_loop3A_761 = arith.constant 96 : index
      %parallel_loop3A_762 = tpu.vector_load %arg7[%parallel_loop3A_757, %parallel_loop3A_758, %parallel_loop3A_759, %parallel_loop3A_760, %parallel_loop3A_761] {strides = array<i32>} : memref<2x8x4x8x128xf32, #tpu.memory_space<vmem>>, vector<16xf32>,
      tpu.vector_store %arg7[%parallel_loop3A_757, %parallel_loop3A_758, %parallel_loop3A_759, %parallel_loop3A_760, %parallel_loop3A_761], %broadcast_in_dim3A_1 {strides = array<i32>} : memref<2x8x4x8x128xf32, #tpu.memory_space<vmem>>, vector<16xf32>,
      %parallel_loop3A_763 = arith.constant 0 : i32
      %parallel_loop3A_764 = arith.constant 0 : i32
      %parallel_loop3A_765 = arith.index_cast %parallel_loop3A_763 : i32 to index
      %parallel_loop3A_766 = arith.index_cast %parallel_loop3A_690 : i32 to index
      %parallel_loop3A_767 = arith.index_cast %parallel_loop3A_764 : i32 to index
      %parallel_loop3A_768 = arith.index_cast %parallel_loop3A_706 : i32 to index
      %parallel_loop3A_769 = arith.constant 112 : index
      %parallel_loop3A_770 = tpu.vector_load %arg7[%parallel_loop3A_765, %parallel_loop3A_766, %parallel_loop3A_767, %parallel_loop3A_768, %parallel_loop3A_769] {strides = array<i32>} : memref<2x8x4x8x128xf32, #tpu.memory_space<vmem>>, vector<16xf32>,
      tpu.vector_store %arg7[%parallel_loop3A_765, %parallel_loop3A_766, %parallel_loop3A_767, %parallel_loop3A_768, %parallel_loop3A_769], %broadcast_in_dim3A_1 {strides = array<i32>} : memref<2x8x4x8x128xf32, #tpu.memory_space<vmem>>, vector<16xf32>,
      %parallel_loop3A_771 = arith.constant 0 : i32
      %parallel_loop3A_772 = arith.constant 1 : i32
      %parallel_loop3A_773 = arith.index_cast %parallel_loop3A_771 : i32 to index
      %parallel_loop3A_774 = arith.index_cast %parallel_loop3A_690 : i32 to index
      %parallel_loop3A_775 = arith.index_cast %parallel_loop3A_772 : i32 to index
      %parallel_loop3A_776 = arith.index_cast %parallel_loop3A_706 : i32 to index
      %parallel_loop3A_777 = arith.constant 0 : index
      %parallel_loop3A_778 = tpu.vector_load %arg7[%parallel_loop3A_773, %parallel_loop3A_774, %parallel_loop3A_775, %parallel_loop3A_776, %parallel_loop3A_777] {strides = array<i32>} : memref<2x8x4x8x128xf32, #tpu.memory_space<vmem>>, vector<16xf32>,
      tpu.vector_store %arg7[%parallel_loop3A_773, %parallel_loop3A_774, %parallel_loop3A_775, %parallel_loop3A_776, %parallel_loop3A_777], %broadcast_in_dim3A_1 {strides = array<i32>} : memref<2x8x4x8x128xf32, #tpu.memory_space<vmem>>, vector<16xf32>,
      %parallel_loop3A_779 = arith.constant 0 : i32
      %parallel_loop3A_780 = arith.constant 1 : i32
      %parallel_loop3A_781 = arith.index_cast %parallel_loop3A_779 : i32 to index
      %parallel_loop3A_782 = arith.index_cast %parallel_loop3A_690 : i32 to index
      %parallel_loop3A_783 = arith.index_cast %parallel_loop3A_780 : i32 to index
      %parallel_loop3A_784 = arith.index_cast %parallel_loop3A_706 : i32 to index
      %parallel_loop3A_785 = arith.constant 16 : index
      %parallel_loop3A_786 = tpu.vector_load %arg7[%parallel_loop3A_781, %parallel_loop3A_782, %parallel_loop3A_783, %parallel_loop3A_784, %parallel_loop3A_785] {strides = array<i32>} : memref<2x8x4x8x128xf32, #tpu.memory_space<vmem>>, vector<16xf32>,
      tpu.vector_store %arg7[%parallel_loop3A_781, %parallel_loop3A_782, %parallel_loop3A_783, %parallel_loop3A_784, %parallel_loop3A_785], %broadcast_in_dim3A_1 {strides = array<i32>} : memref<2x8x4x8x128xf32, #tpu.memory_space<vmem>>, vector<16xf32>,
      %parallel_loop3A_787 = arith.constant 0 : i32
      %parallel_loop3A_788 = arith.constant 1 : i32
      %parallel_loop3A_789 = arith.index_cast %parallel_loop3A_787 : i32 to index
      %parallel_loop3A_790 = arith.index_cast %parallel_loop3A_690 : i32 to index
      %parallel_loop3A_791 = arith.index_cast %parallel_loop3A_788 : i32 to index
      %parallel_loop3A_792 = arith.index_cast %parallel_loop3A_706 : i32 to index
      %parallel_loop3A_793 = arith.constant 32 : index
      %parallel_loop3A_794 = tpu.vector_load %arg7[%parallel_loop3A_789, %parallel_loop3A_790, %parallel_loop3A_791, %parallel_loop3A_792, %parallel_loop3A_793] {strides = array<i32>} : memref<2x8x4x8x128xf32, #tpu.memory_space<vmem>>, vector<16xf32>,
      tpu.vector_store %arg7[%parallel_loop3A_789, %parallel_loop3A_790, %parallel_loop3A_791, %parallel_loop3A_792, %parallel_loop3A_793], %broadcast_in_dim3A_1 {strides = array<i32>} : memref<2x8x4x8x128xf32, #tpu.memory_space<vmem>>, vector<16xf32>,
      %parallel_loop3A_795 = arith.constant 0 : i32
      %parallel_loop3A_796 = arith.constant 1 : i32
      %parallel_loop3A_797 = arith.index_cast %parallel_loop3A_795 : i32 to index
      %parallel_loop3A_798 = arith.index_cast %parallel_loop3A_690 : i32 to index
      %parallel_loop3A_799 = arith.index_cast %parallel_loop3A_796 : i32 to index
      %parallel_loop3A_800 = arith.index_cast %parallel_loop3A_706 : i32 to index
      %parallel_loop3A_801 = arith.constant 48 : index
      %parallel_loop3A_802 = tpu.vector_load %arg7[%parallel_loop3A_797, %parallel_loop3A_798, %parallel_loop3A_799, %parallel_loop3A_800, %parallel_loop3A_801] {strides = array<i32>} : memref<2x8x4x8x128xf32, #tpu.memory_space<vmem>>, vector<16xf32>,
      tpu.vector_store %arg7[%parallel_loop3A_797, %parallel_loop3A_798, %parallel_loop3A_799, %parallel_loop3A_800, %parallel_loop3A_801], %broadcast_in_dim3A_1 {strides = array<i32>} : memref<2x8x4x8x128xf32, #tpu.memory_space<vmem>>, vector<16xf32>,
      %parallel_loop3A_803 = arith.constant 0 : i32
      %parallel_loop3A_804 = arith.constant 1 : i32
      %parallel_loop3A_805 = arith.index_cast %parallel_loop3A_803 : i32 to index
      %parallel_loop3A_806 = arith.index_cast %parallel_loop3A_690 : i32 to index
      %parallel_loop3A_807 = arith.index_cast %parallel_loop3A_804 : i32 to index
      %parallel_loop3A_808 = arith.index_cast %parallel_loop3A_706 : i32 to index
      %parallel_loop3A_809 = arith.constant 64 : index
      %parallel_loop3A_810 = tpu.vector_load %arg7[%parallel_loop3A_805, %parallel_loop3A_806, %parallel_loop3A_807, %parallel_loop3A_808, %parallel_loop3A_809] {strides = array<i32>} : memref<2x8x4x8x128xf32, #tpu.memory_space<vmem>>, vector<16xf32>,
      tpu.vector_store %arg7[%parallel_loop3A_805, %parallel_loop3A_806, %parallel_loop3A_807, %parallel_loop3A_808, %parallel_loop3A_809], %broadcast_in_dim3A_1 {strides = array<i32>} : memref<2x8x4x8x128xf32, #tpu.memory_space<vmem>>, vector<16xf32>,
      %parallel_loop3A_811 = arith.constant 0 : i32
      %parallel_loop3A_812 = arith.constant 1 : i32
      %parallel_loop3A_813 = arith.index_cast %parallel_loop3A_811 : i32 to index
      %parallel_loop3A_814 = arith.index_cast %parallel_loop3A_690 : i32 to index
      %parallel_loop3A_815 = arith.index_cast %parallel_loop3A_812 : i32 to index
      %parallel_loop3A_816 = arith.index_cast %parallel_loop3A_706 : i32 to index
      %parallel_loop3A_817 = arith.constant 80 : index
      %parallel_loop3A_818 = tpu.vector_load %arg7[%parallel_loop3A_813, %parallel_loop3A_814, %parallel_loop3A_815, %parallel_loop3A_816, %parallel_loop3A_817] {strides = array<i32>} : memref<2x8x4x8x128xf32, #tpu.memory_space<vmem>>, vector<16xf32>,
      tpu.vector_store %arg7[%parallel_loop3A_813, %parallel_loop3A_814, %parallel_loop3A_815, %parallel_loop3A_816, %parallel_loop3A_817], %broadcast_in_dim3A_1 {strides = array<i32>} : memref<2x8x4x8x128xf32, #tpu.memory_space<vmem>>, vector<16xf32>,
      %parallel_loop3A_819 = arith.constant 0 : i32
      %parallel_loop3A_820 = arith.constant 1 : i32
      %parallel_loop3A_821 = arith.index_cast %parallel_loop3A_819 : i32 to index
      %parallel_loop3A_822 = arith.index_cast %parallel_loop3A_690 : i32 to index
      %parallel_loop3A_823 = arith.index_cast %parallel_loop3A_820 : i32 to index
      %parallel_loop3A_824 = arith.index_cast %parallel_loop3A_706 : i32 to index
      %parallel_loop3A_825 = arith.constant 96 : index
      %parallel_loop3A_826 = tpu.vector_load %arg7[%parallel_loop3A_821, %parallel_loop3A_822, %parallel_loop3A_823, %parallel_loop3A_824, %parallel_loop3A_825] {strides = array<i32>} : memref<2x8x4x8x128xf32, #tpu.memory_space<vmem>>, vector<16xf32>,
      tpu.vector_store %arg7[%parallel_loop3A_821, %parallel_loop3A_822, %parallel_loop3A_823, %parallel_loop3A_824, %parallel_loop3A_825], %broadcast_in_dim3A_1 {strides = array<i32>} : memref<2x8x4x8x128xf32, #tpu.memory_space<vmem>>, vector<16xf32>,
      %parallel_loop3A_827 = arith.constant 0 : i32
      %parallel_loop3A_828 = arith.constant 1 : i32
      %parallel_loop3A_829 = arith.index_cast %parallel_loop3A_827 : i32 to index
      %parallel_loop3A_830 = arith.index_cast %parallel_loop3A_690 : i32 to index
      %parallel_loop3A_831 = arith.index_cast %parallel_loop3A_828 : i32 to index
      %parallel_loop3A_832 = arith.index_cast %parallel_loop3A_706 : i32 to index
      %parallel_loop3A_833 = arith.constant 112 : index
      %parallel_loop3A_834 = tpu.vector_load %arg7[%parallel_loop3A_829, %parallel_loop3A_830, %parallel_loop3A_831, %parallel_loop3A_832, %parallel_loop3A_833] {strides = array<i32>} : memref<2x8x4x8x128xf32, #tpu.memory_space<vmem>>, vector<16xf32>,
      tpu.vector_store %arg7[%parallel_loop3A_829, %parallel_loop3A_830, %parallel_loop3A_831, %parallel_loop3A_832, %parallel_loop3A_833], %broadcast_in_dim3A_1 {strides = array<i32>} : memref<2x8x4x8x128xf32, #tpu.memory_space<vmem>>, vector<16xf32>,
      %parallel_loop3A_835 = arith.constant 0 : i32
      %parallel_loop3A_836 = arith.constant 2 : i32
      %parallel_loop3A_837 = arith.index_cast %parallel_loop3A_835 : i32 to index
      %parallel_loop3A_838 = arith.index_cast %parallel_loop3A_690 : i32 to index
      %parallel_loop3A_839 = arith.index_cast %parallel_loop3A_836 : i32 to index
      %parallel_loop3A_840 = arith.index_cast %parallel_loop3A_706 : i32 to index
      %parallel_loop3A_841 = arith.constant 0 : index
      %parallel_loop3A_842 = tpu.vector_load %arg7[%parallel_loop3A_837, %parallel_loop3A_838, %parallel_loop3A_839, %parallel_loop3A_840, %parallel_loop3A_841] {strides = array<i32>} : memref<2x8x4x8x128xf32, #tpu.memory_space<vmem>>, vector<16xf32>,
      tpu.vector_store %arg7[%parallel_loop3A_837, %parallel_loop3A_838, %parallel_loop3A_839, %parallel_loop3A_840, %parallel_loop3A_841], %broadcast_in_dim3A_1 {strides = array<i32>} : memref<2x8x4x8x128xf32, #tpu.memory_space<vmem>>, vector<16xf32>,
      %parallel_loop3A_843 = arith.constant 0 : i32
      %parallel_loop3A_844 = arith.constant 2 : i32
      %parallel_loop3A_845 = arith.index_cast %parallel_loop3A_843 : i32 to index
      %parallel_loop3A_846 = arith.index_cast %parallel_loop3A_690 : i32 to index
      %parallel_loop3A_847 = arith.index_cast %parallel_loop3A_844 : i32 to index
      %parallel_loop3A_848 = arith.index_cast %parallel_loop3A_706 : i32 to index
      %parallel_loop3A_849 = arith.constant 16 : index
      %parallel_loop3A_850 = tpu.vector_load %arg7[%parallel_loop3A_845, %parallel_loop3A_846, %parallel_loop3A_847, %parallel_loop3A_848, %parallel_loop3A_849] {strides = array<i32>} : memref<2x8x4x8x128xf32, #tpu.memory_space<vmem>>, vector<16xf32>,
      tpu.vector_store %arg7[%parallel_loop3A_845, %parallel_loop3A_846, %parallel_loop3A_847, %parallel_loop3A_848, %parallel_loop3A_849], %broadcast_in_dim3A_1 {strides = array<i32>} : memref<2x8x4x8x128xf32, #tpu.memory_space<vmem>>, vector<16xf32>,
      %parallel_loop3A_851 = arith.constant 0 : i32
      %parallel_loop3A_852 = arith.constant 2 : i32
      %parallel_loop3A_853 = arith.index_cast %parallel_loop3A_851 : i32 to index
      %parallel_loop3A_854 = arith.index_cast %parallel_loop3A_690 : i32 to index
      %parallel_loop3A_855 = arith.index_cast %parallel_loop3A_852 : i32 to index
      %parallel_loop3A_856 = arith.index_cast %parallel_loop3A_706 : i32 to index
      %parallel_loop3A_857 = arith.constant 32 : index
      %parallel_loop3A_858 = tpu.vector_load %arg7[%parallel_loop3A_853, %parallel_loop3A_854, %parallel_loop3A_855, %parallel_loop3A_856, %parallel_loop3A_857] {strides = array<i32>} : memref<2x8x4x8x128xf32, #tpu.memory_space<vmem>>, vector<16xf32>,
      tpu.vector_store %arg7[%parallel_loop3A_853, %parallel_loop3A_854, %parallel_loop3A_855, %parallel_loop3A_856, %parallel_loop3A_857], %broadcast_in_dim3A_1 {strides = array<i32>} : memref<2x8x4x8x128xf32, #tpu.memory_space<vmem>>, vector<16xf32>,
      %parallel_loop3A_859 = arith.constant 0 : i32
      %parallel_loop3A_860 = arith.constant 2 : i32
      %parallel_loop3A_861 = arith.index_cast %parallel_loop3A_859 : i32 to index
      %parallel_loop3A_862 = arith.index_cast %parallel_loop3A_690 : i32 to index
      %parallel_loop3A_863 = arith.index_cast %parallel_loop3A_860 : i32 to index
      %parallel_loop3A_864 = arith.index_cast %parallel_loop3A_706 : i32 to index
      %parallel_loop3A_865 = arith.constant 48 : index
      %parallel_loop3A_866 = tpu.vector_load %arg7[%parallel_loop3A_861, %parallel_loop3A_862, %parallel_loop3A_863, %parallel_loop3A_864, %parallel_loop3A_865] {strides = array<i32>} : memref<2x8x4x8x128xf32, #tpu.memory_space<vmem>>, vector<16xf32>,
      tpu.vector_store %arg7[%parallel_loop3A_861, %parallel_loop3A_862, %parallel_loop3A_863, %parallel_loop3A_864, %parallel_loop3A_865], %broadcast_in_dim3A_1 {strides = array<i32>} : memref<2x8x4x8x128xf32, #tpu.memory_space<vmem>>, vector<16xf32>,
      %parallel_loop3A_867 = arith.constant 0 : i32
      %parallel_loop3A_868 = arith.constant 2 : i32
      %parallel_loop3A_869 = arith.index_cast %parallel_loop3A_867 : i32 to index
      %parallel_loop3A_870 = arith.index_cast %parallel_loop3A_690 : i32 to index
      %parallel_loop3A_871 = arith.index_cast %parallel_loop3A_868 : i32 to index
      %parallel_loop3A_872 = arith.index_cast %parallel_loop3A_706 : i32 to index
      %parallel_loop3A_873 = arith.constant 64 : index
      %parallel_loop3A_874 = tpu.vector_load %arg7[%parallel_loop3A_869, %parallel_loop3A_870, %parallel_loop3A_871, %parallel_loop3A_872, %parallel_loop3A_873] {strides = array<i32>} : memref<2x8x4x8x128xf32, #tpu.memory_space<vmem>>, vector<16xf32>,
      tpu.vector_store %arg7[%parallel_loop3A_869, %parallel_loop3A_870, %parallel_loop3A_871, %parallel_loop3A_872, %parallel_loop3A_873], %broadcast_in_dim3A_1 {strides = array<i32>} : memref<2x8x4x8x128xf32, #tpu.memory_space<vmem>>, vector<16xf32>,
      %parallel_loop3A_875 = arith.constant 0 : i32
      %parallel_loop3A_876 = arith.constant 2 : i32
      %parallel_loop3A_877 = arith.index_cast %parallel_loop3A_875 : i32 to index
      %parallel_loop3A_878 = arith.index_cast %parallel_loop3A_690 : i32 to index
      %parallel_loop3A_879 = arith.index_cast %parallel_loop3A_876 : i32 to index
      %parallel_loop3A_880 = arith.index_cast %parallel_loop3A_706 : i32 to index
      %parallel_loop3A_881 = arith.constant 80 : index
      %parallel_loop3A_882 = tpu.vector_load %arg7[%parallel_loop3A_877, %parallel_loop3A_878, %parallel_loop3A_879, %parallel_loop3A_880, %parallel_loop3A_881] {strides = array<i32>} : memref<2x8x4x8x128xf32, #tpu.memory_space<vmem>>, vector<16xf32>,
      tpu.vector_store %arg7[%parallel_loop3A_877, %parallel_loop3A_878, %parallel_loop3A_879, %parallel_loop3A_880, %parallel_loop3A_881], %broadcast_in_dim3A_1 {strides = array<i32>} : memref<2x8x4x8x128xf32, #tpu.memory_space<vmem>>, vector<16xf32>,
      %parallel_loop3A_883 = arith.constant 0 : i32
      %parallel_loop3A_884 = arith.constant 2 : i32
      %parallel_loop3A_885 = arith.index_cast %parallel_loop3A_883 : i32 to index
      %parallel_loop3A_886 = arith.index_cast %parallel_loop3A_690 : i32 to index
      %parallel_loop3A_887 = arith.index_cast %parallel_loop3A_884 : i32 to index
      %parallel_loop3A_888 = arith.index_cast %parallel_loop3A_706 : i32 to index
      %parallel_loop3A_889 = arith.constant 96 : index
      %parallel_loop3A_890 = tpu.vector_load %arg7[%parallel_loop3A_885, %parallel_loop3A_886, %parallel_loop3A_887, %parallel_loop3A_888, %parallel_loop3A_889] {strides = array<i32>} : memref<2x8x4x8x128xf32, #tpu.memory_space<vmem>>, vector<16xf32>,
      tpu.vector_store %arg7[%parallel_loop3A_885, %parallel_loop3A_886, %parallel_loop3A_887, %parallel_loop3A_888, %parallel_loop3A_889], %broadcast_in_dim3A_1 {strides = array<i32>} : memref<2x8x4x8x128xf32, #tpu.memory_space<vmem>>, vector<16xf32>,
      %parallel_loop3A_891 = arith.constant 0 : i32
      %parallel_loop3A_892 = arith.constant 2 : i32
      %parallel_loop3A_893 = arith.index_cast %parallel_loop3A_891 : i32 to index
      %parallel_loop3A_894 = arith.index_cast %parallel_loop3A_690 : i32 to index
      %parallel_loop3A_895 = arith.index_cast %parallel_loop3A_892 : i32 to index
      %parallel_loop3A_896 = arith.index_cast %parallel_loop3A_706 : i32 to index
      %parallel_loop3A_897 = arith.constant 112 : index
      %parallel_loop3A_898 = tpu.vector_load %arg7[%parallel_loop3A_893, %parallel_loop3A_894, %parallel_loop3A_895, %parallel_loop3A_896, %parallel_loop3A_897] {strides = array<i32>} : memref<2x8x4x8x128xf32, #tpu.memory_space<vmem>>, vector<16xf32>,
      tpu.vector_store %arg7[%parallel_loop3A_893, %parallel_loop3A_894, %parallel_loop3A_895, %parallel_loop3A_896, %parallel_loop3A_897], %broadcast_in_dim3A_1 {strides = array<i32>} : memref<2x8x4x8x128xf32, #tpu.memory_space<vmem>>, vector<16xf32>,
      %parallel_loop3A_899 = arith.constant 0 : i32
      %parallel_loop3A_900 = arith.constant 3 : i32
      %parallel_loop3A_901 = arith.index_cast %parallel_loop3A_899 : i32 to index
      %parallel_loop3A_902 = arith.index_cast %parallel_loop3A_690 : i32 to index
      %parallel_loop3A_903 = arith.index_cast %parallel_loop3A_900 : i32 to index
      %parallel_loop3A_904 = arith.index_cast %parallel_loop3A_706 : i32 to index
      %parallel_loop3A_905 = arith.constant 0 : index
      %parallel_loop3A_906 = tpu.vector_load %arg7[%parallel_loop3A_901, %parallel_loop3A_902, %parallel_loop3A_903, %parallel_loop3A_904, %parallel_loop3A_905] {strides = array<i32>} : memref<2x8x4x8x128xf32, #tpu.memory_space<vmem>>, vector<16xf32>,
      tpu.vector_store %arg7[%parallel_loop3A_901, %parallel_loop3A_902, %parallel_loop3A_903, %parallel_loop3A_904, %parallel_loop3A_905], %broadcast_in_dim3A_1 {strides = array<i32>} : memref<2x8x4x8x128xf32, #tpu.memory_space<vmem>>, vector<16xf32>,
      %parallel_loop3A_907 = arith.constant 0 : i32
      %parallel_loop3A_908 = arith.constant 3 : i32
      %parallel_loop3A_909 = arith.index_cast %parallel_loop3A_907 : i32 to index
      %parallel_loop3A_910 = arith.index_cast %parallel_loop3A_690 : i32 to index
      %parallel_loop3A_911 = arith.index_cast %parallel_loop3A_908 : i32 to index
      %parallel_loop3A_912 = arith.index_cast %parallel_loop3A_706 : i32 to index
      %parallel_loop3A_913 = arith.constant 16 : index
      %parallel_loop3A_914 = tpu.vector_load %arg7[%parallel_loop3A_909, %parallel_loop3A_910, %parallel_loop3A_911, %parallel_loop3A_912, %parallel_loop3A_913] {strides = array<i32>} : memref<2x8x4x8x128xf32, #tpu.memory_space<vmem>>, vector<16xf32>,
      tpu.vector_store %arg7[%parallel_loop3A_909, %parallel_loop3A_910, %parallel_loop3A_911, %parallel_loop3A_912, %parallel_loop3A_913], %broadcast_in_dim3A_1 {strides = array<i32>} : memref<2x8x4x8x128xf32, #tpu.memory_space<vmem>>, vector<16xf32>,
      %parallel_loop3A_915 = arith.constant 0 : i32
      %parallel_loop3A_916 = arith.constant 3 : i32
      %parallel_loop3A_917 = arith.index_cast %parallel_loop3A_915 : i32 to index
      %parallel_loop3A_918 = arith.index_cast %parallel_loop3A_690 : i32 to index
      %parallel_loop3A_919 = arith.index_cast %parallel_loop3A_916 : i32 to index
      %parallel_loop3A_920 = arith.index_cast %parallel_loop3A_706 : i32 to index
      %parallel_loop3A_921 = arith.constant 32 : index
      %parallel_loop3A_922 = tpu.vector_load %arg7[%parallel_loop3A_917, %parallel_loop3A_918, %parallel_loop3A_919, %parallel_loop3A_920, %parallel_loop3A_921] {strides = array<i32>} : memref<2x8x4x8x128xf32, #tpu.memory_space<vmem>>, vector<16xf32>,
      tpu.vector_store %arg7[%parallel_loop3A_917, %parallel_loop3A_918, %parallel_loop3A_919, %parallel_loop3A_920, %parallel_loop3A_921], %broadcast_in_dim3A_1 {strides = array<i32>} : memref<2x8x4x8x128xf32, #tpu.memory_space<vmem>>, vector<16xf32>,
      %parallel_loop3A_923 = arith.constant 0 : i32
      %parallel_loop3A_924 = arith.constant 3 : i32
      %parallel_loop3A_925 = arith.index_cast %parallel_loop3A_923 : i32 to index
      %parallel_loop3A_926 = arith.index_cast %parallel_loop3A_690 : i32 to index
      %parallel_loop3A_927 = arith.index_cast %parallel_loop3A_924 : i32 to index
      %parallel_loop3A_928 = arith.index_cast %parallel_loop3A_706 : i32 to index
      %parallel_loop3A_929 = arith.constant 48 : index
      %parallel_loop3A_930 = tpu.vector_load %arg7[%parallel_loop3A_925, %parallel_loop3A_926, %parallel_loop3A_927, %parallel_loop3A_928, %parallel_loop3A_929] {strides = array<i32>} : memref<2x8x4x8x128xf32, #tpu.memory_space<vmem>>, vector<16xf32>,
      tpu.vector_store %arg7[%parallel_loop3A_925, %parallel_loop3A_926, %parallel_loop3A_927, %parallel_loop3A_928, %parallel_loop3A_929], %broadcast_in_dim3A_1 {strides = array<i32>} : memref<2x8x4x8x128xf32, #tpu.memory_space<vmem>>, vector<16xf32>,
      %parallel_loop3A_931 = arith.constant 0 : i32
      %parallel_loop3A_932 = arith.constant 3 : i32
      %parallel_loop3A_933 = arith.index_cast %parallel_loop3A_931 : i32 to index
      %parallel_loop3A_934 = arith.index_cast %parallel_loop3A_690 : i32 to index
      %parallel_loop3A_935 = arith.index_cast %parallel_loop3A_932 : i32 to index
      %parallel_loop3A_936 = arith.index_cast %parallel_loop3A_706 : i32 to index
      %parallel_loop3A_937 = arith.constant 64 : index
      %parallel_loop3A_938 = tpu.vector_load %arg7[%parallel_loop3A_933, %parallel_loop3A_934, %parallel_loop3A_935, %parallel_loop3A_936, %parallel_loop3A_937] {strides = array<i32>} : memref<2x8x4x8x128xf32, #tpu.memory_space<vmem>>, vector<16xf32>,
      tpu.vector_store %arg7[%parallel_loop3A_933, %parallel_loop3A_934, %parallel_loop3A_935, %parallel_loop3A_936, %parallel_loop3A_937], %broadcast_in_dim3A_1 {strides = array<i32>} : memref<2x8x4x8x128xf32, #tpu.memory_space<vmem>>, vector<16xf32>,
      %parallel_loop3A_939 = arith.constant 0 : i32
      %parallel_loop3A_940 = arith.constant 3 : i32
      %parallel_loop3A_941 = arith.index_cast %parallel_loop3A_939 : i32 to index
      %parallel_loop3A_942 = arith.index_cast %parallel_loop3A_690 : i32 to index
      %parallel_loop3A_943 = arith.index_cast %parallel_loop3A_940 : i32 to index
      %parallel_loop3A_944 = arith.index_cast %parallel_loop3A_706 : i32 to index
      %parallel_loop3A_945 = arith.constant 80 : index
      %parallel_loop3A_946 = tpu.vector_load %arg7[%parallel_loop3A_941, %parallel_loop3A_942, %parallel_loop3A_943, %parallel_loop3A_944, %parallel_loop3A_945] {strides = array<i32>} : memref<2x8x4x8x128xf32, #tpu.memory_space<vmem>>, vector<16xf32>,
      tpu.vector_store %arg7[%parallel_loop3A_941, %parallel_loop3A_942, %parallel_loop3A_943, %parallel_loop3A_944, %parallel_loop3A_945], %broadcast_in_dim3A_1 {strides = array<i32>} : memref<2x8x4x8x128xf32, #tpu.memory_space<vmem>>, vector<16xf32>,
      %parallel_loop3A_947 = arith.constant 0 : i32
      %parallel_loop3A_948 = arith.constant 3 : i32
      %parallel_loop3A_949 = arith.index_cast %parallel_loop3A_947 : i32 to index
      %parallel_loop3A_950 = arith.index_cast %parallel_loop3A_690 : i32 to index
      %parallel_loop3A_951 = arith.index_cast %parallel_loop3A_948 : i32 to index
      %parallel_loop3A_952 = arith.index_cast %parallel_loop3A_706 : i32 to index
      %parallel_loop3A_953 = arith.constant 96 : index
      %parallel_loop3A_954 = tpu.vector_load %arg7[%parallel_loop3A_949, %parallel_loop3A_950, %parallel_loop3A_951, %parallel_loop3A_952, %parallel_loop3A_953] {strides = array<i32>} : memref<2x8x4x8x128xf32, #tpu.memory_space<vmem>>, vector<16xf32>,
      tpu.vector_store %arg7[%parallel_loop3A_949, %parallel_loop3A_950, %parallel_loop3A_951, %parallel_loop3A_952, %parallel_loop3A_953], %broadcast_in_dim3A_1 {strides = array<i32>} : memref<2x8x4x8x128xf32, #tpu.memory_space<vmem>>, vector<16xf32>,
      %parallel_loop3A_955 = arith.constant 0 : i32
      %parallel_loop3A_956 = arith.constant 3 : i32
      %parallel_loop3A_957 = arith.index_cast %parallel_loop3A_955 : i32 to index
      %parallel_loop3A_958 = arith.index_cast %parallel_loop3A_690 : i32 to index
      %parallel_loop3A_959 = arith.index_cast %parallel_loop3A_956 : i32 to index
      %parallel_loop3A_960 = arith.index_cast %parallel_loop3A_706 : i32 to index
      %parallel_loop3A_961 = arith.constant 112 : index
      %parallel_loop3A_962 = tpu.vector_load %arg7[%parallel_loop3A_957, %parallel_loop3A_958, %parallel_loop3A_959, %parallel_loop3A_960, %parallel_loop3A_961] {strides = array<i32>} : memref<2x8x4x8x128xf32, #tpu.memory_space<vmem>>, vector<16xf32>,
      tpu.vector_store %arg7[%parallel_loop3A_957, %parallel_loop3A_958, %parallel_loop3A_959, %parallel_loop3A_960, %parallel_loop3A_961], %broadcast_in_dim3A_1 {strides = array<i32>} : memref<2x8x4x8x128xf32, #tpu.memory_space<vmem>>, vector<16xf32>,
      %parallel_loop3A_963 = arith.constant 1 : i32
      %parallel_loop3A_964 = arith.constant 0 : i32
      %parallel_loop3A_965 = arith.index_cast %parallel_loop3A_963 : i32 to index
      %parallel_loop3A_966 = arith.index_cast %parallel_loop3A_690 : i32 to index
      %parallel_loop3A_967 = arith.index_cast %parallel_loop3A_964 : i32 to index
      %parallel_loop3A_968 = arith.index_cast %parallel_loop3A_706 : i32 to index
      %parallel_loop3A_969 = arith.constant 0 : index
      %parallel_loop3A_970 = tpu.vector_load %arg7[%parallel_loop3A_965, %parallel_loop3A_966, %parallel_loop3A_967, %parallel_loop3A_968, %parallel_loop3A_969] {strides = array<i32>} : memref<2x8x4x8x128xf32, #tpu.memory_space<vmem>>, vector<16xf32>,
      tpu.vector_store %arg7[%parallel_loop3A_965, %parallel_loop3A_966, %parallel_loop3A_967, %parallel_loop3A_968, %parallel_loop3A_969], %broadcast_in_dim3A_1 {strides = array<i32>} : memref<2x8x4x8x128xf32, #tpu.memory_space<vmem>>, vector<16xf32>,
      %parallel_loop3A_971 = arith.constant 1 : i32
      %parallel_loop3A_972 = arith.constant 0 : i32
      %parallel_loop3A_973 = arith.index_cast %parallel_loop3A_971 : i32 to index
      %parallel_loop3A_974 = arith.index_cast %parallel_loop3A_690 : i32 to index
      %parallel_loop3A_975 = arith.index_cast %parallel_loop3A_972 : i32 to index
      %parallel_loop3A_976 = arith.index_cast %parallel_loop3A_706 : i32 to index
      %parallel_loop3A_977 = arith.constant 16 : index
      %parallel_loop3A_978 = tpu.vector_load %arg7[%parallel_loop3A_973, %parallel_loop3A_974, %parallel_loop3A_975, %parallel_loop3A_976, %parallel_loop3A_977] {strides = array<i32>} : memref<2x8x4x8x128xf32, #tpu.memory_space<vmem>>, vector<16xf32>,
      tpu.vector_store %arg7[%parallel_loop3A_973, %parallel_loop3A_974, %parallel_loop3A_975, %parallel_loop3A_976, %parallel_loop3A_977], %broadcast_in_dim3A_1 {strides = array<i32>} : memref<2x8x4x8x128xf32, #tpu.memory_space<vmem>>, vector<16xf32>,
      %parallel_loop3A_979 = arith.constant 1 : i32
      %parallel_loop3A_980 = arith.constant 0 : i32
      %parallel_loop3A_981 = arith.index_cast %parallel_loop3A_979 : i32 to index
      %parallel_loop3A_982 = arith.index_cast %parallel_loop3A_690 : i32 to index
      %parallel_loop3A_983 = arith.index_cast %parallel_loop3A_980 : i32 to index
      %parallel_loop3A_984 = arith.index_cast %parallel_loop3A_706 : i32 to index
      %parallel_loop3A_985 = arith.constant 32 : index
      %parallel_loop3A_986 = tpu.vector_load %arg7[%parallel_loop3A_981, %parallel_loop3A_982, %parallel_loop3A_983, %parallel_loop3A_984, %parallel_loop3A_985] {strides = array<i32>} : memref<2x8x4x8x128xf32, #tpu.memory_space<vmem>>, vector<16xf32>,
      tpu.vector_store %arg7[%parallel_loop3A_981, %parallel_loop3A_982, %parallel_loop3A_983, %parallel_loop3A_984, %parallel_loop3A_985], %broadcast_in_dim3A_1 {strides = array<i32>} : memref<2x8x4x8x128xf32, #tpu.memory_space<vmem>>, vector<16xf32>,
      %parallel_loop3A_987 = arith.constant 1 : i32
      %parallel_loop3A_988 = arith.constant 0 : i32
      %parallel_loop3A_989 = arith.index_cast %parallel_loop3A_987 : i32 to index
      %parallel_loop3A_990 = arith.index_cast %parallel_loop3A_690 : i32 to index
      %parallel_loop3A_991 = arith.index_cast %parallel_loop3A_988 : i32 to index
      %parallel_loop3A_992 = arith.index_cast %parallel_loop3A_706 : i32 to index
      %parallel_loop3A_993 = arith.constant 48 : index
      %parallel_loop3A_994 = tpu.vector_load %arg7[%parallel_loop3A_989, %parallel_loop3A_990, %parallel_loop3A_991, %parallel_loop3A_992, %parallel_loop3A_993] {strides = array<i32>} : memref<2x8x4x8x128xf32, #tpu.memory_space<vmem>>, vector<16xf32>,
      tpu.vector_store %arg7[%parallel_loop3A_989, %parallel_loop3A_990, %parallel_loop3A_991, %parallel_loop3A_992, %parallel_loop3A_993], %broadcast_in_dim3A_1 {strides = array<i32>} : memref<2x8x4x8x128xf32, #tpu.memory_space<vmem>>, vector<16xf32>,
      %parallel_loop3A_995 = arith.constant 1 : i32
      %parallel_loop3A_996 = arith.constant 0 : i32
      %parallel_loop3A_997 = arith.index_cast %parallel_loop3A_995 : i32 to index
      %parallel_loop3A_998 = arith.index_cast %parallel_loop3A_690 : i32 to index
      %parallel_loop3A_999 = arith.index_cast %parallel_loop3A_996 : i32 to index
      %parallel_loop3A_1000 = arith.index_cast %parallel_loop3A_706 : i32 to index
      %parallel_loop3A_1001 = arith.constant 64 : index
      %parallel_loop3A_1002 = tpu.vector_load %arg7[%parallel_loop3A_997, %parallel_loop3A_998, %parallel_loop3A_999, %parallel_loop3A_1000, %parallel_loop3A_1001] {strides = array<i32>} : memref<2x8x4x8x128xf32, #tpu.memory_space<vmem>>, vector<16xf32>,
      tpu.vector_store %arg7[%parallel_loop3A_997, %parallel_loop3A_998, %parallel_loop3A_999, %parallel_loop3A_1000, %parallel_loop3A_1001], %broadcast_in_dim3A_1 {strides = array<i32>} : memref<2x8x4x8x128xf32, #tpu.memory_space<vmem>>, vector<16xf32>,
      %parallel_loop3A_1003 = arith.constant 1 : i32
      %parallel_loop3A_1004 = arith.constant 0 : i32
      %parallel_loop3A_1005 = arith.index_cast %parallel_loop3A_1003 : i32 to index
      %parallel_loop3A_1006 = arith.index_cast %parallel_loop3A_690 : i32 to index
      %parallel_loop3A_1007 = arith.index_cast %parallel_loop3A_1004 : i32 to index
      %parallel_loop3A_1008 = arith.index_cast %parallel_loop3A_706 : i32 to index
      %parallel_loop3A_1009 = arith.constant 80 : index
      %parallel_loop3A_1010 = tpu.vector_load %arg7[%parallel_loop3A_1005, %parallel_loop3A_1006, %parallel_loop3A_1007, %parallel_loop3A_1008, %parallel_loop3A_1009] {strides = array<i32>} : memref<2x8x4x8x128xf32, #tpu.memory_space<vmem>>, vector<16xf32>,
      tpu.vector_store %arg7[%parallel_loop3A_1005, %parallel_loop3A_1006, %parallel_loop3A_1007, %parallel_loop3A_1008, %parallel_loop3A_1009], %broadcast_in_dim3A_1 {strides = array<i32>} : memref<2x8x4x8x128xf32, #tpu.memory_space<vmem>>, vector<16xf32>,
      %parallel_loop3A_1011 = arith.constant 1 : i32
      %parallel_loop3A_1012 = arith.constant 0 : i32
      %parallel_loop3A_1013 = arith.index_cast %parallel_loop3A_1011 : i32 to index
      %parallel_loop3A_1014 = arith.index_cast %parallel_loop3A_690 : i32 to index
      %parallel_loop3A_1015 = arith.index_cast %parallel_loop3A_1012 : i32 to index
      %parallel_loop3A_1016 = arith.index_cast %parallel_loop3A_706 : i32 to index
      %parallel_loop3A_1017 = arith.constant 96 : index
      %parallel_loop3A_1018 = tpu.vector_load %arg7[%parallel_loop3A_1013, %parallel_loop3A_1014, %parallel_loop3A_1015, %parallel_loop3A_1016, %parallel_loop3A_1017] {strides = array<i32>} : memref<2x8x4x8x128xf32, #tpu.memory_space<vmem>>, vector<16xf32>,
      tpu.vector_store %arg7[%parallel_loop3A_1013, %parallel_loop3A_1014, %parallel_loop3A_1015, %parallel_loop3A_1016, %parallel_loop3A_1017], %broadcast_in_dim3A_1 {strides = array<i32>} : memref<2x8x4x8x128xf32, #tpu.memory_space<vmem>>, vector<16xf32>,
      %parallel_loop3A_1019 = arith.constant 1 : i32
      %parallel_loop3A_1020 = arith.constant 0 : i32
      %parallel_loop3A_1021 = arith.index_cast %parallel_loop3A_1019 : i32 to index
      %parallel_loop3A_1022 = arith.index_cast %parallel_loop3A_690 : i32 to index
      %parallel_loop3A_1023 = arith.index_cast %parallel_loop3A_1020 : i32 to index
      %parallel_loop3A_1024 = arith.index_cast %parallel_loop3A_706 : i32 to index
      %parallel_loop3A_1025 = arith.constant 112 : index
      %parallel_loop3A_1026 = tpu.vector_load %arg7[%parallel_loop3A_1021, %parallel_loop3A_1022, %parallel_loop3A_1023, %parallel_loop3A_1024, %parallel_loop3A_1025] {strides = array<i32>} : memref<2x8x4x8x128xf32, #tpu.memory_space<vmem>>, vector<16xf32>,
      tpu.vector_store %arg7[%parallel_loop3A_1021, %parallel_loop3A_1022, %parallel_loop3A_1023, %parallel_loop3A_1024, %parallel_loop3A_1025], %broadcast_in_dim3A_1 {strides = array<i32>} : memref<2x8x4x8x128xf32, #tpu.memory_space<vmem>>, vector<16xf32>,
      %parallel_loop3A_1027 = arith.constant 1 : i32
      %parallel_loop3A_1028 = arith.constant 1 : i32
      %parallel_loop3A_1029 = arith.index_cast %parallel_loop3A_1027 : i32 to index
      %parallel_loop3A_1030 = arith.index_cast %parallel_loop3A_690 : i32 to index
      %parallel_loop3A_1031 = arith.index_cast %parallel_loop3A_1028 : i32 to index
      %parallel_loop3A_1032 = arith.index_cast %parallel_loop3A_706 : i32 to index
      %parallel_loop3A_1033 = arith.constant 0 : index
      %parallel_loop3A_1034 = tpu.vector_load %arg7[%parallel_loop3A_1029, %parallel_loop3A_1030, %parallel_loop3A_1031, %parallel_loop3A_1032, %parallel_loop3A_1033] {strides = array<i32>} : memref<2x8x4x8x128xf32, #tpu.memory_space<vmem>>, vector<16xf32>,
      tpu.vector_store %arg7[%parallel_loop3A_1029, %parallel_loop3A_1030, %parallel_loop3A_1031, %parallel_loop3A_1032, %parallel_loop3A_1033], %broadcast_in_dim3A_1 {strides = array<i32>} : memref<2x8x4x8x128xf32, #tpu.memory_space<vmem>>, vector<16xf32>,
      %parallel_loop3A_1035 = arith.constant 1 : i32
      %parallel_loop3A_1036 = arith.constant 1 : i32
      %parallel_loop3A_1037 = arith.index_cast %parallel_loop3A_1035 : i32 to index
      %parallel_loop3A_1038 = arith.index_cast %parallel_loop3A_690 : i32 to index
      %parallel_loop3A_1039 = arith.index_cast %parallel_loop3A_1036 : i32 to index
      %parallel_loop3A_1040 = arith.index_cast %parallel_loop3A_706 : i32 to index
      %parallel_loop3A_1041 = arith.constant 16 : index
      %parallel_loop3A_1042 = tpu.vector_load %arg7[%parallel_loop3A_1037, %parallel_loop3A_1038, %parallel_loop3A_1039, %parallel_loop3A_1040, %parallel_loop3A_1041] {strides = array<i32>} : memref<2x8x4x8x128xf32, #tpu.memory_space<vmem>>, vector<16xf32>,
      tpu.vector_store %arg7[%parallel_loop3A_1037, %parallel_loop3A_1038, %parallel_loop3A_1039, %parallel_loop3A_1040, %parallel_loop3A_1041], %broadcast_in_dim3A_1 {strides = array<i32>} : memref<2x8x4x8x128xf32, #tpu.memory_space<vmem>>, vector<16xf32>,
      %parallel_loop3A_1043 = arith.constant 1 : i32
      %parallel_loop3A_1044 = arith.constant 1 : i32
      %parallel_loop3A_1045 = arith.index_cast %parallel_loop3A_1043 : i32 to index
      %parallel_loop3A_1046 = arith.index_cast %parallel_loop3A_690 : i32 to index
      %parallel_loop3A_1047 = arith.index_cast %parallel_loop3A_1044 : i32 to index
      %parallel_loop3A_1048 = arith.index_cast %parallel_loop3A_706 : i32 to index
      %parallel_loop3A_1049 = arith.constant 32 : index
      %parallel_loop3A_1050 = tpu.vector_load %arg7[%parallel_loop3A_1045, %parallel_loop3A_1046, %parallel_loop3A_1047, %parallel_loop3A_1048, %parallel_loop3A_1049] {strides = array<i32>} : memref<2x8x4x8x128xf32, #tpu.memory_space<vmem>>, vector<16xf32>,
      tpu.vector_store %arg7[%parallel_loop3A_1045, %parallel_loop3A_1046, %parallel_loop3A_1047, %parallel_loop3A_1048, %parallel_loop3A_1049], %broadcast_in_dim3A_1 {strides = array<i32>} : memref<2x8x4x8x128xf32, #tpu.memory_space<vmem>>, vector<16xf32>,
      %parallel_loop3A_1051 = arith.constant 1 : i32
      %parallel_loop3A_1052 = arith.constant 1 : i32
      %parallel_loop3A_1053 = arith.index_cast %parallel_loop3A_1051 : i32 to index
      %parallel_loop3A_1054 = arith.index_cast %parallel_loop3A_690 : i32 to index
      %parallel_loop3A_1055 = arith.index_cast %parallel_loop3A_1052 : i32 to index
      %parallel_loop3A_1056 = arith.index_cast %parallel_loop3A_706 : i32 to index
      %parallel_loop3A_1057 = arith.constant 48 : index
      %parallel_loop3A_1058 = tpu.vector_load %arg7[%parallel_loop3A_1053, %parallel_loop3A_1054, %parallel_loop3A_1055, %parallel_loop3A_1056, %parallel_loop3A_1057] {strides = array<i32>} : memref<2x8x4x8x128xf32, #tpu.memory_space<vmem>>, vector<16xf32>,
      tpu.vector_store %arg7[%parallel_loop3A_1053, %parallel_loop3A_1054, %parallel_loop3A_1055, %parallel_loop3A_1056, %parallel_loop3A_1057], %broadcast_in_dim3A_1 {strides = array<i32>} : memref<2x8x4x8x128xf32, #tpu.memory_space<vmem>>, vector<16xf32>,
      %parallel_loop3A_1059 = arith.constant 1 : i32
      %parallel_loop3A_1060 = arith.constant 1 : i32
      %parallel_loop3A_1061 = arith.index_cast %parallel_loop3A_1059 : i32 to index
      %parallel_loop3A_1062 = arith.index_cast %parallel_loop3A_690 : i32 to index
      %parallel_loop3A_1063 = arith.index_cast %parallel_loop3A_1060 : i32 to index
      %parallel_loop3A_1064 = arith.index_cast %parallel_loop3A_706 : i32 to index
      %parallel_loop3A_1065 = arith.constant 64 : index
      %parallel_loop3A_1066 = tpu.vector_load %arg7[%parallel_loop3A_1061, %parallel_loop3A_1062, %parallel_loop3A_1063, %parallel_loop3A_1064, %parallel_loop3A_1065] {strides = array<i32>} : memref<2x8x4x8x128xf32, #tpu.memory_space<vmem>>, vector<16xf32>,
      tpu.vector_store %arg7[%parallel_loop3A_1061, %parallel_loop3A_1062, %parallel_loop3A_1063, %parallel_loop3A_1064, %parallel_loop3A_1065], %broadcast_in_dim3A_1 {strides = array<i32>} : memref<2x8x4x8x128xf32, #tpu.memory_space<vmem>>, vector<16xf32>,
      %parallel_loop3A_1067 = arith.constant 1 : i32
      %parallel_loop3A_1068 = arith.constant 1 : i32
      %parallel_loop3A_1069 = arith.index_cast %parallel_loop3A_1067 : i32 to index
      %parallel_loop3A_1070 = arith.index_cast %parallel_loop3A_690 : i32 to index
      %parallel_loop3A_1071 = arith.index_cast %parallel_loop3A_1068 : i32 to index
      %parallel_loop3A_1072 = arith.index_cast %parallel_loop3A_706 : i32 to index
      %parallel_loop3A_1073 = arith.constant 80 : index
      %parallel_loop3A_1074 = tpu.vector_load %arg7[%parallel_loop3A_1069, %parallel_loop3A_1070, %parallel_loop3A_1071, %parallel_loop3A_1072, %parallel_loop3A_1073] {strides = array<i32>} : memref<2x8x4x8x128xf32, #tpu.memory_space<vmem>>, vector<16xf32>,
      tpu.vector_store %arg7[%parallel_loop3A_1069, %parallel_loop3A_1070, %parallel_loop3A_1071, %parallel_loop3A_1072, %parallel_loop3A_1073], %broadcast_in_dim3A_1 {strides = array<i32>} : memref<2x8x4x8x128xf32, #tpu.memory_space<vmem>>, vector<16xf32>,
      %parallel_loop3A_1075 = arith.constant 1 : i32
      %parallel_loop3A_1076 = arith.constant 1 : i32
      %parallel_loop3A_1077 = arith.index_cast %parallel_loop3A_1075 : i32 to index
      %parallel_loop3A_1078 = arith.index_cast %parallel_loop3A_690 : i32 to index
      %parallel_loop3A_1079 = arith.index_cast %parallel_loop3A_1076 : i32 to index
      %parallel_loop3A_1080 = arith.index_cast %parallel_loop3A_706 : i32 to index
      %parallel_loop3A_1081 = arith.constant 96 : index
      %parallel_loop3A_1082 = tpu.vector_load %arg7[%parallel_loop3A_1077, %parallel_loop3A_1078, %parallel_loop3A_1079, %parallel_loop3A_1080, %parallel_loop3A_1081] {strides = array<i32>} : memref<2x8x4x8x128xf32, #tpu.memory_space<vmem>>, vector<16xf32>,
      tpu.vector_store %arg7[%parallel_loop3A_1077, %parallel_loop3A_1078, %parallel_loop3A_1079, %parallel_loop3A_1080, %parallel_loop3A_1081], %broadcast_in_dim3A_1 {strides = array<i32>} : memref<2x8x4x8x128xf32, #tpu.memory_space<vmem>>, vector<16xf32>,
      %parallel_loop3A_1083 = arith.constant 1 : i32
      %parallel_loop3A_1084 = arith.constant 1 : i32
      %parallel_loop3A_1085 = arith.index_cast %parallel_loop3A_1083 : i32 to index
      %parallel_loop3A_1086 = arith.index_cast %parallel_loop3A_690 : i32 to index
      %parallel_loop3A_1087 = arith.index_cast %parallel_loop3A_1084 : i32 to index
      %parallel_loop3A_1088 = arith.index_cast %parallel_loop3A_706 : i32 to index
      %parallel_loop3A_1089 = arith.constant 112 : index
      %parallel_loop3A_1090 = tpu.vector_load %arg7[%parallel_loop3A_1085, %parallel_loop3A_1086, %parallel_loop3A_1087, %parallel_loop3A_1088, %parallel_loop3A_1089] {strides = array<i32>} : memref<2x8x4x8x128xf32, #tpu.memory_space<vmem>>, vector<16xf32>,
      tpu.vector_store %arg7[%parallel_loop3A_1085, %parallel_loop3A_1086, %parallel_loop3A_1087, %parallel_loop3A_1088, %parallel_loop3A_1089], %broadcast_in_dim3A_1 {strides = array<i32>} : memref<2x8x4x8x128xf32, #tpu.memory_space<vmem>>, vector<16xf32>,
      %parallel_loop3A_1091 = arith.constant 1 : i32
      %parallel_loop3A_1092 = arith.constant 2 : i32
      %parallel_loop3A_1093 = arith.index_cast %parallel_loop3A_1091 : i32 to index
      %parallel_loop3A_1094 = arith.index_cast %parallel_loop3A_690 : i32 to index
      %parallel_loop3A_1095 = arith.index_cast %parallel_loop3A_1092 : i32 to index
      %parallel_loop3A_1096 = arith.index_cast %parallel_loop3A_706 : i32 to index
      %parallel_loop3A_1097 = arith.constant 0 : index
      %parallel_loop3A_1098 = tpu.vector_load %arg7[%parallel_loop3A_1093, %parallel_loop3A_1094, %parallel_loop3A_1095, %parallel_loop3A_1096, %parallel_loop3A_1097] {strides = array<i32>} : memref<2x8x4x8x128xf32, #tpu.memory_space<vmem>>, vector<16xf32>,
      tpu.vector_store %arg7[%parallel_loop3A_1093, %parallel_loop3A_1094, %parallel_loop3A_1095, %parallel_loop3A_1096, %parallel_loop3A_1097], %broadcast_in_dim3A_1 {strides = array<i32>} : memref<2x8x4x8x128xf32, #tpu.memory_space<vmem>>, vector<16xf32>,
      %parallel_loop3A_1099 = arith.constant 1 : i32
      %parallel_loop3A_1100 = arith.constant 2 : i32
      %parallel_loop3A_1101 = arith.index_cast %parallel_loop3A_1099 : i32 to index
      %parallel_loop3A_1102 = arith.index_cast %parallel_loop3A_690 : i32 to index
      %parallel_loop3A_1103 = arith.index_cast %parallel_loop3A_1100 : i32 to index
      %parallel_loop3A_1104 = arith.index_cast %parallel_loop3A_706 : i32 to index
      %parallel_loop3A_1105 = arith.constant 16 : index
      %parallel_loop3A_1106 = tpu.vector_load %arg7[%parallel_loop3A_1101, %parallel_loop3A_1102, %parallel_loop3A_1103, %parallel_loop3A_1104, %parallel_loop3A_1105] {strides = array<i32>} : memref<2x8x4x8x128xf32, #tpu.memory_space<vmem>>, vector<16xf32>,
      tpu.vector_store %arg7[%parallel_loop3A_1101, %parallel_loop3A_1102, %parallel_loop3A_1103, %parallel_loop3A_1104, %parallel_loop3A_1105], %broadcast_in_dim3A_1 {strides = array<i32>} : memref<2x8x4x8x128xf32, #tpu.memory_space<vmem>>, vector<16xf32>,
      %parallel_loop3A_1107 = arith.constant 1 : i32
      %parallel_loop3A_1108 = arith.constant 2 : i32
      %parallel_loop3A_1109 = arith.index_cast %parallel_loop3A_1107 : i32 to index
      %parallel_loop3A_1110 = arith.index_cast %parallel_loop3A_690 : i32 to index
      %parallel_loop3A_1111 = arith.index_cast %parallel_loop3A_1108 : i32 to index
      %parallel_loop3A_1112 = arith.index_cast %parallel_loop3A_706 : i32 to index
      %parallel_loop3A_1113 = arith.constant 32 : index
      %parallel_loop3A_1114 = tpu.vector_load %arg7[%parallel_loop3A_1109, %parallel_loop3A_1110, %parallel_loop3A_1111, %parallel_loop3A_1112, %parallel_loop3A_1113] {strides = array<i32>} : memref<2x8x4x8x128xf32, #tpu.memory_space<vmem>>, vector<16xf32>,
      tpu.vector_store %arg7[%parallel_loop3A_1109, %parallel_loop3A_1110, %parallel_loop3A_1111, %parallel_loop3A_1112, %parallel_loop3A_1113], %broadcast_in_dim3A_1 {strides = array<i32>} : memref<2x8x4x8x128xf32, #tpu.memory_space<vmem>>, vector<16xf32>,
      %parallel_loop3A_1115 = arith.constant 1 : i32
      %parallel_loop3A_1116 = arith.constant 2 : i32
      %parallel_loop3A_1117 = arith.index_cast %parallel_loop3A_1115 : i32 to index
      %parallel_loop3A_1118 = arith.index_cast %parallel_loop3A_690 : i32 to index
      %parallel_loop3A_1119 = arith.index_cast %parallel_loop3A_1116 : i32 to index
      %parallel_loop3A_1120 = arith.index_cast %parallel_loop3A_706 : i32 to index
      %parallel_loop3A_1121 = arith.constant 48 : index
      %parallel_loop3A_1122 = tpu.vector_load %arg7[%parallel_loop3A_1117, %parallel_loop3A_1118, %parallel_loop3A_1119, %parallel_loop3A_1120, %parallel_loop3A_1121] {strides = array<i32>} : memref<2x8x4x8x128xf32, #tpu.memory_space<vmem>>, vector<16xf32>,
      tpu.vector_store %arg7[%parallel_loop3A_1117, %parallel_loop3A_1118, %parallel_loop3A_1119, %parallel_loop3A_1120, %parallel_loop3A_1121], %broadcast_in_dim3A_1 {strides = array<i32>} : memref<2x8x4x8x128xf32, #tpu.memory_space<vmem>>, vector<16xf32>,
      %parallel_loop3A_1123 = arith.constant 1 : i32
      %parallel_loop3A_1124 = arith.constant 2 : i32
      %parallel_loop3A_1125 = arith.index_cast %parallel_loop3A_1123 : i32 to index
      %parallel_loop3A_1126 = arith.index_cast %parallel_loop3A_690 : i32 to index
      %parallel_loop3A_1127 = arith.index_cast %parallel_loop3A_1124 : i32 to index
      %parallel_loop3A_1128 = arith.index_cast %parallel_loop3A_706 : i32 to index
      %parallel_loop3A_1129 = arith.constant 64 : index
      %parallel_loop3A_1130 = tpu.vector_load %arg7[%parallel_loop3A_1125, %parallel_loop3A_1126, %parallel_loop3A_1127, %parallel_loop3A_1128, %parallel_loop3A_1129] {strides = array<i32>} : memref<2x8x4x8x128xf32, #tpu.memory_space<vmem>>, vector<16xf32>,
      tpu.vector_store %arg7[%parallel_loop3A_1125, %parallel_loop3A_1126, %parallel_loop3A_1127, %parallel_loop3A_1128, %parallel_loop3A_1129], %broadcast_in_dim3A_1 {strides = array<i32>} : memref<2x8x4x8x128xf32, #tpu.memory_space<vmem>>, vector<16xf32>,
      %parallel_loop3A_1131 = arith.constant 1 : i32
      %parallel_loop3A_1132 = arith.constant 2 : i32
      %parallel_loop3A_1133 = arith.index_cast %parallel_loop3A_1131 : i32 to index
      %parallel_loop3A_1134 = arith.index_cast %parallel_loop3A_690 : i32 to index
      %parallel_loop3A_1135 = arith.index_cast %parallel_loop3A_1132 : i32 to index
      %parallel_loop3A_1136 = arith.index_cast %parallel_loop3A_706 : i32 to index
      %parallel_loop3A_1137 = arith.constant 80 : index
      %parallel_loop3A_1138 = tpu.vector_load %arg7[%parallel_loop3A_1133, %parallel_loop3A_1134, %parallel_loop3A_1135, %parallel_loop3A_1136, %parallel_loop3A_1137] {strides = array<i32>} : memref<2x8x4x8x128xf32, #tpu.memory_space<vmem>>, vector<16xf32>,
      tpu.vector_store %arg7[%parallel_loop3A_1133, %parallel_loop3A_1134, %parallel_loop3A_1135, %parallel_loop3A_1136, %parallel_loop3A_1137], %broadcast_in_dim3A_1 {strides = array<i32>} : memref<2x8x4x8x128xf32, #tpu.memory_space<vmem>>, vector<16xf32>,
      %parallel_loop3A_1139 = arith.constant 1 : i32
      %parallel_loop3A_1140 = arith.constant 2 : i32
      %parallel_loop3A_1141 = arith.index_cast %parallel_loop3A_1139 : i32 to index
      %parallel_loop3A_1142 = arith.index_cast %parallel_loop3A_690 : i32 to index
      %parallel_loop3A_1143 = arith.index_cast %parallel_loop3A_1140 : i32 to index
      %parallel_loop3A_1144 = arith.index_cast %parallel_loop3A_706 : i32 to index
      %parallel_loop3A_1145 = arith.constant 96 : index
      %parallel_loop3A_1146 = tpu.vector_load %arg7[%parallel_loop3A_1141, %parallel_loop3A_1142, %parallel_loop3A_1143, %parallel_loop3A_1144, %parallel_loop3A_1145] {strides = array<i32>} : memref<2x8x4x8x128xf32, #tpu.memory_space<vmem>>, vector<16xf32>,
      tpu.vector_store %arg7[%parallel_loop3A_1141, %parallel_loop3A_1142, %parallel_loop3A_1143, %parallel_loop3A_1144, %parallel_loop3A_1145], %broadcast_in_dim3A_1 {strides = array<i32>} : memref<2x8x4x8x128xf32, #tpu.memory_space<vmem>>, vector<16xf32>,
      %parallel_loop3A_1147 = arith.constant 1 : i32
      %parallel_loop3A_1148 = arith.constant 2 : i32
      %parallel_loop3A_1149 = arith.index_cast %parallel_loop3A_1147 : i32 to index
      %parallel_loop3A_1150 = arith.index_cast %parallel_loop3A_690 : i32 to index
      %parallel_loop3A_1151 = arith.index_cast %parallel_loop3A_1148 : i32 to index
      %parallel_loop3A_1152 = arith.index_cast %parallel_loop3A_706 : i32 to index
      %parallel_loop3A_1153 = arith.constant 112 : index
      %parallel_loop3A_1154 = tpu.vector_load %arg7[%parallel_loop3A_1149, %parallel_loop3A_1150, %parallel_loop3A_1151, %parallel_loop3A_1152, %parallel_loop3A_1153] {strides = array<i32>} : memref<2x8x4x8x128xf32, #tpu.memory_space<vmem>>, vector<16xf32>,
      tpu.vector_store %arg7[%parallel_loop3A_1149, %parallel_loop3A_1150, %parallel_loop3A_1151, %parallel_loop3A_1152, %parallel_loop3A_1153], %broadcast_in_dim3A_1 {strides = array<i32>} : memref<2x8x4x8x128xf32, #tpu.memory_space<vmem>>, vector<16xf32>,
      %parallel_loop3A_1155 = arith.constant 1 : i32
      %parallel_loop3A_1156 = arith.constant 3 : i32
      %parallel_loop3A_1157 = arith.index_cast %parallel_loop3A_1155 : i32 to index
      %parallel_loop3A_1158 = arith.index_cast %parallel_loop3A_690 : i32 to index
      %parallel_loop3A_1159 = arith.index_cast %parallel_loop3A_1156 : i32 to index
      %parallel_loop3A_1160 = arith.index_cast %parallel_loop3A_706 : i32 to index
      %parallel_loop3A_1161 = arith.constant 0 : index
      %parallel_loop3A_1162 = tpu.vector_load %arg7[%parallel_loop3A_1157, %parallel_loop3A_1158, %parallel_loop3A_1159, %parallel_loop3A_1160, %parallel_loop3A_1161] {strides = array<i32>} : memref<2x8x4x8x128xf32, #tpu.memory_space<vmem>>, vector<16xf32>,
      tpu.vector_store %arg7[%parallel_loop3A_1157, %parallel_loop3A_1158, %parallel_loop3A_1159, %parallel_loop3A_1160, %parallel_loop3A_1161], %broadcast_in_dim3A_1 {strides = array<i32>} : memref<2x8x4x8x128xf32, #tpu.memory_space<vmem>>, vector<16xf32>,
      %parallel_loop3A_1163 = arith.constant 1 : i32
      %parallel_loop3A_1164 = arith.constant 3 : i32
      %parallel_loop3A_1165 = arith.index_cast %parallel_loop3A_1163 : i32 to index
      %parallel_loop3A_1166 = arith.index_cast %parallel_loop3A_690 : i32 to index
      %parallel_loop3A_1167 = arith.index_cast %parallel_loop3A_1164 : i32 to index
      %parallel_loop3A_1168 = arith.index_cast %parallel_loop3A_706 : i32 to index
      %parallel_loop3A_1169 = arith.constant 16 : index
      %parallel_loop3A_1170 = tpu.vector_load %arg7[%parallel_loop3A_1165, %parallel_loop3A_1166, %parallel_loop3A_1167, %parallel_loop3A_1168, %parallel_loop3A_1169] {strides = array<i32>} : memref<2x8x4x8x128xf32, #tpu.memory_space<vmem>>, vector<16xf32>,
      tpu.vector_store %arg7[%parallel_loop3A_1165, %parallel_loop3A_1166, %parallel_loop3A_1167, %parallel_loop3A_1168, %parallel_loop3A_1169], %broadcast_in_dim3A_1 {strides = array<i32>} : memref<2x8x4x8x128xf32, #tpu.memory_space<vmem>>, vector<16xf32>,
      %parallel_loop3A_1171 = arith.constant 1 : i32
      %parallel_loop3A_1172 = arith.constant 3 : i32
      %parallel_loop3A_1173 = arith.index_cast %parallel_loop3A_1171 : i32 to index
      %parallel_loop3A_1174 = arith.index_cast %parallel_loop3A_690 : i32 to index
      %parallel_loop3A_1175 = arith.index_cast %parallel_loop3A_1172 : i32 to index
      %parallel_loop3A_1176 = arith.index_cast %parallel_loop3A_706 : i32 to index
      %parallel_loop3A_1177 = arith.constant 32 : index
      %parallel_loop3A_1178 = tpu.vector_load %arg7[%parallel_loop3A_1173, %parallel_loop3A_1174, %parallel_loop3A_1175, %parallel_loop3A_1176, %parallel_loop3A_1177] {strides = array<i32>} : memref<2x8x4x8x128xf32, #tpu.memory_space<vmem>>, vector<16xf32>,
      tpu.vector_store %arg7[%parallel_loop3A_1173, %parallel_loop3A_1174, %parallel_loop3A_1175, %parallel_loop3A_1176, %parallel_loop3A_1177], %broadcast_in_dim3A_1 {strides = array<i32>} : memref<2x8x4x8x128xf32, #tpu.memory_space<vmem>>, vector<16xf32>,
      %parallel_loop3A_1179 = arith.constant 1 : i32
      %parallel_loop3A_1180 = arith.constant 3 : i32
      %parallel_loop3A_1181 = arith.index_cast %parallel_loop3A_1179 : i32 to index
      %parallel_loop3A_1182 = arith.index_cast %parallel_loop3A_690 : i32 to index
      %parallel_loop3A_1183 = arith.index_cast %parallel_loop3A_1180 : i32 to index
      %parallel_loop3A_1184 = arith.index_cast %parallel_loop3A_706 : i32 to index
      %parallel_loop3A_1185 = arith.constant 48 : index
      %parallel_loop3A_1186 = tpu.vector_load %arg7[%parallel_loop3A_1181, %parallel_loop3A_1182, %parallel_loop3A_1183, %parallel_loop3A_1184, %parallel_loop3A_1185] {strides = array<i32>} : memref<2x8x4x8x128xf32, #tpu.memory_space<vmem>>, vector<16xf32>,
      tpu.vector_store %arg7[%parallel_loop3A_1181, %parallel_loop3A_1182, %parallel_loop3A_1183, %parallel_loop3A_1184, %parallel_loop3A_1185], %broadcast_in_dim3A_1 {strides = array<i32>} : memref<2x8x4x8x128xf32, #tpu.memory_space<vmem>>, vector<16xf32>,
      %parallel_loop3A_1187 = arith.constant 1 : i32
      %parallel_loop3A_1188 = arith.constant 3 : i32
      %parallel_loop3A_1189 = arith.index_cast %parallel_loop3A_1187 : i32 to index
      %parallel_loop3A_1190 = arith.index_cast %parallel_loop3A_690 : i32 to index
      %parallel_loop3A_1191 = arith.index_cast %parallel_loop3A_1188 : i32 to index
      %parallel_loop3A_1192 = arith.index_cast %parallel_loop3A_706 : i32 to index
      %parallel_loop3A_1193 = arith.constant 64 : index
      %parallel_loop3A_1194 = tpu.vector_load %arg7[%parallel_loop3A_1189, %parallel_loop3A_1190, %parallel_loop3A_1191, %parallel_loop3A_1192, %parallel_loop3A_1193] {strides = array<i32>} : memref<2x8x4x8x128xf32, #tpu.memory_space<vmem>>, vector<16xf32>,
      tpu.vector_store %arg7[%parallel_loop3A_1189, %parallel_loop3A_1190, %parallel_loop3A_1191, %parallel_loop3A_1192, %parallel_loop3A_1193], %broadcast_in_dim3A_1 {strides = array<i32>} : memref<2x8x4x8x128xf32, #tpu.memory_space<vmem>>, vector<16xf32>,
      %parallel_loop3A_1195 = arith.constant 1 : i32
      %parallel_loop3A_1196 = arith.constant 3 : i32
      %parallel_loop3A_1197 = arith.index_cast %parallel_loop3A_1195 : i32 to index
      %parallel_loop3A_1198 = arith.index_cast %parallel_loop3A_690 : i32 to index
      %parallel_loop3A_1199 = arith.index_cast %parallel_loop3A_1196 : i32 to index
      %parallel_loop3A_1200 = arith.index_cast %parallel_loop3A_706 : i32 to index
      %parallel_loop3A_1201 = arith.constant 80 : index
      %parallel_loop3A_1202 = tpu.vector_load %arg7[%parallel_loop3A_1197, %parallel_loop3A_1198, %parallel_loop3A_1199, %parallel_loop3A_1200, %parallel_loop3A_1201] {strides = array<i32>} : memref<2x8x4x8x128xf32, #tpu.memory_space<vmem>>, vector<16xf32>,
      tpu.vector_store %arg7[%parallel_loop3A_1197, %parallel_loop3A_1198, %parallel_loop3A_1199, %parallel_loop3A_1200, %parallel_loop3A_1201], %broadcast_in_dim3A_1 {strides = array<i32>} : memref<2x8x4x8x128xf32, #tpu.memory_space<vmem>>, vector<16xf32>,
      %parallel_loop3A_1203 = arith.constant 1 : i32
      %parallel_loop3A_1204 = arith.constant 3 : i32
      %parallel_loop3A_1205 = arith.index_cast %parallel_loop3A_1203 : i32 to index
      %parallel_loop3A_1206 = arith.index_cast %parallel_loop3A_690 : i32 to index
      %parallel_loop3A_1207 = arith.index_cast %parallel_loop3A_1204 : i32 to index
      %parallel_loop3A_1208 = arith.index_cast %parallel_loop3A_706 : i32 to index
      %parallel_loop3A_1209 = arith.constant 96 : index
      %parallel_loop3A_1210 = tpu.vector_load %arg7[%parallel_loop3A_1205, %parallel_loop3A_1206, %parallel_loop3A_1207, %parallel_loop3A_1208, %parallel_loop3A_1209] {strides = array<i32>} : memref<2x8x4x8x128xf32, #tpu.memory_space<vmem>>, vector<16xf32>,
      tpu.vector_store %arg7[%parallel_loop3A_1205, %parallel_loop3A_1206, %parallel_loop3A_1207, %parallel_loop3A_1208, %parallel_loop3A_1209], %broadcast_in_dim3A_1 {strides = array<i32>} : memref<2x8x4x8x128xf32, #tpu.memory_space<vmem>>, vector<16xf32>,
      %parallel_loop3A_1211 = arith.constant 1 : i32
      %parallel_loop3A_1212 = arith.constant 3 : i32
      %parallel_loop3A_1213 = arith.index_cast %parallel_loop3A_1211 : i32 to index
      %parallel_loop3A_1214 = arith.index_cast %parallel_loop3A_690 : i32 to index
      %parallel_loop3A_1215 = arith.index_cast %parallel_loop3A_1212 : i32 to index
      %parallel_loop3A_1216 = arith.index_cast %parallel_loop3A_706 : i32 to index
      %parallel_loop3A_1217 = arith.constant 112 : index
      %parallel_loop3A_1218 = tpu.vector_load %arg7[%parallel_loop3A_1213, %parallel_loop3A_1214, %parallel_loop3A_1215, %parallel_loop3A_1216, %parallel_loop3A_1217] {strides = array<i32>} : memref<2x8x4x8x128xf32, #tpu.memory_space<vmem>>, vector<16xf32>,
      tpu.vector_store %arg7[%parallel_loop3A_1213, %parallel_loop3A_1214, %parallel_loop3A_1215, %parallel_loop3A_1216, %parallel_loop3A_1217], %broadcast_in_dim3A_1 {strides = array<i32>} : memref<2x8x4x8x128xf32, #tpu.memory_space<vmem>>, vector<16xf32>,
    } {sc.loop_unroll_factor = 4 : i64, sc.parallel_access}
    %dma_wait3A = arith.constant 0 : i32
    %dma_wait3A_57 = arith.constant 0 : i32
    %dma_wait3A_58 = arith.constant 0 : i32
    %dma_wait3A_59 = tpu.memref_slice %arg2[%select_n3A, %dma_wait3A, %mul3A_33, %dma_wait3A_57, %dma_wait3A_58] : memref<16x4x4x8x128xi32, #tpu.memory_space<hbm>> -> memref<1x4x2x8x128xi32, #tpu.memory_space<hbm>>
    %dma_wait3A_60 = tpu.memref_squeeze %dma_wait3A_59 : memref<1x4x2x8x128xi32, #tpu.memory_space<hbm>> -> memref<4x2x8x128xi32, #tpu.memory_space<hbm>>
    %dma_wait3A_61 = arith.constant 0 : i32
    %dma_wait3A_62 = arith.constant 0 : i32
    %dma_wait3A_63 = arith.constant 0 : i32
    %dma_wait3A_64 = tpu.memref_slice %arg2[%select_n3A, %dma_wait3A_61, %mul3A_33, %dma_wait3A_62, %dma_wait3A_63] : memref<16x4x4x8x128xi32, #tpu.memory_space<hbm>> -> memref<1x4x2x8x128xi32, #tpu.memory_space<hbm>>
    %dma_wait3A_65 = tpu.memref_squeeze %dma_wait3A_64 : memref<1x4x2x8x128xi32, #tpu.memory_space<hbm>> -> memref<4x2x8x128xi32, #tpu.memory_space<hbm>>
    tpu.wait_dma2 semaphore(%arg9 : memref<!tpu.dma_semaphore, #tpu.memory_space<semaphore_mem>>) src(%dma_wait3A_65 : memref<4x2x8x128xi32, #tpu.memory_space<hbm>>) dst(%arg5 : memref<4x2x8x128xi32, #tpu.memory_space<vmem>>)
    %dma_wait3A_66 = arith.constant 0 : i32
    %dma_wait3A_67 = arith.constant 0 : i32
    %dma_wait3A_68 = arith.constant 0 : i32
    %dma_wait3A_69 = tpu.memref_slice %arg3[%select_n3A, %dma_wait3A_66, %mul3A_44, %dma_wait3A_67, %dma_wait3A_68] : memref<16x4x4x8x128xf32, #tpu.memory_space<hbm>> -> memref<1x4x2x8x128xf32, #tpu.memory_space<hbm>>
    %dma_wait3A_70 = tpu.memref_squeeze %dma_wait3A_69 : memref<1x4x2x8x128xf32, #tpu.memory_space<hbm>> -> memref<4x2x8x128xf32, #tpu.memory_space<hbm>>
    %dma_wait3A_71 = arith.constant 0 : i32
    %dma_wait3A_72 = arith.constant 0 : i32
    %dma_wait3A_73 = arith.constant 0 : i32
    %dma_wait3A_74 = tpu.memref_slice %arg3[%select_n3A, %dma_wait3A_71, %mul3A_44, %dma_wait3A_72, %dma_wait3A_73] : memref<16x4x4x8x128xf32, #tpu.memory_space<hbm>> -> memref<1x4x2x8x128xf32, #tpu.memory_space<hbm>>
    %dma_wait3A_75 = tpu.memref_squeeze %dma_wait3A_74 : memref<1x4x2x8x128xf32, #tpu.memory_space<hbm>> -> memref<4x2x8x128xf32, #tpu.memory_space<hbm>>
    tpu.wait_dma2 semaphore(%arg9 : memref<!tpu.dma_semaphore, #tpu.memory_space<semaphore_mem>>) src(%dma_wait3A_75 : memref<4x2x8x128xf32, #tpu.memory_space<hbm>>) dst(%arg6 : memref<4x2x8x128xf32, #tpu.memory_space<vmem>>)
    %iota3A = tpu.iota {dimensions = array<i32: 0>} : vector<16xi32>
    %mul3A_76 = arith.constant 4 : i32
    %mul3A_77 = arith.muli %add3A, %mul3A_76 : i32
    %add3A_78 = arith.constant 0 : i32
    %add3A_79 = arith.addi %mul3A_77, %add3A_78 : i32
    %parallel_loop3A_80 = arith.constant 0 : i32
    %parallel_loop3A_81 = arith.constant 128 : i32
    %parallel_loop3A_82 = arith.constant 1 : i32
    scf.for %parallel_loop3A_666 = %parallel_loop3A_80 to %parallel_loop3A_81 step %parallel_loop3A_82  : i32 {
      %parallel_loop3A_667 = arith.constant 32 : i32
      %parallel_loop3A_668 = arith.divsi %parallel_loop3A_666, %parallel_loop3A_667 : i32
      %parallel_loop3A_669 = arith.constant 0 : i32
      %parallel_loop3A_670 = arith.cmpi sgt, %parallel_loop3A_666, %parallel_loop3A_669 : i32
      %parallel_loop3A_671 = arith.extui %parallel_loop3A_670 : i1 to i32
      %parallel_loop3A_672 = arith.constant 0 : i32
      %parallel_loop3A_673 = arith.cmpi slt, %parallel_loop3A_666, %parallel_loop3A_672 : i32
      %parallel_loop3A_674 = arith.extui %parallel_loop3A_673 : i1 to i32
      %parallel_loop3A_675 = arith.subi %parallel_loop3A_671, %parallel_loop3A_674 : i32
      %parallel_loop3A_676 = arith.constant 0 : i32
      %parallel_loop3A_677 = arith.cmpi sgt, %parallel_loop3A_667, %parallel_loop3A_676 : i32
      %parallel_loop3A_678 = arith.extui %parallel_loop3A_677 : i1 to i32
      %parallel_loop3A_679 = arith.constant 0 : i32
      %parallel_loop3A_680 = arith.cmpi slt, %parallel_loop3A_667, %parallel_loop3A_679 : i32
      %parallel_loop3A_681 = arith.extui %parallel_loop3A_680 : i1 to i32
      %parallel_loop3A_682 = arith.subi %parallel_loop3A_678, %parallel_loop3A_681 : i32
      %parallel_loop3A_683 = arith.cmpi ne, %parallel_loop3A_675, %parallel_loop3A_682 : i32
      %parallel_loop3A_684 = arith.remsi %parallel_loop3A_666, %parallel_loop3A_667 : i32
      %parallel_loop3A_685 = arith.constant 0 : i32
      %parallel_loop3A_686 = arith.cmpi ne, %parallel_loop3A_684, %parallel_loop3A_685 : i32
      %parallel_loop3A_687 = arith.andi %parallel_loop3A_683, %parallel_loop3A_686 : i1
      %parallel_loop3A_688 = arith.constant 1 : i32
      %parallel_loop3A_689 = arith.subi %parallel_loop3A_668, %parallel_loop3A_688 : i32
      %parallel_loop3A_690 = arith.select %parallel_loop3A_687, %parallel_loop3A_689, %parallel_loop3A_668 : i32
      %parallel_loop3A_691 = arith.constant 4 : i32
      %parallel_loop3A_692 = arith.divsi %parallel_loop3A_666, %parallel_loop3A_691 : i32
      %parallel_loop3A_693 = arith.constant 0 : i32
      %parallel_loop3A_694 = arith.cmpi sgt, %parallel_loop3A_666, %parallel_loop3A_693 : i32
      %parallel_loop3A_695 = arith.extui %parallel_loop3A_694 : i1 to i32
      %parallel_loop3A_696 = arith.constant 0 : i32
      %parallel_loop3A_697 = arith.cmpi slt, %parallel_loop3A_666, %parallel_loop3A_696 : i32
      %parallel_loop3A_698 = arith.extui %parallel_loop3A_697 : i1 to i32
      %parallel_loop3A_699 = arith.subi %parallel_loop3A_695, %parallel_loop3A_698 : i32
      %parallel_loop3A_700 = arith.constant 0 : i32
      %parallel_loop3A_701 = arith.cmpi sgt, %parallel_loop3A_691, %parallel_loop3A_700 : i32
      %parallel_loop3A_702 = arith.extui %parallel_loop3A_701 : i1 to i32
      %parallel_loop3A_703 = arith.constant 0 : i32
      %parallel_loop3A_704 = arith.cmpi slt, %parallel_loop3A_691, %parallel_loop3A_703 : i32
      %parallel_loop3A_705 = arith.extui %parallel_loop3A_704 : i1 to i32
      %parallel_loop3A_706 = arith.subi %parallel_loop3A_702, %parallel_loop3A_705 : i32
      %parallel_loop3A_707 = arith.cmpi ne, %parallel_loop3A_699, %parallel_loop3A_706 : i32
      %parallel_loop3A_708 = arith.remsi %parallel_loop3A_666, %parallel_loop3A_691 : i32
      %parallel_loop3A_709 = arith.constant 0 : i32
      %parallel_loop3A_710 = arith.cmpi ne, %parallel_loop3A_708, %parallel_loop3A_709 : i32
      %parallel_loop3A_711 = arith.andi %parallel_loop3A_707, %parallel_loop3A_710 : i1
      %parallel_loop3A_712 = arith.constant 1 : i32
      %parallel_loop3A_713 = arith.subi %parallel_loop3A_692, %parallel_loop3A_712 : i32
      %parallel_loop3A_714 = arith.select %parallel_loop3A_711, %parallel_loop3A_713, %parallel_loop3A_692 : i32
      %parallel_loop3A_715 = arith.constant 8 : i32
      %parallel_loop3A_716 = arith.constant 0 : i32
      %parallel_loop3A_717 = arith.cmpi eq, %parallel_loop3A_715, %parallel_loop3A_716 : i32
      %parallel_loop3A_718 = arith.constant 1 : i32
      %parallel_loop3A_719 = arith.select %parallel_loop3A_717, %parallel_loop3A_718, %parallel_loop3A_715 : i32
      %parallel_loop3A_720 = arith.remsi %parallel_loop3A_714, %parallel_loop3A_719 : i32
      %parallel_loop3A_721 = arith.constant 0 : i32
      %parallel_loop3A_722 = arith.cmpi ne, %parallel_loop3A_720, %parallel_loop3A_721 : i32
      %parallel_loop3A_723 = arith.constant 0 : i32
      %parallel_loop3A_724 = arith.cmpi slt, %parallel_loop3A_720, %parallel_loop3A_723 : i32
      %parallel_loop3A_725 = arith.constant 0 : i32
      %parallel_loop3A_726 = arith.cmpi slt, %parallel_loop3A_719, %parallel_loop3A_725 : i32
      %parallel_loop3A_727 = arith.xori %parallel_loop3A_724, %parallel_loop3A_726 : i1
      %parallel_loop3A_728 = arith.andi %parallel_loop3A_727, %parallel_loop3A_722 : i1
      %parallel_loop3A_729 = arith.addi %parallel_loop3A_720, %parallel_loop3A_719 : i32
      %parallel_loop3A_730 = arith.select %parallel_loop3A_728, %parallel_loop3A_729, %parallel_loop3A_720 : i32
      %parallel_loop3A_731 = arith.constant 4 : i32
      %parallel_loop3A_732 = arith.constant 0 : i32
      %parallel_loop3A_733 = arith.cmpi eq, %parallel_loop3A_731, %parallel_loop3A_732 : i32
      %parallel_loop3A_734 = arith.constant 1 : i32
      %parallel_loop3A_735 = arith.select %parallel_loop3A_733, %parallel_loop3A_734, %parallel_loop3A_731 : i32
      %parallel_loop3A_736 = arith.remsi %parallel_loop3A_666, %parallel_loop3A_735 : i32
      %parallel_loop3A_737 = arith.constant 0 : i32
      %parallel_loop3A_738 = arith.cmpi ne, %parallel_loop3A_736, %parallel_loop3A_737 : i32
      %parallel_loop3A_739 = arith.constant 0 : i32
      %parallel_loop3A_740 = arith.cmpi slt, %parallel_loop3A_736, %parallel_loop3A_739 : i32
      %parallel_loop3A_741 = arith.constant 0 : i32
      %parallel_loop3A_742 = arith.cmpi slt, %parallel_loop3A_735, %parallel_loop3A_741 : i32
      %parallel_loop3A_743 = arith.xori %parallel_loop3A_740, %parallel_loop3A_742 : i1
      %parallel_loop3A_744 = arith.andi %parallel_loop3A_743, %parallel_loop3A_738 : i1
      %parallel_loop3A_745 = arith.addi %parallel_loop3A_736, %parallel_loop3A_735 : i32
      %parallel_loop3A_746 = arith.select %parallel_loop3A_744, %parallel_loop3A_745, %parallel_loop3A_736 : i32
      %parallel_loop3A_747 = arith.constant 16 : i32
      %parallel_loop3A_748 = arith.muli %parallel_loop3A_746, %parallel_loop3A_747 : i32
      %parallel_loop3A_749 = arith.constant 0 : i32
      %parallel_loop3A_750 = arith.addi %parallel_loop3A_749, %parallel_loop3A_748 : i32
      %parallel_loop3A_751 = arith.constant 0 : i32
      %parallel_loop3A_752 = arith.index_cast %parallel_loop3A_690 : i32 to index
      %parallel_loop3A_753 = arith.index_cast %parallel_loop3A_751 : i32 to index
      %parallel_loop3A_754 = arith.index_cast %parallel_loop3A_730 : i32 to index
      %parallel_loop3A_755 = arith.index_cast %parallel_loop3A_750 : i32 to index
      %parallel_loop3A_756 = tpu.vector_load %arg5[%parallel_loop3A_752, %parallel_loop3A_753, %parallel_loop3A_754, %parallel_loop3A_755] {strides = array<i32>} : memref<4x2x8x128xi32, #tpu.memory_space<vmem>>, vector<16xi32>,
      %parallel_loop3A_757 = arith.constant 16 : i32
      %parallel_loop3A_758 = arith.muli %parallel_loop3A_746, %parallel_loop3A_757 : i32
      %parallel_loop3A_759 = arith.constant 0 : i32
      %parallel_loop3A_760 = arith.addi %parallel_loop3A_759, %parallel_loop3A_758 : i32
      %parallel_loop3A_761 = arith.constant 0 : i32
      %parallel_loop3A_762 = arith.index_cast %parallel_loop3A_690 : i32 to index
      %parallel_loop3A_763 = arith.index_cast %parallel_loop3A_761 : i32 to index
      %parallel_loop3A_764 = arith.index_cast %parallel_loop3A_730 : i32 to index
      %parallel_loop3A_765 = arith.index_cast %parallel_loop3A_760 : i32 to index
      %parallel_loop3A_766 = tpu.vector_load %arg6[%parallel_loop3A_762, %parallel_loop3A_763, %parallel_loop3A_764, %parallel_loop3A_765] {strides = array<i32>} : memref<4x2x8x128xf32, #tpu.memory_space<vmem>>, vector<16xf32>,
      %parallel_loop3A_767 = arith.constant 16 : i32
      %parallel_loop3A_768 = arith.muli %parallel_loop3A_746, %parallel_loop3A_767 : i32
      %parallel_loop3A_769 = vector.broadcast %parallel_loop3A_768 : i32 to vector<16xi32>
      %parallel_loop3A_770 = arith.addi %parallel_loop3A_769, %iota3A : vector<16xi32>
      %parallel_loop3A_771 = arith.constant 3 : i32
      %parallel_loop3A_772 = vector.broadcast %parallel_loop3A_771 : i32 to vector<16xi32>
      %parallel_loop3A_773 = arith.shrui %parallel_loop3A_770, %parallel_loop3A_772 : vector<16xi32>
      %parallel_loop3A_774 = arith.constant 7 : i32
      %parallel_loop3A_775 = vector.broadcast %parallel_loop3A_774 : i32 to vector<16xi32>
      %parallel_loop3A_776 = arith.shrui %parallel_loop3A_756, %parallel_loop3A_775 : vector<16xi32>
      %parallel_loop3A_777 = arith.constant 7 : i32
      %parallel_loop3A_778 = vector.broadcast %parallel_loop3A_777 : i32 to vector<16xi32>
      %parallel_loop3A_779 = arith.andi %parallel_loop3A_770, %parallel_loop3A_778 : vector<16xi32>
      %parallel_loop3A_780 = arith.constant 127 : i32
      %parallel_loop3A_781 = vector.broadcast %parallel_loop3A_780 : i32 to vector<16xi32>
      %parallel_loop3A_782 = arith.andi %parallel_loop3A_756, %parallel_loop3A_781 : vector<16xi32>
      %parallel_loop3A_783 = arith.constant 0 : i32
      %parallel_loop3A_784 = arith.constant 0 : i32
      %parallel_loop3A_785 = arith.constant 0 : i32
      %parallel_loop3A_786 = arith.constant 0 : i32
      %parallel_loop3A_787 = arith.constant 0 : i32
      %parallel_loop3A_788 = tpu.memref_slice %arg7[%parallel_loop3A_783, %parallel_loop3A_784, %parallel_loop3A_785, %parallel_loop3A_786, %parallel_loop3A_787] : memref<2x8x4x8x128xf32, #tpu.memory_space<vmem>> -> memref<1x8x4x8x128xf32, #tpu.memory_space<vmem>>
      %parallel_loop3A_789 = tpu.memref_squeeze %parallel_loop3A_788 : memref<1x8x4x8x128xf32, #tpu.memory_space<vmem>> -> memref<8x4x8x128xf32, #tpu.memory_space<vmem>>
      tpu.vector_store_idx %parallel_loop3A_789[%parallel_loop3A_773, %parallel_loop3A_776, %parallel_loop3A_779, %parallel_loop3A_782], %parallel_loop3A_766 {add = true} : memref<8x4x8x128xf32, #tpu.memory_space<vmem>>[vector<16xi32>, vector<16xi32>, vector<16xi32>, vector<16xi32>], vector<16xf32>,
    } {sc.loop_unroll_factor = 4 : i64, sc.parallel_access}
    %jit3A_83 = arith.constant 8 : i32
    %div3A_84 = arith.divsi %add3A_79, %jit3A_83 : i32
    %sign3A_85 = arith.constant 0 : i32
    %sign3A_86 = arith.cmpi sgt, %add3A_79, %sign3A_85 : i32
    %sign3A_87 = arith.extui %sign3A_86 : i1 to i32
    %sign3A_88 = arith.constant 0 : i32
    %sign3A_89 = arith.cmpi slt, %add3A_79, %sign3A_88 : i32
    %sign3A_90 = arith.extui %sign3A_89 : i1 to i32
    %sign3A_91 = arith.subi %sign3A_87, %sign3A_90 : i32
    %sign3A_92 = arith.constant 0 : i32
    %sign3A_93 = arith.cmpi sgt, %jit3A_83, %sign3A_92 : i32
    %sign3A_94 = arith.extui %sign3A_93 : i1 to i32
    %sign3A_95 = arith.constant 0 : i32
    %sign3A_96 = arith.cmpi slt, %jit3A_83, %sign3A_95 : i32
    %sign3A_97 = arith.extui %sign3A_96 : i1 to i32
    %sign3A_98 = arith.subi %sign3A_94, %sign3A_97 : i32
    %ne3A_99 = arith.cmpi ne, %sign3A_91, %sign3A_98 : i32
    %rem3A_100 = arith.remsi %add3A_79, %jit3A_83 : i32
    %ne3A_101 = arith.constant 0 : i32
    %ne3A_102 = arith.cmpi ne, %rem3A_100, %ne3A_101 : i32
    %and3A_103 = arith.andi %ne3A_99, %ne3A_102 : i1
    %sub3A_104 = arith.constant 1 : i32
    %sub3A_105 = arith.subi %div3A_84, %sub3A_104 : i32
    %select_n3A_106 = arith.select %and3A_103, %sub3A_105, %div3A_84 : i32
    %jit3A_107 = arith.constant 8 : i32
    %eq3A_108 = arith.constant 0 : i32
    %eq3A_109 = arith.cmpi eq, %jit3A_107, %eq3A_108 : i32
    %jit3A_110 = arith.constant 1 : i32
    %select_n3A_111 = arith.select %eq3A_109, %jit3A_110, %jit3A_107 : i32
    %rem3A_112 = arith.remsi %add3A_79, %select_n3A_111 : i32
    %ne3A_113 = arith.constant 0 : i32
    %ne3A_114 = arith.cmpi ne, %rem3A_112, %ne3A_113 : i32
    %lt3A_115 = arith.constant 0 : i32
    %lt3A_116 = arith.cmpi slt, %rem3A_112, %lt3A_115 : i32
    %lt3A_117 = arith.constant 0 : i32
    %lt3A_118 = arith.cmpi slt, %select_n3A_111, %lt3A_117 : i32
    %ne3A_119 = arith.xori %lt3A_116, %lt3A_118 : i1
    %and3A_120 = arith.andi %ne3A_119, %ne3A_114 : i1
    %add3A_121 = arith.addi %rem3A_112, %select_n3A_111 : i32
    %select_n3A_122 = arith.select %and3A_120, %add3A_121, %rem3A_112 : i32
    %mul3A_123 = arith.constant 8 : i32
    %mul3A_124 = arith.muli %select_n3A_122, %mul3A_123 : i32
    %dma_start3A_125 = arith.constant 0 : i32
    %dma_start3A_126 = arith.constant 0 : i32
    %dma_start3A_127 = arith.constant 0 : i32
    %dma_start3A_128 = arith.constant 0 : i32
    %dma_start3A_129 = arith.constant 0 : i32
    %dma_start3A_130 = arith.constant 0 : i32
    %dma_start3A_131 = tpu.memref_slice %arg7[%dma_start3A_125, %dma_start3A_127, %dma_start3A_128, %dma_start3A_129, %dma_start3A_130] : memref<2x8x4x8x128xf32, #tpu.memory_space<vmem>> -> memref<1x8x4x8x128xf32, #tpu.memory_space<vmem>>
    %dma_start3A_132 = tpu.memref_squeeze %dma_start3A_131 : memref<1x8x4x8x128xf32, #tpu.memory_space<vmem>> -> memref<8x4x8x128xf32, #tpu.memory_space<vmem>>
    %dma_start3A_133 = arith.constant 0 : i32
    %dma_start3A_134 = arith.constant 0 : i32
    %dma_start3A_135 = arith.constant 0 : i32
    %dma_start3A_136 = tpu.memref_slice %arg4[%select_n3A_106, %mul3A_124, %dma_start3A_133, %dma_start3A_134, %dma_start3A_135] : memref<16x64x4x8x128xf32, #tpu.memory_space<hbm>> -> memref<1x8x4x8x128xf32, #tpu.memory_space<hbm>>
    %dma_start3A_137 = tpu.memref_squeeze %dma_start3A_136 : memref<1x8x4x8x128xf32, #tpu.memory_space<hbm>> -> memref<8x4x8x128xf32, #tpu.memory_space<hbm>>
    %dma_start3A_138 = tpu.memref_slice %arg8[%dma_start3A_126] : memref<2x!tpu.dma_semaphore, #tpu.memory_space<semaphore_mem>> -> memref<1x!tpu.dma_semaphore, #tpu.memory_space<semaphore_mem>>
    %dma_start3A_139 = tpu.memref_squeeze %dma_start3A_138 : memref<1x!tpu.dma_semaphore, #tpu.memory_space<semaphore_mem>> -> memref<!tpu.dma_semaphore, #tpu.memory_space<semaphore_mem>>
    %dma_start3A_140 = arith.constant 0 : i32
    %dma_start3A_141 = arith.constant 0 : i32
    %dma_start3A_142 = arith.constant 0 : i32
    %dma_start3A_143 = tpu.memref_slice %arg4[%select_n3A_106, %mul3A_124, %dma_start3A_140, %dma_start3A_141, %dma_start3A_142] : memref<16x64x4x8x128xf32, #tpu.memory_space<hbm>> -> memref<1x8x4x8x128xf32, #tpu.memory_space<hbm>>
    %dma_start3A_144 = tpu.memref_squeeze %dma_start3A_143 : memref<1x8x4x8x128xf32, #tpu.memory_space<hbm>> -> memref<8x4x8x128xf32, #tpu.memory_space<hbm>>
    %dma_start3A_145 = arith.constant 0 : i32
    %dma_start3A_146 = arith.constant 0 : i32
    %dma_start3A_147 = arith.constant 0 : i32
    %dma_start3A_148 = arith.constant 0 : i32
    %dma_start3A_149 = tpu.memref_slice %arg7[%dma_start3A_125, %dma_start3A_145, %dma_start3A_146, %dma_start3A_147, %dma_start3A_148] : memref<2x8x4x8x128xf32, #tpu.memory_space<vmem>> -> memref<1x8x4x8x128xf32, #tpu.memory_space<vmem>>
    %dma_start3A_150 = tpu.memref_squeeze %dma_start3A_149 : memref<1x8x4x8x128xf32, #tpu.memory_space<vmem>> -> memref<8x4x8x128xf32, #tpu.memory_space<vmem>>
    tpu.enqueue_dma source(%dma_start3A_150 : memref<8x4x8x128xf32, #tpu.memory_space<vmem>>) target(%dma_start3A_144 : memref<8x4x8x128xf32, #tpu.memory_space<hbm>>) target_semaphore(%dma_start3A_139 : memref<!tpu.dma_semaphore, #tpu.memory_space<semaphore_mem>>)
    %mul3A_151 = arith.constant 4 : i32
    %mul3A_152 = arith.muli %add3A, %mul3A_151 : i32
    %add3A_153 = arith.constant 1 : i32
    %add3A_154 = arith.addi %mul3A_152, %add3A_153 : i32
    %parallel_loop3A_155 = arith.constant 0 : i32
    %parallel_loop3A_156 = arith.constant 128 : i32
    %parallel_loop3A_157 = arith.constant 1 : i32
    scf.for %parallel_loop3A_666 = %parallel_loop3A_155 to %parallel_loop3A_156 step %parallel_loop3A_157  : i32 {
      %parallel_loop3A_667 = arith.constant 32 : i32
      %parallel_loop3A_668 = arith.divsi %parallel_loop3A_666, %parallel_loop3A_667 : i32
      %parallel_loop3A_669 = arith.constant 0 : i32
      %parallel_loop3A_670 = arith.cmpi sgt, %parallel_loop3A_666, %parallel_loop3A_669 : i32
      %parallel_loop3A_671 = arith.extui %parallel_loop3A_670 : i1 to i32
      %parallel_loop3A_672 = arith.constant 0 : i32
      %parallel_loop3A_673 = arith.cmpi slt, %parallel_loop3A_666, %parallel_loop3A_672 : i32
      %parallel_loop3A_674 = arith.extui %parallel_loop3A_673 : i1 to i32
      %parallel_loop3A_675 = arith.subi %parallel_loop3A_671, %parallel_loop3A_674 : i32
      %parallel_loop3A_676 = arith.constant 0 : i32
      %parallel_loop3A_677 = arith.cmpi sgt, %parallel_loop3A_667, %parallel_loop3A_676 : i32
      %parallel_loop3A_678 = arith.extui %parallel_loop3A_677 : i1 to i32
      %parallel_loop3A_679 = arith.constant 0 : i32
      %parallel_loop3A_680 = arith.cmpi slt, %parallel_loop3A_667, %parallel_loop3A_679 : i32
      %parallel_loop3A_681 = arith.extui %parallel_loop3A_680 : i1 to i32
      %parallel_loop3A_682 = arith.subi %parallel_loop3A_678, %parallel_loop3A_681 : i32
      %parallel_loop3A_683 = arith.cmpi ne, %parallel_loop3A_675, %parallel_loop3A_682 : i32
      %parallel_loop3A_684 = arith.remsi %parallel_loop3A_666, %parallel_loop3A_667 : i32
      %parallel_loop3A_685 = arith.constant 0 : i32
      %parallel_loop3A_686 = arith.cmpi ne, %parallel_loop3A_684, %parallel_loop3A_685 : i32
      %parallel_loop3A_687 = arith.andi %parallel_loop3A_683, %parallel_loop3A_686 : i1
      %parallel_loop3A_688 = arith.constant 1 : i32
      %parallel_loop3A_689 = arith.subi %parallel_loop3A_668, %parallel_loop3A_688 : i32
      %parallel_loop3A_690 = arith.select %parallel_loop3A_687, %parallel_loop3A_689, %parallel_loop3A_668 : i32
      %parallel_loop3A_691 = arith.constant 4 : i32
      %parallel_loop3A_692 = arith.divsi %parallel_loop3A_666, %parallel_loop3A_691 : i32
      %parallel_loop3A_693 = arith.constant 0 : i32
      %parallel_loop3A_694 = arith.cmpi sgt, %parallel_loop3A_666, %parallel_loop3A_693 : i32
      %parallel_loop3A_695 = arith.extui %parallel_loop3A_694 : i1 to i32
      %parallel_loop3A_696 = arith.constant 0 : i32
      %parallel_loop3A_697 = arith.cmpi slt, %parallel_loop3A_666, %parallel_loop3A_696 : i32
      %parallel_loop3A_698 = arith.extui %parallel_loop3A_697 : i1 to i32
      %parallel_loop3A_699 = arith.subi %parallel_loop3A_695, %parallel_loop3A_698 : i32
      %parallel_loop3A_700 = arith.constant 0 : i32
      %parallel_loop3A_701 = arith.cmpi sgt, %parallel_loop3A_691, %parallel_loop3A_700 : i32
      %parallel_loop3A_702 = arith.extui %parallel_loop3A_701 : i1 to i32
      %parallel_loop3A_703 = arith.constant 0 : i32
      %parallel_loop3A_704 = arith.cmpi slt, %parallel_loop3A_691, %parallel_loop3A_703 : i32
      %parallel_loop3A_705 = arith.extui %parallel_loop3A_704 : i1 to i32
      %parallel_loop3A_706 = arith.subi %parallel_loop3A_702, %parallel_loop3A_705 : i32
      %parallel_loop3A_707 = arith.cmpi ne, %parallel_loop3A_699, %parallel_loop3A_706 : i32
      %parallel_loop3A_708 = arith.remsi %parallel_loop3A_666, %parallel_loop3A_691 : i32
      %parallel_loop3A_709 = arith.constant 0 : i32
      %parallel_loop3A_710 = arith.cmpi ne, %parallel_loop3A_708, %parallel_loop3A_709 : i32
      %parallel_loop3A_711 = arith.andi %parallel_loop3A_707, %parallel_loop3A_710 : i1
      %parallel_loop3A_712 = arith.constant 1 : i32
      %parallel_loop3A_713 = arith.subi %parallel_loop3A_692, %parallel_loop3A_712 : i32
      %parallel_loop3A_714 = arith.select %parallel_loop3A_711, %parallel_loop3A_713, %parallel_loop3A_692 : i32
      %parallel_loop3A_715 = arith.constant 8 : i32
      %parallel_loop3A_716 = arith.constant 0 : i32
      %parallel_loop3A_717 = arith.cmpi eq, %parallel_loop3A_715, %parallel_loop3A_716 : i32
      %parallel_loop3A_718 = arith.constant 1 : i32
      %parallel_loop3A_719 = arith.select %parallel_loop3A_717, %parallel_loop3A_718, %parallel_loop3A_715 : i32
      %parallel_loop3A_720 = arith.remsi %parallel_loop3A_714, %parallel_loop3A_719 : i32
      %parallel_loop3A_721 = arith.constant 0 : i32
      %parallel_loop3A_722 = arith.cmpi ne, %parallel_loop3A_720, %parallel_loop3A_721 : i32
      %parallel_loop3A_723 = arith.constant 0 : i32
      %parallel_loop3A_724 = arith.cmpi slt, %parallel_loop3A_720, %parallel_loop3A_723 : i32
      %parallel_loop3A_725 = arith.constant 0 : i32
      %parallel_loop3A_726 = arith.cmpi slt, %parallel_loop3A_719, %parallel_loop3A_725 : i32
      %parallel_loop3A_727 = arith.xori %parallel_loop3A_724, %parallel_loop3A_726 : i1
      %parallel_loop3A_728 = arith.andi %parallel_loop3A_727, %parallel_loop3A_722 : i1
      %parallel_loop3A_729 = arith.addi %parallel_loop3A_720, %parallel_loop3A_719 : i32
      %parallel_loop3A_730 = arith.select %parallel_loop3A_728, %parallel_loop3A_729, %parallel_loop3A_720 : i32
      %parallel_loop3A_731 = arith.constant 4 : i32
      %parallel_loop3A_732 = arith.constant 0 : i32
      %parallel_loop3A_733 = arith.cmpi eq, %parallel_loop3A_731, %parallel_loop3A_732 : i32
      %parallel_loop3A_734 = arith.constant 1 : i32
      %parallel_loop3A_735 = arith.select %parallel_loop3A_733, %parallel_loop3A_734, %parallel_loop3A_731 : i32
      %parallel_loop3A_736 = arith.remsi %parallel_loop3A_666, %parallel_loop3A_735 : i32
      %parallel_loop3A_737 = arith.constant 0 : i32
      %parallel_loop3A_738 = arith.cmpi ne, %parallel_loop3A_736, %parallel_loop3A_737 : i32
      %parallel_loop3A_739 = arith.constant 0 : i32
      %parallel_loop3A_740 = arith.cmpi slt, %parallel_loop3A_736, %parallel_loop3A_739 : i32
      %parallel_loop3A_741 = arith.constant 0 : i32
      %parallel_loop3A_742 = arith.cmpi slt, %parallel_loop3A_735, %parallel_loop3A_741 : i32
      %parallel_loop3A_743 = arith.xori %parallel_loop3A_740, %parallel_loop3A_742 : i1
      %parallel_loop3A_744 = arith.andi %parallel_loop3A_743, %parallel_loop3A_738 : i1
      %parallel_loop3A_745 = arith.addi %parallel_loop3A_736, %parallel_loop3A_735 : i32
      %parallel_loop3A_746 = arith.select %parallel_loop3A_744, %parallel_loop3A_745, %parallel_loop3A_736 : i32
      %parallel_loop3A_747 = arith.constant 16 : i32
      %parallel_loop3A_748 = arith.muli %parallel_loop3A_746, %parallel_loop3A_747 : i32
      %parallel_loop3A_749 = arith.constant 64 : i32
      %parallel_loop3A_750 = arith.addi %parallel_loop3A_749, %parallel_loop3A_748 : i32
      %parallel_loop3A_751 = arith.constant 0 : i32
      %parallel_loop3A_752 = arith.index_cast %parallel_loop3A_690 : i32 to index
      %parallel_loop3A_753 = arith.index_cast %parallel_loop3A_751 : i32 to index
      %parallel_loop3A_754 = arith.index_cast %parallel_loop3A_730 : i32 to index
      %parallel_loop3A_755 = arith.index_cast %parallel_loop3A_750 : i32 to index
      %parallel_loop3A_756 = tpu.vector_load %arg5[%parallel_loop3A_752, %parallel_loop3A_753, %parallel_loop3A_754, %parallel_loop3A_755] {strides = array<i32>} : memref<4x2x8x128xi32, #tpu.memory_space<vmem>>, vector<16xi32>,
      %parallel_loop3A_757 = arith.constant 16 : i32
      %parallel_loop3A_758 = arith.muli %parallel_loop3A_746, %parallel_loop3A_757 : i32
      %parallel_loop3A_759 = arith.constant 64 : i32
      %parallel_loop3A_760 = arith.addi %parallel_loop3A_759, %parallel_loop3A_758 : i32
      %parallel_loop3A_761 = arith.constant 0 : i32
      %parallel_loop3A_762 = arith.index_cast %parallel_loop3A_690 : i32 to index
      %parallel_loop3A_763 = arith.index_cast %parallel_loop3A_761 : i32 to index
      %parallel_loop3A_764 = arith.index_cast %parallel_loop3A_730 : i32 to index
      %parallel_loop3A_765 = arith.index_cast %parallel_loop3A_760 : i32 to index
      %parallel_loop3A_766 = tpu.vector_load %arg6[%parallel_loop3A_762, %parallel_loop3A_763, %parallel_loop3A_764, %parallel_loop3A_765] {strides = array<i32>} : memref<4x2x8x128xf32, #tpu.memory_space<vmem>>, vector<16xf32>,
      %parallel_loop3A_767 = arith.constant 16 : i32
      %parallel_loop3A_768 = arith.muli %parallel_loop3A_746, %parallel_loop3A_767 : i32
      %parallel_loop3A_769 = vector.broadcast %parallel_loop3A_768 : i32 to vector<16xi32>
      %parallel_loop3A_770 = arith.addi %parallel_loop3A_769, %iota3A : vector<16xi32>
      %parallel_loop3A_771 = arith.constant 3 : i32
      %parallel_loop3A_772 = vector.broadcast %parallel_loop3A_771 : i32 to vector<16xi32>
      %parallel_loop3A_773 = arith.shrui %parallel_loop3A_770, %parallel_loop3A_772 : vector<16xi32>
      %parallel_loop3A_774 = arith.constant 7 : i32
      %parallel_loop3A_775 = vector.broadcast %parallel_loop3A_774 : i32 to vector<16xi32>
      %parallel_loop3A_776 = arith.shrui %parallel_loop3A_756, %parallel_loop3A_775 : vector<16xi32>
      %parallel_loop3A_777 = arith.constant 7 : i32
      %parallel_loop3A_778 = vector.broadcast %parallel_loop3A_777 : i32 to vector<16xi32>
      %parallel_loop3A_779 = arith.andi %parallel_loop3A_770, %parallel_loop3A_778 : vector<16xi32>
      %parallel_loop3A_780 = arith.constant 127 : i32
      %parallel_loop3A_781 = vector.broadcast %parallel_loop3A_780 : i32 to vector<16xi32>
      %parallel_loop3A_782 = arith.andi %parallel_loop3A_756, %parallel_loop3A_781 : vector<16xi32>
      %parallel_loop3A_783 = arith.constant 1 : i32
      %parallel_loop3A_784 = arith.constant 0 : i32
      %parallel_loop3A_785 = arith.constant 0 : i32
      %parallel_loop3A_786 = arith.constant 0 : i32
      %parallel_loop3A_787 = arith.constant 0 : i32
      %parallel_loop3A_788 = tpu.memref_slice %arg7[%parallel_loop3A_783, %parallel_loop3A_784, %parallel_loop3A_785, %parallel_loop3A_786, %parallel_loop3A_787] : memref<2x8x4x8x128xf32, #tpu.memory_space<vmem>> -> memref<1x8x4x8x128xf32, #tpu.memory_space<vmem>>
      %parallel_loop3A_789 = tpu.memref_squeeze %parallel_loop3A_788 : memref<1x8x4x8x128xf32, #tpu.memory_space<vmem>> -> memref<8x4x8x128xf32, #tpu.memory_space<vmem>>
      tpu.vector_store_idx %parallel_loop3A_789[%parallel_loop3A_773, %parallel_loop3A_776, %parallel_loop3A_779, %parallel_loop3A_782], %parallel_loop3A_766 {add = true} : memref<8x4x8x128xf32, #tpu.memory_space<vmem>>[vector<16xi32>, vector<16xi32>, vector<16xi32>, vector<16xi32>], vector<16xf32>,
    } {sc.loop_unroll_factor = 4 : i64, sc.parallel_access}
    %jit3A_158 = arith.constant 8 : i32
    %div3A_159 = arith.divsi %add3A_154, %jit3A_158 : i32
    %sign3A_160 = arith.constant 0 : i32
    %sign3A_161 = arith.cmpi sgt, %add3A_154, %sign3A_160 : i32
    %sign3A_162 = arith.extui %sign3A_161 : i1 to i32
    %sign3A_163 = arith.constant 0 : i32
    %sign3A_164 = arith.cmpi slt, %add3A_154, %sign3A_163 : i32
    %sign3A_165 = arith.extui %sign3A_164 : i1 to i32
    %sign3A_166 = arith.subi %sign3A_162, %sign3A_165 : i32
    %sign3A_167 = arith.constant 0 : i32
    %sign3A_168 = arith.cmpi sgt, %jit3A_158, %sign3A_167 : i32
    %sign3A_169 = arith.extui %sign3A_168 : i1 to i32
    %sign3A_170 = arith.constant 0 : i32
    %sign3A_171 = arith.cmpi slt, %jit3A_158, %sign3A_170 : i32
    %sign3A_172 = arith.extui %sign3A_171 : i1 to i32
    %sign3A_173 = arith.subi %sign3A_169, %sign3A_172 : i32
    %ne3A_174 = arith.cmpi ne, %sign3A_166, %sign3A_173 : i32
    %rem3A_175 = arith.remsi %add3A_154, %jit3A_158 : i32
    %ne3A_176 = arith.constant 0 : i32
    %ne3A_177 = arith.cmpi ne, %rem3A_175, %ne3A_176 : i32
    %and3A_178 = arith.andi %ne3A_174, %ne3A_177 : i1
    %sub3A_179 = arith.constant 1 : i32
    %sub3A_180 = arith.subi %div3A_159, %sub3A_179 : i32
    %select_n3A_181 = arith.select %and3A_178, %sub3A_180, %div3A_159 : i32
    %jit3A_182 = arith.constant 8 : i32
    %eq3A_183 = arith.constant 0 : i32
    %eq3A_184 = arith.cmpi eq, %jit3A_182, %eq3A_183 : i32
    %jit3A_185 = arith.constant 1 : i32
    %select_n3A_186 = arith.select %eq3A_184, %jit3A_185, %jit3A_182 : i32
    %rem3A_187 = arith.remsi %add3A_154, %select_n3A_186 : i32
    %ne3A_188 = arith.constant 0 : i32
    %ne3A_189 = arith.cmpi ne, %rem3A_187, %ne3A_188 : i32
    %lt3A_190 = arith.constant 0 : i32
    %lt3A_191 = arith.cmpi slt, %rem3A_187, %lt3A_190 : i32
    %lt3A_192 = arith.constant 0 : i32
    %lt3A_193 = arith.cmpi slt, %select_n3A_186, %lt3A_192 : i32
    %ne3A_194 = arith.xori %lt3A_191, %lt3A_193 : i1
    %and3A_195 = arith.andi %ne3A_194, %ne3A_189 : i1
    %add3A_196 = arith.addi %rem3A_187, %select_n3A_186 : i32
    %select_n3A_197 = arith.select %and3A_195, %add3A_196, %rem3A_187 : i32
    %mul3A_198 = arith.constant 8 : i32
    %mul3A_199 = arith.muli %select_n3A_197, %mul3A_198 : i32
    %dma_start3A_200 = arith.constant 1 : i32
    %dma_start3A_201 = arith.constant 1 : i32
    %dma_start3A_202 = arith.constant 0 : i32
    %dma_start3A_203 = arith.constant 0 : i32
    %dma_start3A_204 = arith.constant 0 : i32
    %dma_start3A_205 = arith.constant 0 : i32
    %dma_start3A_206 = tpu.memref_slice %arg7[%dma_start3A_200, %dma_start3A_202, %dma_start3A_203, %dma_start3A_204, %dma_start3A_205] : memref<2x8x4x8x128xf32, #tpu.memory_space<vmem>> -> memref<1x8x4x8x128xf32, #tpu.memory_space<vmem>>
    %dma_start3A_207 = tpu.memref_squeeze %dma_start3A_206 : memref<1x8x4x8x128xf32, #tpu.memory_space<vmem>> -> memref<8x4x8x128xf32, #tpu.memory_space<vmem>>
    %dma_start3A_208 = arith.constant 0 : i32
    %dma_start3A_209 = arith.constant 0 : i32
    %dma_start3A_210 = arith.constant 0 : i32
    %dma_start3A_211 = tpu.memref_slice %arg4[%select_n3A_181, %mul3A_199, %dma_start3A_208, %dma_start3A_209, %dma_start3A_210] : memref<16x64x4x8x128xf32, #tpu.memory_space<hbm>> -> memref<1x8x4x8x128xf32, #tpu.memory_space<hbm>>
    %dma_start3A_212 = tpu.memref_squeeze %dma_start3A_211 : memref<1x8x4x8x128xf32, #tpu.memory_space<hbm>> -> memref<8x4x8x128xf32, #tpu.memory_space<hbm>>
    %dma_start3A_213 = tpu.memref_slice %arg8[%dma_start3A_201] : memref<2x!tpu.dma_semaphore, #tpu.memory_space<semaphore_mem>> -> memref<1x!tpu.dma_semaphore, #tpu.memory_space<semaphore_mem>>
    %dma_start3A_214 = tpu.memref_squeeze %dma_start3A_213 : memref<1x!tpu.dma_semaphore, #tpu.memory_space<semaphore_mem>> -> memref<!tpu.dma_semaphore, #tpu.memory_space<semaphore_mem>>
    %dma_start3A_215 = arith.constant 0 : i32
    %dma_start3A_216 = arith.constant 0 : i32
    %dma_start3A_217 = arith.constant 0 : i32
    %dma_start3A_218 = tpu.memref_slice %arg4[%select_n3A_181, %mul3A_199, %dma_start3A_215, %dma_start3A_216, %dma_start3A_217] : memref<16x64x4x8x128xf32, #tpu.memory_space<hbm>> -> memref<1x8x4x8x128xf32, #tpu.memory_space<hbm>>
    %dma_start3A_219 = tpu.memref_squeeze %dma_start3A_218 : memref<1x8x4x8x128xf32, #tpu.memory_space<hbm>> -> memref<8x4x8x128xf32, #tpu.memory_space<hbm>>
    %dma_start3A_220 = arith.constant 0 : i32
    %dma_start3A_221 = arith.constant 0 : i32
    %dma_start3A_222 = arith.constant 0 : i32
    %dma_start3A_223 = arith.constant 0 : i32
    %dma_start3A_224 = tpu.memref_slice %arg7[%dma_start3A_200, %dma_start3A_220, %dma_start3A_221, %dma_start3A_222, %dma_start3A_223] : memref<2x8x4x8x128xf32, #tpu.memory_space<vmem>> -> memref<1x8x4x8x128xf32, #tpu.memory_space<vmem>>
    %dma_start3A_225 = tpu.memref_squeeze %dma_start3A_224 : memref<1x8x4x8x128xf32, #tpu.memory_space<vmem>> -> memref<8x4x8x128xf32, #tpu.memory_space<vmem>>
    tpu.enqueue_dma source(%dma_start3A_225 : memref<8x4x8x128xf32, #tpu.memory_space<vmem>>) target(%dma_start3A_219 : memref<8x4x8x128xf32, #tpu.memory_space<hbm>>) target_semaphore(%dma_start3A_214 : memref<!tpu.dma_semaphore, #tpu.memory_space<semaphore_mem>>)
    %mul3A_226 = arith.constant 4 : i32
    %mul3A_227 = arith.muli %add3A, %mul3A_226 : i32
    %add3A_228 = arith.constant 2 : i32
    %add3A_229 = arith.addi %mul3A_227, %add3A_228 : i32
    %sub3A_230 = arith.constant 2 : i32
    %sub3A_231 = arith.subi %add3A_229, %sub3A_230 : i32
    %jit3A_232 = arith.constant 8 : i32
    %div3A_233 = arith.divsi %sub3A_231, %jit3A_232 : i32
    %sign3A_234 = arith.constant 0 : i32
    %sign3A_235 = arith.cmpi sgt, %sub3A_231, %sign3A_234 : i32
    %sign3A_236 = arith.extui %sign3A_235 : i1 to i32
    %sign3A_237 = arith.constant 0 : i32
    %sign3A_238 = arith.cmpi slt, %sub3A_231, %sign3A_237 : i32
    %sign3A_239 = arith.extui %sign3A_238 : i1 to i32
    %sign3A_240 = arith.subi %sign3A_236, %sign3A_239 : i32
    %sign3A_241 = arith.constant 0 : i32
    %sign3A_242 = arith.cmpi sgt, %jit3A_232, %sign3A_241 : i32
    %sign3A_243 = arith.extui %sign3A_242 : i1 to i32
    %sign3A_244 = arith.constant 0 : i32
    %sign3A_245 = arith.cmpi slt, %jit3A_232, %sign3A_244 : i32
    %sign3A_246 = arith.extui %sign3A_245 : i1 to i32
    %sign3A_247 = arith.subi %sign3A_243, %sign3A_246 : i32
    %ne3A_248 = arith.cmpi ne, %sign3A_240, %sign3A_247 : i32
    %rem3A_249 = arith.remsi %sub3A_231, %jit3A_232 : i32
    %ne3A_250 = arith.constant 0 : i32
    %ne3A_251 = arith.cmpi ne, %rem3A_249, %ne3A_250 : i32
    %and3A_252 = arith.andi %ne3A_248, %ne3A_251 : i1
    %sub3A_253 = arith.constant 1 : i32
    %sub3A_254 = arith.subi %div3A_233, %sub3A_253 : i32
    %select_n3A_255 = arith.select %and3A_252, %sub3A_254, %div3A_233 : i32
    %jit3A_256 = arith.constant 8 : i32
    %eq3A_257 = arith.constant 0 : i32
    %eq3A_258 = arith.cmpi eq, %jit3A_256, %eq3A_257 : i32
    %jit3A_259 = arith.constant 1 : i32
    %select_n3A_260 = arith.select %eq3A_258, %jit3A_259, %jit3A_256 : i32
    %rem3A_261 = arith.remsi %sub3A_231, %select_n3A_260 : i32
    %ne3A_262 = arith.constant 0 : i32
    %ne3A_263 = arith.cmpi ne, %rem3A_261, %ne3A_262 : i32
    %lt3A_264 = arith.constant 0 : i32
    %lt3A_265 = arith.cmpi slt, %rem3A_261, %lt3A_264 : i32
    %lt3A_266 = arith.constant 0 : i32
    %lt3A_267 = arith.cmpi slt, %select_n3A_260, %lt3A_266 : i32
    %ne3A_268 = arith.xori %lt3A_265, %lt3A_267 : i1
    %and3A_269 = arith.andi %ne3A_268, %ne3A_263 : i1
    %add3A_270 = arith.addi %rem3A_261, %select_n3A_260 : i32
    %select_n3A_271 = arith.select %and3A_269, %add3A_270, %rem3A_261 : i32
    %mul3A_272 = arith.constant 8 : i32
    %mul3A_273 = arith.muli %select_n3A_271, %mul3A_272 : i32
    %dma_wait3A_274 = arith.constant 0 : i32
    %dma_wait3A_275 = arith.constant 0 : i32
    %dma_wait3A_276 = arith.constant 0 : i32
    %dma_wait3A_277 = arith.constant 0 : i32
    %dma_wait3A_278 = arith.constant 0 : i32
    %dma_wait3A_279 = arith.constant 0 : i32
    %dma_wait3A_280 = tpu.memref_slice %arg7[%dma_wait3A_274, %dma_wait3A_276, %dma_wait3A_277, %dma_wait3A_278, %dma_wait3A_279] : memref<2x8x4x8x128xf32, #tpu.memory_space<vmem>> -> memref<1x8x4x8x128xf32, #tpu.memory_space<vmem>>
    %dma_wait3A_281 = tpu.memref_squeeze %dma_wait3A_280 : memref<1x8x4x8x128xf32, #tpu.memory_space<vmem>> -> memref<8x4x8x128xf32, #tpu.memory_space<vmem>>
    %dma_wait3A_282 = arith.constant 0 : i32
    %dma_wait3A_283 = arith.constant 0 : i32
    %dma_wait3A_284 = arith.constant 0 : i32
    %dma_wait3A_285 = tpu.memref_slice %arg4[%select_n3A_255, %mul3A_273, %dma_wait3A_282, %dma_wait3A_283, %dma_wait3A_284] : memref<16x64x4x8x128xf32, #tpu.memory_space<hbm>> -> memref<1x8x4x8x128xf32, #tpu.memory_space<hbm>>
    %dma_wait3A_286 = tpu.memref_squeeze %dma_wait3A_285 : memref<1x8x4x8x128xf32, #tpu.memory_space<hbm>> -> memref<8x4x8x128xf32, #tpu.memory_space<hbm>>
    %dma_wait3A_287 = tpu.memref_slice %arg8[%dma_wait3A_275] : memref<2x!tpu.dma_semaphore, #tpu.memory_space<semaphore_mem>> -> memref<1x!tpu.dma_semaphore, #tpu.memory_space<semaphore_mem>>
    %dma_wait3A_288 = tpu.memref_squeeze %dma_wait3A_287 : memref<1x!tpu.dma_semaphore, #tpu.memory_space<semaphore_mem>> -> memref<!tpu.dma_semaphore, #tpu.memory_space<semaphore_mem>>
    %dma_wait3A_289 = arith.constant 0 : i32
    %dma_wait3A_290 = arith.constant 0 : i32
    %dma_wait3A_291 = arith.constant 0 : i32
    %dma_wait3A_292 = tpu.memref_slice %arg4[%select_n3A_255, %mul3A_273, %dma_wait3A_289, %dma_wait3A_290, %dma_wait3A_291] : memref<16x64x4x8x128xf32, #tpu.memory_space<hbm>> -> memref<1x8x4x8x128xf32, #tpu.memory_space<hbm>>
    %dma_wait3A_293 = tpu.memref_squeeze %dma_wait3A_292 : memref<1x8x4x8x128xf32, #tpu.memory_space<hbm>> -> memref<8x4x8x128xf32, #tpu.memory_space<hbm>>
    %dma_wait3A_294 = arith.constant 0 : i32
    %dma_wait3A_295 = arith.constant 0 : i32
    %dma_wait3A_296 = arith.constant 0 : i32
    %dma_wait3A_297 = arith.constant 0 : i32
    %dma_wait3A_298 = tpu.memref_slice %arg7[%dma_wait3A_274, %dma_wait3A_294, %dma_wait3A_295, %dma_wait3A_296, %dma_wait3A_297] : memref<2x8x4x8x128xf32, #tpu.memory_space<vmem>> -> memref<1x8x4x8x128xf32, #tpu.memory_space<vmem>>
    %dma_wait3A_299 = tpu.memref_squeeze %dma_wait3A_298 : memref<1x8x4x8x128xf32, #tpu.memory_space<vmem>> -> memref<8x4x8x128xf32, #tpu.memory_space<vmem>>
    tpu.wait_dma2 semaphore(%dma_wait3A_288 : memref<!tpu.dma_semaphore, #tpu.memory_space<semaphore_mem>>) src(%dma_wait3A_299 : memref<8x4x8x128xf32, #tpu.memory_space<vmem>>) dst(%dma_wait3A_293 : memref<8x4x8x128xf32, #tpu.memory_space<hbm>>)
    %parallel_loop3A_300 = arith.constant 0 : i32
    %parallel_loop3A_301 = arith.constant 128 : i32
    %parallel_loop3A_302 = arith.constant 1 : i32
    scf.for %parallel_loop3A_666 = %parallel_loop3A_300 to %parallel_loop3A_301 step %parallel_loop3A_302  : i32 {
      %parallel_loop3A_667 = arith.constant 32 : i32
      %parallel_loop3A_668 = arith.divsi %parallel_loop3A_666, %parallel_loop3A_667 : i32
      %parallel_loop3A_669 = arith.constant 0 : i32
      %parallel_loop3A_670 = arith.cmpi sgt, %parallel_loop3A_666, %parallel_loop3A_669 : i32
      %parallel_loop3A_671 = arith.extui %parallel_loop3A_670 : i1 to i32
      %parallel_loop3A_672 = arith.constant 0 : i32
      %parallel_loop3A_673 = arith.cmpi slt, %parallel_loop3A_666, %parallel_loop3A_672 : i32
      %parallel_loop3A_674 = arith.extui %parallel_loop3A_673 : i1 to i32
      %parallel_loop3A_675 = arith.subi %parallel_loop3A_671, %parallel_loop3A_674 : i32
      %parallel_loop3A_676 = arith.constant 0 : i32
      %parallel_loop3A_677 = arith.cmpi sgt, %parallel_loop3A_667, %parallel_loop3A_676 : i32
      %parallel_loop3A_678 = arith.extui %parallel_loop3A_677 : i1 to i32
      %parallel_loop3A_679 = arith.constant 0 : i32
      %parallel_loop3A_680 = arith.cmpi slt, %parallel_loop3A_667, %parallel_loop3A_679 : i32
      %parallel_loop3A_681 = arith.extui %parallel_loop3A_680 : i1 to i32
      %parallel_loop3A_682 = arith.subi %parallel_loop3A_678, %parallel_loop3A_681 : i32
      %parallel_loop3A_683 = arith.cmpi ne, %parallel_loop3A_675, %parallel_loop3A_682 : i32
      %parallel_loop3A_684 = arith.remsi %parallel_loop3A_666, %parallel_loop3A_667 : i32
      %parallel_loop3A_685 = arith.constant 0 : i32
      %parallel_loop3A_686 = arith.cmpi ne, %parallel_loop3A_684, %parallel_loop3A_685 : i32
      %parallel_loop3A_687 = arith.andi %parallel_loop3A_683, %parallel_loop3A_686 : i1
      %parallel_loop3A_688 = arith.constant 1 : i32
      %parallel_loop3A_689 = arith.subi %parallel_loop3A_668, %parallel_loop3A_688 : i32
      %parallel_loop3A_690 = arith.select %parallel_loop3A_687, %parallel_loop3A_689, %parallel_loop3A_668 : i32
      %parallel_loop3A_691 = arith.constant 4 : i32
      %parallel_loop3A_692 = arith.divsi %parallel_loop3A_666, %parallel_loop3A_691 : i32
      %parallel_loop3A_693 = arith.constant 0 : i32
      %parallel_loop3A_694 = arith.cmpi sgt, %parallel_loop3A_666, %parallel_loop3A_693 : i32
      %parallel_loop3A_695 = arith.extui %parallel_loop3A_694 : i1 to i32
      %parallel_loop3A_696 = arith.constant 0 : i32
      %parallel_loop3A_697 = arith.cmpi slt, %parallel_loop3A_666, %parallel_loop3A_696 : i32
      %parallel_loop3A_698 = arith.extui %parallel_loop3A_697 : i1 to i32
      %parallel_loop3A_699 = arith.subi %parallel_loop3A_695, %parallel_loop3A_698 : i32
      %parallel_loop3A_700 = arith.constant 0 : i32
      %parallel_loop3A_701 = arith.cmpi sgt, %parallel_loop3A_691, %parallel_loop3A_700 : i32
      %parallel_loop3A_702 = arith.extui %parallel_loop3A_701 : i1 to i32
      %parallel_loop3A_703 = arith.constant 0 : i32
      %parallel_loop3A_704 = arith.cmpi slt, %parallel_loop3A_691, %parallel_loop3A_703 : i32
      %parallel_loop3A_705 = arith.extui %parallel_loop3A_704 : i1 to i32
      %parallel_loop3A_706 = arith.subi %parallel_loop3A_702, %parallel_loop3A_705 : i32
      %parallel_loop3A_707 = arith.cmpi ne, %parallel_loop3A_699, %parallel_loop3A_706 : i32
      %parallel_loop3A_708 = arith.remsi %parallel_loop3A_666, %parallel_loop3A_691 : i32
      %parallel_loop3A_709 = arith.constant 0 : i32
      %parallel_loop3A_710 = arith.cmpi ne, %parallel_loop3A_708, %parallel_loop3A_709 : i32
      %parallel_loop3A_711 = arith.andi %parallel_loop3A_707, %parallel_loop3A_710 : i1
      %parallel_loop3A_712 = arith.constant 1 : i32
      %parallel_loop3A_713 = arith.subi %parallel_loop3A_692, %parallel_loop3A_712 : i32
      %parallel_loop3A_714 = arith.select %parallel_loop3A_711, %parallel_loop3A_713, %parallel_loop3A_692 : i32
      %parallel_loop3A_715 = arith.constant 8 : i32
      %parallel_loop3A_716 = arith.constant 0 : i32
      %parallel_loop3A_717 = arith.cmpi eq, %parallel_loop3A_715, %parallel_loop3A_716 : i32
      %parallel_loop3A_718 = arith.constant 1 : i32
      %parallel_loop3A_719 = arith.select %parallel_loop3A_717, %parallel_loop3A_718, %parallel_loop3A_715 : i32
      %parallel_loop3A_720 = arith.remsi %parallel_loop3A_714, %parallel_loop3A_719 : i32
      %parallel_loop3A_721 = arith.constant 0 : i32
      %parallel_loop3A_722 = arith.cmpi ne, %parallel_loop3A_720, %parallel_loop3A_721 : i32
      %parallel_loop3A_723 = arith.constant 0 : i32
      %parallel_loop3A_724 = arith.cmpi slt, %parallel_loop3A_720, %parallel_loop3A_723 : i32
      %parallel_loop3A_725 = arith.constant 0 : i32
      %parallel_loop3A_726 = arith.cmpi slt, %parallel_loop3A_719, %parallel_loop3A_725 : i32
      %parallel_loop3A_727 = arith.xori %parallel_loop3A_724, %parallel_loop3A_726 : i1
      %parallel_loop3A_728 = arith.andi %parallel_loop3A_727, %parallel_loop3A_722 : i1
      %parallel_loop3A_729 = arith.addi %parallel_loop3A_720, %parallel_loop3A_719 : i32
      %parallel_loop3A_730 = arith.select %parallel_loop3A_728, %parallel_loop3A_729, %parallel_loop3A_720 : i32
      %parallel_loop3A_731 = arith.constant 4 : i32
      %parallel_loop3A_732 = arith.constant 0 : i32
      %parallel_loop3A_733 = arith.cmpi eq, %parallel_loop3A_731, %parallel_loop3A_732 : i32
      %parallel_loop3A_734 = arith.constant 1 : i32
      %parallel_loop3A_735 = arith.select %parallel_loop3A_733, %parallel_loop3A_734, %parallel_loop3A_731 : i32
      %parallel_loop3A_736 = arith.remsi %parallel_loop3A_666, %parallel_loop3A_735 : i32
      %parallel_loop3A_737 = arith.constant 0 : i32
      %parallel_loop3A_738 = arith.cmpi ne, %parallel_loop3A_736, %parallel_loop3A_737 : i32
      %parallel_loop3A_739 = arith.constant 0 : i32
      %parallel_loop3A_740 = arith.cmpi slt, %parallel_loop3A_736, %parallel_loop3A_739 : i32
      %parallel_loop3A_741 = arith.constant 0 : i32
      %parallel_loop3A_742 = arith.cmpi slt, %parallel_loop3A_735, %parallel_loop3A_741 : i32
      %parallel_loop3A_743 = arith.xori %parallel_loop3A_740, %parallel_loop3A_742 : i1
      %parallel_loop3A_744 = arith.andi %parallel_loop3A_743, %parallel_loop3A_738 : i1
      %parallel_loop3A_745 = arith.addi %parallel_loop3A_736, %parallel_loop3A_735 : i32
      %parallel_loop3A_746 = arith.select %parallel_loop3A_744, %parallel_loop3A_745, %parallel_loop3A_736 : i32
      %parallel_loop3A_747 = arith.constant 16 : i32
      %parallel_loop3A_748 = arith.muli %parallel_loop3A_746, %parallel_loop3A_747 : i32
      %parallel_loop3A_749 = arith.constant 0 : i32
      %parallel_loop3A_750 = arith.addi %parallel_loop3A_749, %parallel_loop3A_748 : i32
      %parallel_loop3A_751 = arith.constant 0 : i32
      %parallel_loop3A_752 = arith.index_cast %parallel_loop3A_690 : i32 to index
      %parallel_loop3A_753 = arith.index_cast %parallel_loop3A_751 : i32 to index
      %parallel_loop3A_754 = arith.index_cast %parallel_loop3A_730 : i32 to index
      %parallel_loop3A_755 = arith.index_cast %parallel_loop3A_750 : i32 to index
      %parallel_loop3A_756 = tpu.vector_load %arg5[%parallel_loop3A_752, %parallel_loop3A_753, %parallel_loop3A_754, %parallel_loop3A_755] {strides = array<i32>} : memref<4x2x8x128xi32, #tpu.memory_space<vmem>>, vector<16xi32>,
      %parallel_loop3A_757 = arith.constant 16 : i32
      %parallel_loop3A_758 = arith.muli %parallel_loop3A_746, %parallel_loop3A_757 : i32
      %parallel_loop3A_759 = vector.broadcast %parallel_loop3A_758 : i32 to vector<16xi32>
      %parallel_loop3A_760 = arith.addi %parallel_loop3A_759, %iota3A : vector<16xi32>
      %parallel_loop3A_761 = arith.constant 3 : i32
      %parallel_loop3A_762 = vector.broadcast %parallel_loop3A_761 : i32 to vector<16xi32>
      %parallel_loop3A_763 = arith.shrui %parallel_loop3A_760, %parallel_loop3A_762 : vector<16xi32>
      %parallel_loop3A_764 = arith.constant 7 : i32
      %parallel_loop3A_765 = vector.broadcast %parallel_loop3A_764 : i32 to vector<16xi32>
      %parallel_loop3A_766 = arith.shrui %parallel_loop3A_756, %parallel_loop3A_765 : vector<16xi32>
      %parallel_loop3A_767 = arith.constant 7 : i32
      %parallel_loop3A_768 = vector.broadcast %parallel_loop3A_767 : i32 to vector<16xi32>
      %parallel_loop3A_769 = arith.andi %parallel_loop3A_760, %parallel_loop3A_768 : vector<16xi32>
      %parallel_loop3A_770 = arith.constant 127 : i32
      %parallel_loop3A_771 = vector.broadcast %parallel_loop3A_770 : i32 to vector<16xi32>
      %parallel_loop3A_772 = arith.andi %parallel_loop3A_756, %parallel_loop3A_771 : vector<16xi32>
      %parallel_loop3A_773 = arith.constant 0 : i32
      %parallel_loop3A_774 = arith.constant 0 : i32
      %parallel_loop3A_775 = arith.constant 0 : i32
      %parallel_loop3A_776 = arith.constant 0 : i32
      %parallel_loop3A_777 = arith.constant 0 : i32
      %parallel_loop3A_778 = tpu.memref_slice %arg7[%parallel_loop3A_773, %parallel_loop3A_774, %parallel_loop3A_775, %parallel_loop3A_776, %parallel_loop3A_777] : memref<2x8x4x8x128xf32, #tpu.memory_space<vmem>> -> memref<1x8x4x8x128xf32, #tpu.memory_space<vmem>>
      %parallel_loop3A_779 = tpu.memref_squeeze %parallel_loop3A_778 : memref<1x8x4x8x128xf32, #tpu.memory_space<vmem>> -> memref<8x4x8x128xf32, #tpu.memory_space<vmem>>
      tpu.vector_store_idx %parallel_loop3A_779[%parallel_loop3A_763, %parallel_loop3A_766, %parallel_loop3A_769, %parallel_loop3A_772], %broadcast_in_dim3A_1 : memref<8x4x8x128xf32, #tpu.memory_space<vmem>>[vector<16xi32>, vector<16xi32>, vector<16xi32>, vector<16xi32>], vector<16xf32>,
    } {sc.loop_unroll_factor = 4 : i64, sc.parallel_access}
    %parallel_loop3A_303 = arith.constant 0 : i32
    %parallel_loop3A_304 = arith.constant 128 : i32
    %parallel_loop3A_305 = arith.constant 1 : i32
    scf.for %parallel_loop3A_666 = %parallel_loop3A_303 to %parallel_loop3A_304 step %parallel_loop3A_305  : i32 {
      %parallel_loop3A_667 = arith.constant 32 : i32
      %parallel_loop3A_668 = arith.divsi %parallel_loop3A_666, %parallel_loop3A_667 : i32
      %parallel_loop3A_669 = arith.constant 0 : i32
      %parallel_loop3A_670 = arith.cmpi sgt, %parallel_loop3A_666, %parallel_loop3A_669 : i32
      %parallel_loop3A_671 = arith.extui %parallel_loop3A_670 : i1 to i32
      %parallel_loop3A_672 = arith.constant 0 : i32
      %parallel_loop3A_673 = arith.cmpi slt, %parallel_loop3A_666, %parallel_loop3A_672 : i32
      %parallel_loop3A_674 = arith.extui %parallel_loop3A_673 : i1 to i32
      %parallel_loop3A_675 = arith.subi %parallel_loop3A_671, %parallel_loop3A_674 : i32
      %parallel_loop3A_676 = arith.constant 0 : i32
      %parallel_loop3A_677 = arith.cmpi sgt, %parallel_loop3A_667, %parallel_loop3A_676 : i32
      %parallel_loop3A_678 = arith.extui %parallel_loop3A_677 : i1 to i32
      %parallel_loop3A_679 = arith.constant 0 : i32
      %parallel_loop3A_680 = arith.cmpi slt, %parallel_loop3A_667, %parallel_loop3A_679 : i32
      %parallel_loop3A_681 = arith.extui %parallel_loop3A_680 : i1 to i32
      %parallel_loop3A_682 = arith.subi %parallel_loop3A_678, %parallel_loop3A_681 : i32
      %parallel_loop3A_683 = arith.cmpi ne, %parallel_loop3A_675, %parallel_loop3A_682 : i32
      %parallel_loop3A_684 = arith.remsi %parallel_loop3A_666, %parallel_loop3A_667 : i32
      %parallel_loop3A_685 = arith.constant 0 : i32
      %parallel_loop3A_686 = arith.cmpi ne, %parallel_loop3A_684, %parallel_loop3A_685 : i32
      %parallel_loop3A_687 = arith.andi %parallel_loop3A_683, %parallel_loop3A_686 : i1
      %parallel_loop3A_688 = arith.constant 1 : i32
      %parallel_loop3A_689 = arith.subi %parallel_loop3A_668, %parallel_loop3A_688 : i32
      %parallel_loop3A_690 = arith.select %parallel_loop3A_687, %parallel_loop3A_689, %parallel_loop3A_668 : i32
      %parallel_loop3A_691 = arith.constant 4 : i32
      %parallel_loop3A_692 = arith.divsi %parallel_loop3A_666, %parallel_loop3A_691 : i32
      %parallel_loop3A_693 = arith.constant 0 : i32
      %parallel_loop3A_694 = arith.cmpi sgt, %parallel_loop3A_666, %parallel_loop3A_693 : i32
      %parallel_loop3A_695 = arith.extui %parallel_loop3A_694 : i1 to i32
      %parallel_loop3A_696 = arith.constant 0 : i32
      %parallel_loop3A_697 = arith.cmpi slt, %parallel_loop3A_666, %parallel_loop3A_696 : i32
      %parallel_loop3A_698 = arith.extui %parallel_loop3A_697 : i1 to i32
      %parallel_loop3A_699 = arith.subi %parallel_loop3A_695, %parallel_loop3A_698 : i32
      %parallel_loop3A_700 = arith.constant 0 : i32
      %parallel_loop3A_701 = arith.cmpi sgt, %parallel_loop3A_691, %parallel_loop3A_700 : i32
      %parallel_loop3A_702 = arith.extui %parallel_loop3A_701 : i1 to i32
      %parallel_loop3A_703 = arith.constant 0 : i32
      %parallel_loop3A_704 = arith.cmpi slt, %parallel_loop3A_691, %parallel_loop3A_703 : i32
      %parallel_loop3A_705 = arith.extui %parallel_loop3A_704 : i1 to i32
      %parallel_loop3A_706 = arith.subi %parallel_loop3A_702, %parallel_loop3A_705 : i32
      %parallel_loop3A_707 = arith.cmpi ne, %parallel_loop3A_699, %parallel_loop3A_706 : i32
      %parallel_loop3A_708 = arith.remsi %parallel_loop3A_666, %parallel_loop3A_691 : i32
      %parallel_loop3A_709 = arith.constant 0 : i32
      %parallel_loop3A_710 = arith.cmpi ne, %parallel_loop3A_708, %parallel_loop3A_709 : i32
      %parallel_loop3A_711 = arith.andi %parallel_loop3A_707, %parallel_loop3A_710 : i1
      %parallel_loop3A_712 = arith.constant 1 : i32
      %parallel_loop3A_713 = arith.subi %parallel_loop3A_692, %parallel_loop3A_712 : i32
      %parallel_loop3A_714 = arith.select %parallel_loop3A_711, %parallel_loop3A_713, %parallel_loop3A_692 : i32
      %parallel_loop3A_715 = arith.constant 8 : i32
      %parallel_loop3A_716 = arith.constant 0 : i32
      %parallel_loop3A_717 = arith.cmpi eq, %parallel_loop3A_715, %parallel_loop3A_716 : i32
      %parallel_loop3A_718 = arith.constant 1 : i32
      %parallel_loop3A_719 = arith.select %parallel_loop3A_717, %parallel_loop3A_718, %parallel_loop3A_715 : i32
      %parallel_loop3A_720 = arith.remsi %parallel_loop3A_714, %parallel_loop3A_719 : i32
      %parallel_loop3A_721 = arith.constant 0 : i32
      %parallel_loop3A_722 = arith.cmpi ne, %parallel_loop3A_720, %parallel_loop3A_721 : i32
      %parallel_loop3A_723 = arith.constant 0 : i32
      %parallel_loop3A_724 = arith.cmpi slt, %parallel_loop3A_720, %parallel_loop3A_723 : i32
      %parallel_loop3A_725 = arith.constant 0 : i32
      %parallel_loop3A_726 = arith.cmpi slt, %parallel_loop3A_719, %parallel_loop3A_725 : i32
      %parallel_loop3A_727 = arith.xori %parallel_loop3A_724, %parallel_loop3A_726 : i1
      %parallel_loop3A_728 = arith.andi %parallel_loop3A_727, %parallel_loop3A_722 : i1
      %parallel_loop3A_729 = arith.addi %parallel_loop3A_720, %parallel_loop3A_719 : i32
      %parallel_loop3A_730 = arith.select %parallel_loop3A_728, %parallel_loop3A_729, %parallel_loop3A_720 : i32
      %parallel_loop3A_731 = arith.constant 4 : i32
      %parallel_loop3A_732 = arith.constant 0 : i32
      %parallel_loop3A_733 = arith.cmpi eq, %parallel_loop3A_731, %parallel_loop3A_732 : i32
      %parallel_loop3A_734 = arith.constant 1 : i32
      %parallel_loop3A_735 = arith.select %parallel_loop3A_733, %parallel_loop3A_734, %parallel_loop3A_731 : i32
      %parallel_loop3A_736 = arith.remsi %parallel_loop3A_666, %parallel_loop3A_735 : i32
      %parallel_loop3A_737 = arith.constant 0 : i32
      %parallel_loop3A_738 = arith.cmpi ne, %parallel_loop3A_736, %parallel_loop3A_737 : i32
      %parallel_loop3A_739 = arith.constant 0 : i32
      %parallel_loop3A_740 = arith.cmpi slt, %parallel_loop3A_736, %parallel_loop3A_739 : i32
      %parallel_loop3A_741 = arith.constant 0 : i32
      %parallel_loop3A_742 = arith.cmpi slt, %parallel_loop3A_735, %parallel_loop3A_741 : i32
      %parallel_loop3A_743 = arith.xori %parallel_loop3A_740, %parallel_loop3A_742 : i1
      %parallel_loop3A_744 = arith.andi %parallel_loop3A_743, %parallel_loop3A_738 : i1
      %parallel_loop3A_745 = arith.addi %parallel_loop3A_736, %parallel_loop3A_735 : i32
      %parallel_loop3A_746 = arith.select %parallel_loop3A_744, %parallel_loop3A_745, %parallel_loop3A_736 : i32
      %parallel_loop3A_747 = arith.constant 16 : i32
      %parallel_loop3A_748 = arith.muli %parallel_loop3A_746, %parallel_loop3A_747 : i32
      %parallel_loop3A_749 = arith.constant 0 : i32
      %parallel_loop3A_750 = arith.addi %parallel_loop3A_749, %parallel_loop3A_748 : i32
      %parallel_loop3A_751 = arith.constant 1 : i32
      %parallel_loop3A_752 = arith.index_cast %parallel_loop3A_690 : i32 to index
      %parallel_loop3A_753 = arith.index_cast %parallel_loop3A_751 : i32 to index
      %parallel_loop3A_754 = arith.index_cast %parallel_loop3A_730 : i32 to index
      %parallel_loop3A_755 = arith.index_cast %parallel_loop3A_750 : i32 to index
      %parallel_loop3A_756 = tpu.vector_load %arg5[%parallel_loop3A_752, %parallel_loop3A_753, %parallel_loop3A_754, %parallel_loop3A_755] {strides = array<i32>} : memref<4x2x8x128xi32, #tpu.memory_space<vmem>>, vector<16xi32>,
      %parallel_loop3A_757 = arith.constant 16 : i32
      %parallel_loop3A_758 = arith.muli %parallel_loop3A_746, %parallel_loop3A_757 : i32
      %parallel_loop3A_759 = arith.constant 0 : i32
      %parallel_loop3A_760 = arith.addi %parallel_loop3A_759, %parallel_loop3A_758 : i32
      %parallel_loop3A_761 = arith.constant 1 : i32
      %parallel_loop3A_762 = arith.index_cast %parallel_loop3A_690 : i32 to index
      %parallel_loop3A_763 = arith.index_cast %parallel_loop3A_761 : i32 to index
      %parallel_loop3A_764 = arith.index_cast %parallel_loop3A_730 : i32 to index
      %parallel_loop3A_765 = arith.index_cast %parallel_loop3A_760 : i32 to index
      %parallel_loop3A_766 = tpu.vector_load %arg6[%parallel_loop3A_762, %parallel_loop3A_763, %parallel_loop3A_764, %parallel_loop3A_765] {strides = array<i32>} : memref<4x2x8x128xf32, #tpu.memory_space<vmem>>, vector<16xf32>,
      %parallel_loop3A_767 = arith.constant 16 : i32
      %parallel_loop3A_768 = arith.muli %parallel_loop3A_746, %parallel_loop3A_767 : i32
      %parallel_loop3A_769 = vector.broadcast %parallel_loop3A_768 : i32 to vector<16xi32>
      %parallel_loop3A_770 = arith.addi %parallel_loop3A_769, %iota3A : vector<16xi32>
      %parallel_loop3A_771 = arith.constant 3 : i32
      %parallel_loop3A_772 = vector.broadcast %parallel_loop3A_771 : i32 to vector<16xi32>
      %parallel_loop3A_773 = arith.shrui %parallel_loop3A_770, %parallel_loop3A_772 : vector<16xi32>
      %parallel_loop3A_774 = arith.constant 7 : i32
      %parallel_loop3A_775 = vector.broadcast %parallel_loop3A_774 : i32 to vector<16xi32>
      %parallel_loop3A_776 = arith.shrui %parallel_loop3A_756, %parallel_loop3A_775 : vector<16xi32>
      %parallel_loop3A_777 = arith.constant 7 : i32
      %parallel_loop3A_778 = vector.broadcast %parallel_loop3A_777 : i32 to vector<16xi32>
      %parallel_loop3A_779 = arith.andi %parallel_loop3A_770, %parallel_loop3A_778 : vector<16xi32>
      %parallel_loop3A_780 = arith.constant 127 : i32
      %parallel_loop3A_781 = vector.broadcast %parallel_loop3A_780 : i32 to vector<16xi32>
      %parallel_loop3A_782 = arith.andi %parallel_loop3A_756, %parallel_loop3A_781 : vector<16xi32>
      %parallel_loop3A_783 = arith.constant 0 : i32
      %parallel_loop3A_784 = arith.constant 0 : i32
      %parallel_loop3A_785 = arith.constant 0 : i32
      %parallel_loop3A_786 = arith.constant 0 : i32
      %parallel_loop3A_787 = arith.constant 0 : i32
      %parallel_loop3A_788 = tpu.memref_slice %arg7[%parallel_loop3A_783, %parallel_loop3A_784, %parallel_loop3A_785, %parallel_loop3A_786, %parallel_loop3A_787] : memref<2x8x4x8x128xf32, #tpu.memory_space<vmem>> -> memref<1x8x4x8x128xf32, #tpu.memory_space<vmem>>
      %parallel_loop3A_789 = tpu.memref_squeeze %parallel_loop3A_788 : memref<1x8x4x8x128xf32, #tpu.memory_space<vmem>> -> memref<8x4x8x128xf32, #tpu.memory_space<vmem>>
      tpu.vector_store_idx %parallel_loop3A_789[%parallel_loop3A_773, %parallel_loop3A_776, %parallel_loop3A_779, %parallel_loop3A_782], %parallel_loop3A_766 {add = true} : memref<8x4x8x128xf32, #tpu.memory_space<vmem>>[vector<16xi32>, vector<16xi32>, vector<16xi32>, vector<16xi32>], vector<16xf32>,
    } {sc.loop_unroll_factor = 4 : i64, sc.parallel_access}
    %jit3A_306 = arith.constant 8 : i32
    %div3A_307 = arith.divsi %add3A_229, %jit3A_306 : i32
    %sign3A_308 = arith.constant 0 : i32
    %sign3A_309 = arith.cmpi sgt, %add3A_229, %sign3A_308 : i32
    %sign3A_310 = arith.extui %sign3A_309 : i1 to i32
    %sign3A_311 = arith.constant 0 : i32
    %sign3A_312 = arith.cmpi slt, %add3A_229, %sign3A_311 : i32
    %sign3A_313 = arith.extui %sign3A_312 : i1 to i32
    %sign3A_314 = arith.subi %sign3A_310, %sign3A_313 : i32
    %sign3A_315 = arith.constant 0 : i32
    %sign3A_316 = arith.cmpi sgt, %jit3A_306, %sign3A_315 : i32
    %sign3A_317 = arith.extui %sign3A_316 : i1 to i32
    %sign3A_318 = arith.constant 0 : i32
    %sign3A_319 = arith.cmpi slt, %jit3A_306, %sign3A_318 : i32
    %sign3A_320 = arith.extui %sign3A_319 : i1 to i32
    %sign3A_321 = arith.subi %sign3A_317, %sign3A_320 : i32
    %ne3A_322 = arith.cmpi ne, %sign3A_314, %sign3A_321 : i32
    %rem3A_323 = arith.remsi %add3A_229, %jit3A_306 : i32
    %ne3A_324 = arith.constant 0 : i32
    %ne3A_325 = arith.cmpi ne, %rem3A_323, %ne3A_324 : i32
    %and3A_326 = arith.andi %ne3A_322, %ne3A_325 : i1
    %sub3A_327 = arith.constant 1 : i32
    %sub3A_328 = arith.subi %div3A_307, %sub3A_327 : i32
    %select_n3A_329 = arith.select %and3A_326, %sub3A_328, %div3A_307 : i32
    %jit3A_330 = arith.constant 8 : i32
    %eq3A_331 = arith.constant 0 : i32
    %eq3A_332 = arith.cmpi eq, %jit3A_330, %eq3A_331 : i32
    %jit3A_333 = arith.constant 1 : i32
    %select_n3A_334 = arith.select %eq3A_332, %jit3A_333, %jit3A_330 : i32
    %rem3A_335 = arith.remsi %add3A_229, %select_n3A_334 : i32
    %ne3A_336 = arith.constant 0 : i32
    %ne3A_337 = arith.cmpi ne, %rem3A_335, %ne3A_336 : i32
    %lt3A_338 = arith.constant 0 : i32
    %lt3A_339 = arith.cmpi slt, %rem3A_335, %lt3A_338 : i32
    %lt3A_340 = arith.constant 0 : i32
    %lt3A_341 = arith.cmpi slt, %select_n3A_334, %lt3A_340 : i32
    %ne3A_342 = arith.xori %lt3A_339, %lt3A_341 : i1
    %and3A_343 = arith.andi %ne3A_342, %ne3A_337 : i1
    %add3A_344 = arith.addi %rem3A_335, %select_n3A_334 : i32
    %select_n3A_345 = arith.select %and3A_343, %add3A_344, %rem3A_335 : i32
    %mul3A_346 = arith.constant 8 : i32
    %mul3A_347 = arith.muli %select_n3A_345, %mul3A_346 : i32
    %dma_start3A_348 = arith.constant 0 : i32
    %dma_start3A_349 = arith.constant 0 : i32
    %dma_start3A_350 = arith.constant 0 : i32
    %dma_start3A_351 = arith.constant 0 : i32
    %dma_start3A_352 = arith.constant 0 : i32
    %dma_start3A_353 = arith.constant 0 : i32
    %dma_start3A_354 = tpu.memref_slice %arg7[%dma_start3A_348, %dma_start3A_350, %dma_start3A_351, %dma_start3A_352, %dma_start3A_353] : memref<2x8x4x8x128xf32, #tpu.memory_space<vmem>> -> memref<1x8x4x8x128xf32, #tpu.memory_space<vmem>>
    %dma_start3A_355 = tpu.memref_squeeze %dma_start3A_354 : memref<1x8x4x8x128xf32, #tpu.memory_space<vmem>> -> memref<8x4x8x128xf32, #tpu.memory_space<vmem>>
    %dma_start3A_356 = arith.constant 0 : i32
    %dma_start3A_357 = arith.constant 0 : i32
    %dma_start3A_358 = arith.constant 0 : i32
    %dma_start3A_359 = tpu.memref_slice %arg4[%select_n3A_329, %mul3A_347, %dma_start3A_356, %dma_start3A_357, %dma_start3A_358] : memref<16x64x4x8x128xf32, #tpu.memory_space<hbm>> -> memref<1x8x4x8x128xf32, #tpu.memory_space<hbm>>
    %dma_start3A_360 = tpu.memref_squeeze %dma_start3A_359 : memref<1x8x4x8x128xf32, #tpu.memory_space<hbm>> -> memref<8x4x8x128xf32, #tpu.memory_space<hbm>>
    %dma_start3A_361 = tpu.memref_slice %arg8[%dma_start3A_349] : memref<2x!tpu.dma_semaphore, #tpu.memory_space<semaphore_mem>> -> memref<1x!tpu.dma_semaphore, #tpu.memory_space<semaphore_mem>>
    %dma_start3A_362 = tpu.memref_squeeze %dma_start3A_361 : memref<1x!tpu.dma_semaphore, #tpu.memory_space<semaphore_mem>> -> memref<!tpu.dma_semaphore, #tpu.memory_space<semaphore_mem>>
    %dma_start3A_363 = arith.constant 0 : i32
    %dma_start3A_364 = arith.constant 0 : i32
    %dma_start3A_365 = arith.constant 0 : i32
    %dma_start3A_366 = tpu.memref_slice %arg4[%select_n3A_329, %mul3A_347, %dma_start3A_363, %dma_start3A_364, %dma_start3A_365] : memref<16x64x4x8x128xf32, #tpu.memory_space<hbm>> -> memref<1x8x4x8x128xf32, #tpu.memory_space<hbm>>
    %dma_start3A_367 = tpu.memref_squeeze %dma_start3A_366 : memref<1x8x4x8x128xf32, #tpu.memory_space<hbm>> -> memref<8x4x8x128xf32, #tpu.memory_space<hbm>>
    %dma_start3A_368 = arith.constant 0 : i32
    %dma_start3A_369 = arith.constant 0 : i32
    %dma_start3A_370 = arith.constant 0 : i32
    %dma_start3A_371 = arith.constant 0 : i32
    %dma_start3A_372 = tpu.memref_slice %arg7[%dma_start3A_348, %dma_start3A_368, %dma_start3A_369, %dma_start3A_370, %dma_start3A_371] : memref<2x8x4x8x128xf32, #tpu.memory_space<vmem>> -> memref<1x8x4x8x128xf32, #tpu.memory_space<vmem>>
    %dma_start3A_373 = tpu.memref_squeeze %dma_start3A_372 : memref<1x8x4x8x128xf32, #tpu.memory_space<vmem>> -> memref<8x4x8x128xf32, #tpu.memory_space<vmem>>
    tpu.enqueue_dma source(%dma_start3A_373 : memref<8x4x8x128xf32, #tpu.memory_space<vmem>>) target(%dma_start3A_367 : memref<8x4x8x128xf32, #tpu.memory_space<hbm>>) target_semaphore(%dma_start3A_362 : memref<!tpu.dma_semaphore, #tpu.memory_space<semaphore_mem>>)
    %mul3A_374 = arith.constant 4 : i32
    %mul3A_375 = arith.muli %add3A, %mul3A_374 : i32
    %add3A_376 = arith.constant 3 : i32
    %add3A_377 = arith.addi %mul3A_375, %add3A_376 : i32
    %sub3A_378 = arith.constant 2 : i32
    %sub3A_379 = arith.subi %add3A_377, %sub3A_378 : i32
    %jit3A_380 = arith.constant 8 : i32
    %div3A_381 = arith.divsi %sub3A_379, %jit3A_380 : i32
    %sign3A_382 = arith.constant 0 : i32
    %sign3A_383 = arith.cmpi sgt, %sub3A_379, %sign3A_382 : i32
    %sign3A_384 = arith.extui %sign3A_383 : i1 to i32
    %sign3A_385 = arith.constant 0 : i32
    %sign3A_386 = arith.cmpi slt, %sub3A_379, %sign3A_385 : i32
    %sign3A_387 = arith.extui %sign3A_386 : i1 to i32
    %sign3A_388 = arith.subi %sign3A_384, %sign3A_387 : i32
    %sign3A_389 = arith.constant 0 : i32
    %sign3A_390 = arith.cmpi sgt, %jit3A_380, %sign3A_389 : i32
    %sign3A_391 = arith.extui %sign3A_390 : i1 to i32
    %sign3A_392 = arith.constant 0 : i32
    %sign3A_393 = arith.cmpi slt, %jit3A_380, %sign3A_392 : i32
    %sign3A_394 = arith.extui %sign3A_393 : i1 to i32
    %sign3A_395 = arith.subi %sign3A_391, %sign3A_394 : i32
    %ne3A_396 = arith.cmpi ne, %sign3A_388, %sign3A_395 : i32
    %rem3A_397 = arith.remsi %sub3A_379, %jit3A_380 : i32
    %ne3A_398 = arith.constant 0 : i32
    %ne3A_399 = arith.cmpi ne, %rem3A_397, %ne3A_398 : i32
    %and3A_400 = arith.andi %ne3A_396, %ne3A_399 : i1
    %sub3A_401 = arith.constant 1 : i32
    %sub3A_402 = arith.subi %div3A_381, %sub3A_401 : i32
    %select_n3A_403 = arith.select %and3A_400, %sub3A_402, %div3A_381 : i32
    %jit3A_404 = arith.constant 8 : i32
    %eq3A_405 = arith.constant 0 : i32
    %eq3A_406 = arith.cmpi eq, %jit3A_404, %eq3A_405 : i32
    %jit3A_407 = arith.constant 1 : i32
    %select_n3A_408 = arith.select %eq3A_406, %jit3A_407, %jit3A_404 : i32
    %rem3A_409 = arith.remsi %sub3A_379, %select_n3A_408 : i32
    %ne3A_410 = arith.constant 0 : i32
    %ne3A_411 = arith.cmpi ne, %rem3A_409, %ne3A_410 : i32
    %lt3A_412 = arith.constant 0 : i32
    %lt3A_413 = arith.cmpi slt, %rem3A_409, %lt3A_412 : i32
    %lt3A_414 = arith.constant 0 : i32
    %lt3A_415 = arith.cmpi slt, %select_n3A_408, %lt3A_414 : i32
    %ne3A_416 = arith.xori %lt3A_413, %lt3A_415 : i1
    %and3A_417 = arith.andi %ne3A_416, %ne3A_411 : i1
    %add3A_418 = arith.addi %rem3A_409, %select_n3A_408 : i32
    %select_n3A_419 = arith.select %and3A_417, %add3A_418, %rem3A_409 : i32
    %mul3A_420 = arith.constant 8 : i32
    %mul3A_421 = arith.muli %select_n3A_419, %mul3A_420 : i32
    %dma_wait3A_422 = arith.constant 1 : i32
    %dma_wait3A_423 = arith.constant 1 : i32
    %dma_wait3A_424 = arith.constant 0 : i32
    %dma_wait3A_425 = arith.constant 0 : i32
    %dma_wait3A_426 = arith.constant 0 : i32
    %dma_wait3A_427 = arith.constant 0 : i32
    %dma_wait3A_428 = tpu.memref_slice %arg7[%dma_wait3A_422, %dma_wait3A_424, %dma_wait3A_425, %dma_wait3A_426, %dma_wait3A_427] : memref<2x8x4x8x128xf32, #tpu.memory_space<vmem>> -> memref<1x8x4x8x128xf32, #tpu.memory_space<vmem>>
    %dma_wait3A_429 = tpu.memref_squeeze %dma_wait3A_428 : memref<1x8x4x8x128xf32, #tpu.memory_space<vmem>> -> memref<8x4x8x128xf32, #tpu.memory_space<vmem>>
    %dma_wait3A_430 = arith.constant 0 : i32
    %dma_wait3A_431 = arith.constant 0 : i32
    %dma_wait3A_432 = arith.constant 0 : i32
    %dma_wait3A_433 = tpu.memref_slice %arg4[%select_n3A_403, %mul3A_421, %dma_wait3A_430, %dma_wait3A_431, %dma_wait3A_432] : memref<16x64x4x8x128xf32, #tpu.memory_space<hbm>> -> memref<1x8x4x8x128xf32, #tpu.memory_space<hbm>>
    %dma_wait3A_434 = tpu.memref_squeeze %dma_wait3A_433 : memref<1x8x4x8x128xf32, #tpu.memory_space<hbm>> -> memref<8x4x8x128xf32, #tpu.memory_space<hbm>>
    %dma_wait3A_435 = tpu.memref_slice %arg8[%dma_wait3A_423] : memref<2x!tpu.dma_semaphore, #tpu.memory_space<semaphore_mem>> -> memref<1x!tpu.dma_semaphore, #tpu.memory_space<semaphore_mem>>
    %dma_wait3A_436 = tpu.memref_squeeze %dma_wait3A_435 : memref<1x!tpu.dma_semaphore, #tpu.memory_space<semaphore_mem>> -> memref<!tpu.dma_semaphore, #tpu.memory_space<semaphore_mem>>
    %dma_wait3A_437 = arith.constant 0 : i32
    %dma_wait3A_438 = arith.constant 0 : i32
    %dma_wait3A_439 = arith.constant 0 : i32
    %dma_wait3A_440 = tpu.memref_slice %arg4[%select_n3A_403, %mul3A_421, %dma_wait3A_437, %dma_wait3A_438, %dma_wait3A_439] : memref<16x64x4x8x128xf32, #tpu.memory_space<hbm>> -> memref<1x8x4x8x128xf32, #tpu.memory_space<hbm>>
    %dma_wait3A_441 = tpu.memref_squeeze %dma_wait3A_440 : memref<1x8x4x8x128xf32, #tpu.memory_space<hbm>> -> memref<8x4x8x128xf32, #tpu.memory_space<hbm>>
    %dma_wait3A_442 = arith.constant 0 : i32
    %dma_wait3A_443 = arith.constant 0 : i32
    %dma_wait3A_444 = arith.constant 0 : i32
    %dma_wait3A_445 = arith.constant 0 : i32
    %dma_wait3A_446 = tpu.memref_slice %arg7[%dma_wait3A_422, %dma_wait3A_442, %dma_wait3A_443, %dma_wait3A_444, %dma_wait3A_445] : memref<2x8x4x8x128xf32, #tpu.memory_space<vmem>> -> memref<1x8x4x8x128xf32, #tpu.memory_space<vmem>>
    %dma_wait3A_447 = tpu.memref_squeeze %dma_wait3A_446 : memref<1x8x4x8x128xf32, #tpu.memory_space<vmem>> -> memref<8x4x8x128xf32, #tpu.memory_space<vmem>>
    tpu.wait_dma2 semaphore(%dma_wait3A_436 : memref<!tpu.dma_semaphore, #tpu.memory_space<semaphore_mem>>) src(%dma_wait3A_447 : memref<8x4x8x128xf32, #tpu.memory_space<vmem>>) dst(%dma_wait3A_441 : memref<8x4x8x128xf32, #tpu.memory_space<hbm>>)
    %parallel_loop3A_448 = arith.constant 0 : i32
    %parallel_loop3A_449 = arith.constant 128 : i32
    %parallel_loop3A_450 = arith.constant 1 : i32
    scf.for %parallel_loop3A_666 = %parallel_loop3A_448 to %parallel_loop3A_449 step %parallel_loop3A_450  : i32 {
      %parallel_loop3A_667 = arith.constant 32 : i32
      %parallel_loop3A_668 = arith.divsi %parallel_loop3A_666, %parallel_loop3A_667 : i32
      %parallel_loop3A_669 = arith.constant 0 : i32
      %parallel_loop3A_670 = arith.cmpi sgt, %parallel_loop3A_666, %parallel_loop3A_669 : i32
      %parallel_loop3A_671 = arith.extui %parallel_loop3A_670 : i1 to i32
      %parallel_loop3A_672 = arith.constant 0 : i32
      %parallel_loop3A_673 = arith.cmpi slt, %parallel_loop3A_666, %parallel_loop3A_672 : i32
      %parallel_loop3A_674 = arith.extui %parallel_loop3A_673 : i1 to i32
      %parallel_loop3A_675 = arith.subi %parallel_loop3A_671, %parallel_loop3A_674 : i32
      %parallel_loop3A_676 = arith.constant 0 : i32
      %parallel_loop3A_677 = arith.cmpi sgt, %parallel_loop3A_667, %parallel_loop3A_676 : i32
      %parallel_loop3A_678 = arith.extui %parallel_loop3A_677 : i1 to i32
      %parallel_loop3A_679 = arith.constant 0 : i32
      %parallel_loop3A_680 = arith.cmpi slt, %parallel_loop3A_667, %parallel_loop3A_679 : i32
      %parallel_loop3A_681 = arith.extui %parallel_loop3A_680 : i1 to i32
      %parallel_loop3A_682 = arith.subi %parallel_loop3A_678, %parallel_loop3A_681 : i32
      %parallel_loop3A_683 = arith.cmpi ne, %parallel_loop3A_675, %parallel_loop3A_682 : i32
      %parallel_loop3A_684 = arith.remsi %parallel_loop3A_666, %parallel_loop3A_667 : i32
      %parallel_loop3A_685 = arith.constant 0 : i32
      %parallel_loop3A_686 = arith.cmpi ne, %parallel_loop3A_684, %parallel_loop3A_685 : i32
      %parallel_loop3A_687 = arith.andi %parallel_loop3A_683, %parallel_loop3A_686 : i1
      %parallel_loop3A_688 = arith.constant 1 : i32
      %parallel_loop3A_689 = arith.subi %parallel_loop3A_668, %parallel_loop3A_688 : i32
      %parallel_loop3A_690 = arith.select %parallel_loop3A_687, %parallel_loop3A_689, %parallel_loop3A_668 : i32
      %parallel_loop3A_691 = arith.constant 4 : i32
      %parallel_loop3A_692 = arith.divsi %parallel_loop3A_666, %parallel_loop3A_691 : i32
      %parallel_loop3A_693 = arith.constant 0 : i32
      %parallel_loop3A_694 = arith.cmpi sgt, %parallel_loop3A_666, %parallel_loop3A_693 : i32
      %parallel_loop3A_695 = arith.extui %parallel_loop3A_694 : i1 to i32
      %parallel_loop3A_696 = arith.constant 0 : i32
      %parallel_loop3A_697 = arith.cmpi slt, %parallel_loop3A_666, %parallel_loop3A_696 : i32
      %parallel_loop3A_698 = arith.extui %parallel_loop3A_697 : i1 to i32
      %parallel_loop3A_699 = arith.subi %parallel_loop3A_695, %parallel_loop3A_698 : i32
      %parallel_loop3A_700 = arith.constant 0 : i32
      %parallel_loop3A_701 = arith.cmpi sgt, %parallel_loop3A_691, %parallel_loop3A_700 : i32
      %parallel_loop3A_702 = arith.extui %parallel_loop3A_701 : i1 to i32
      %parallel_loop3A_703 = arith.constant 0 : i32
      %parallel_loop3A_704 = arith.cmpi slt, %parallel_loop3A_691, %parallel_loop3A_703 : i32
      %parallel_loop3A_705 = arith.extui %parallel_loop3A_704 : i1 to i32
      %parallel_loop3A_706 = arith.subi %parallel_loop3A_702, %parallel_loop3A_705 : i32
      %parallel_loop3A_707 = arith.cmpi ne, %parallel_loop3A_699, %parallel_loop3A_706 : i32
      %parallel_loop3A_708 = arith.remsi %parallel_loop3A_666, %parallel_loop3A_691 : i32
      %parallel_loop3A_709 = arith.constant 0 : i32
      %parallel_loop3A_710 = arith.cmpi ne, %parallel_loop3A_708, %parallel_loop3A_709 : i32
      %parallel_loop3A_711 = arith.andi %parallel_loop3A_707, %parallel_loop3A_710 : i1
      %parallel_loop3A_712 = arith.constant 1 : i32
      %parallel_loop3A_713 = arith.subi %parallel_loop3A_692, %parallel_loop3A_712 : i32
      %parallel_loop3A_714 = arith.select %parallel_loop3A_711, %parallel_loop3A_713, %parallel_loop3A_692 : i32
      %parallel_loop3A_715 = arith.constant 8 : i32
      %parallel_loop3A_716 = arith.constant 0 : i32
      %parallel_loop3A_717 = arith.cmpi eq, %parallel_loop3A_715, %parallel_loop3A_716 : i32
      %parallel_loop3A_718 = arith.constant 1 : i32
      %parallel_loop3A_719 = arith.select %parallel_loop3A_717, %parallel_loop3A_718, %parallel_loop3A_715 : i32
      %parallel_loop3A_720 = arith.remsi %parallel_loop3A_714, %parallel_loop3A_719 : i32
      %parallel_loop3A_721 = arith.constant 0 : i32
      %parallel_loop3A_722 = arith.cmpi ne, %parallel_loop3A_720, %parallel_loop3A_721 : i32
      %parallel_loop3A_723 = arith.constant 0 : i32
      %parallel_loop3A_724 = arith.cmpi slt, %parallel_loop3A_720, %parallel_loop3A_723 : i32
      %parallel_loop3A_725 = arith.constant 0 : i32
      %parallel_loop3A_726 = arith.cmpi slt, %parallel_loop3A_719, %parallel_loop3A_725 : i32
      %parallel_loop3A_727 = arith.xori %parallel_loop3A_724, %parallel_loop3A_726 : i1
      %parallel_loop3A_728 = arith.andi %parallel_loop3A_727, %parallel_loop3A_722 : i1
      %parallel_loop3A_729 = arith.addi %parallel_loop3A_720, %parallel_loop3A_719 : i32
      %parallel_loop3A_730 = arith.select %parallel_loop3A_728, %parallel_loop3A_729, %parallel_loop3A_720 : i32
      %parallel_loop3A_731 = arith.constant 4 : i32
      %parallel_loop3A_732 = arith.constant 0 : i32
      %parallel_loop3A_733 = arith.cmpi eq, %parallel_loop3A_731, %parallel_loop3A_732 : i32
      %parallel_loop3A_734 = arith.constant 1 : i32
      %parallel_loop3A_735 = arith.select %parallel_loop3A_733, %parallel_loop3A_734, %parallel_loop3A_731 : i32
      %parallel_loop3A_736 = arith.remsi %parallel_loop3A_666, %parallel_loop3A_735 : i32
      %parallel_loop3A_737 = arith.constant 0 : i32
      %parallel_loop3A_738 = arith.cmpi ne, %parallel_loop3A_736, %parallel_loop3A_737 : i32
      %parallel_loop3A_739 = arith.constant 0 : i32
      %parallel_loop3A_740 = arith.cmpi slt, %parallel_loop3A_736, %parallel_loop3A_739 : i32
      %parallel_loop3A_741 = arith.constant 0 : i32
      %parallel_loop3A_742 = arith.cmpi slt, %parallel_loop3A_735, %parallel_loop3A_741 : i32
      %parallel_loop3A_743 = arith.xori %parallel_loop3A_740, %parallel_loop3A_742 : i1
      %parallel_loop3A_744 = arith.andi %parallel_loop3A_743, %parallel_loop3A_738 : i1
      %parallel_loop3A_745 = arith.addi %parallel_loop3A_736, %parallel_loop3A_735 : i32
      %parallel_loop3A_746 = arith.select %parallel_loop3A_744, %parallel_loop3A_745, %parallel_loop3A_736 : i32
      %parallel_loop3A_747 = arith.constant 16 : i32
      %parallel_loop3A_748 = arith.muli %parallel_loop3A_746, %parallel_loop3A_747 : i32
      %parallel_loop3A_749 = arith.constant 64 : i32
      %parallel_loop3A_750 = arith.addi %parallel_loop3A_749, %parallel_loop3A_748 : i32
      %parallel_loop3A_751 = arith.constant 0 : i32
      %parallel_loop3A_752 = arith.index_cast %parallel_loop3A_690 : i32 to index
      %parallel_loop3A_753 = arith.index_cast %parallel_loop3A_751 : i32 to index
      %parallel_loop3A_754 = arith.index_cast %parallel_loop3A_730 : i32 to index
      %parallel_loop3A_755 = arith.index_cast %parallel_loop3A_750 : i32 to index
      %parallel_loop3A_756 = tpu.vector_load %arg5[%parallel_loop3A_752, %parallel_loop3A_753, %parallel_loop3A_754, %parallel_loop3A_755] {strides = array<i32>} : memref<4x2x8x128xi32, #tpu.memory_space<vmem>>, vector<16xi32>,
      %parallel_loop3A_757 = arith.constant 16 : i32
      %parallel_loop3A_758 = arith.muli %parallel_loop3A_746, %parallel_loop3A_757 : i32
      %parallel_loop3A_759 = vector.broadcast %parallel_loop3A_758 : i32 to vector<16xi32>
      %parallel_loop3A_760 = arith.addi %parallel_loop3A_759, %iota3A : vector<16xi32>
      %parallel_loop3A_761 = arith.constant 3 : i32
      %parallel_loop3A_762 = vector.broadcast %parallel_loop3A_761 : i32 to vector<16xi32>
      %parallel_loop3A_763 = arith.shrui %parallel_loop3A_760, %parallel_loop3A_762 : vector<16xi32>
      %parallel_loop3A_764 = arith.constant 7 : i32
      %parallel_loop3A_765 = vector.broadcast %parallel_loop3A_764 : i32 to vector<16xi32>
      %parallel_loop3A_766 = arith.shrui %parallel_loop3A_756, %parallel_loop3A_765 : vector<16xi32>
      %parallel_loop3A_767 = arith.constant 7 : i32
      %parallel_loop3A_768 = vector.broadcast %parallel_loop3A_767 : i32 to vector<16xi32>
      %parallel_loop3A_769 = arith.andi %parallel_loop3A_760, %parallel_loop3A_768 : vector<16xi32>
      %parallel_loop3A_770 = arith.constant 127 : i32
      %parallel_loop3A_771 = vector.broadcast %parallel_loop3A_770 : i32 to vector<16xi32>
      %parallel_loop3A_772 = arith.andi %parallel_loop3A_756, %parallel_loop3A_771 : vector<16xi32>
      %parallel_loop3A_773 = arith.constant 1 : i32
      %parallel_loop3A_774 = arith.constant 0 : i32
      %parallel_loop3A_775 = arith.constant 0 : i32
      %parallel_loop3A_776 = arith.constant 0 : i32
      %parallel_loop3A_777 = arith.constant 0 : i32
      %parallel_loop3A_778 = tpu.memref_slice %arg7[%parallel_loop3A_773, %parallel_loop3A_774, %parallel_loop3A_775, %parallel_loop3A_776, %parallel_loop3A_777] : memref<2x8x4x8x128xf32, #tpu.memory_space<vmem>> -> memref<1x8x4x8x128xf32, #tpu.memory_space<vmem>>
      %parallel_loop3A_779 = tpu.memref_squeeze %parallel_loop3A_778 : memref<1x8x4x8x128xf32, #tpu.memory_space<vmem>> -> memref<8x4x8x128xf32, #tpu.memory_space<vmem>>
      tpu.vector_store_idx %parallel_loop3A_779[%parallel_loop3A_763, %parallel_loop3A_766, %parallel_loop3A_769, %parallel_loop3A_772], %broadcast_in_dim3A_1 : memref<8x4x8x128xf32, #tpu.memory_space<vmem>>[vector<16xi32>, vector<16xi32>, vector<16xi32>, vector<16xi32>], vector<16xf32>,
    } {sc.loop_unroll_factor = 4 : i64, sc.parallel_access}
    %parallel_loop3A_451 = arith.constant 0 : i32
    %parallel_loop3A_452 = arith.constant 128 : i32
    %parallel_loop3A_453 = arith.constant 1 : i32
    scf.for %parallel_loop3A_666 = %parallel_loop3A_451 to %parallel_loop3A_452 step %parallel_loop3A_453  : i32 {
      %parallel_loop3A_667 = arith.constant 32 : i32
      %parallel_loop3A_668 = arith.divsi %parallel_loop3A_666, %parallel_loop3A_667 : i32
      %parallel_loop3A_669 = arith.constant 0 : i32
      %parallel_loop3A_670 = arith.cmpi sgt, %parallel_loop3A_666, %parallel_loop3A_669 : i32
      %parallel_loop3A_671 = arith.extui %parallel_loop3A_670 : i1 to i32
      %parallel_loop3A_672 = arith.constant 0 : i32
      %parallel_loop3A_673 = arith.cmpi slt, %parallel_loop3A_666, %parallel_loop3A_672 : i32
      %parallel_loop3A_674 = arith.extui %parallel_loop3A_673 : i1 to i32
      %parallel_loop3A_675 = arith.subi %parallel_loop3A_671, %parallel_loop3A_674 : i32
      %parallel_loop3A_676 = arith.constant 0 : i32
      %parallel_loop3A_677 = arith.cmpi sgt, %parallel_loop3A_667, %parallel_loop3A_676 : i32
      %parallel_loop3A_678 = arith.extui %parallel_loop3A_677 : i1 to i32
      %parallel_loop3A_679 = arith.constant 0 : i32
      %parallel_loop3A_680 = arith.cmpi slt, %parallel_loop3A_667, %parallel_loop3A_679 : i32
      %parallel_loop3A_681 = arith.extui %parallel_loop3A_680 : i1 to i32
      %parallel_loop3A_682 = arith.subi %parallel_loop3A_678, %parallel_loop3A_681 : i32
      %parallel_loop3A_683 = arith.cmpi ne, %parallel_loop3A_675, %parallel_loop3A_682 : i32
      %parallel_loop3A_684 = arith.remsi %parallel_loop3A_666, %parallel_loop3A_667 : i32
      %parallel_loop3A_685 = arith.constant 0 : i32
      %parallel_loop3A_686 = arith.cmpi ne, %parallel_loop3A_684, %parallel_loop3A_685 : i32
      %parallel_loop3A_687 = arith.andi %parallel_loop3A_683, %parallel_loop3A_686 : i1
      %parallel_loop3A_688 = arith.constant 1 : i32
      %parallel_loop3A_689 = arith.subi %parallel_loop3A_668, %parallel_loop3A_688 : i32
      %parallel_loop3A_690 = arith.select %parallel_loop3A_687, %parallel_loop3A_689, %parallel_loop3A_668 : i32
      %parallel_loop3A_691 = arith.constant 4 : i32
      %parallel_loop3A_692 = arith.divsi %parallel_loop3A_666, %parallel_loop3A_691 : i32
      %parallel_loop3A_693 = arith.constant 0 : i32
      %parallel_loop3A_694 = arith.cmpi sgt, %parallel_loop3A_666, %parallel_loop3A_693 : i32
      %parallel_loop3A_695 = arith.extui %parallel_loop3A_694 : i1 to i32
      %parallel_loop3A_696 = arith.constant 0 : i32
      %parallel_loop3A_697 = arith.cmpi slt, %parallel_loop3A_666, %parallel_loop3A_696 : i32
      %parallel_loop3A_698 = arith.extui %parallel_loop3A_697 : i1 to i32
      %parallel_loop3A_699 = arith.subi %parallel_loop3A_695, %parallel_loop3A_698 : i32
      %parallel_loop3A_700 = arith.constant 0 : i32
      %parallel_loop3A_701 = arith.cmpi sgt, %parallel_loop3A_691, %parallel_loop3A_700 : i32
      %parallel_loop3A_702 = arith.extui %parallel_loop3A_701 : i1 to i32
      %parallel_loop3A_703 = arith.constant 0 : i32
      %parallel_loop3A_704 = arith.cmpi slt, %parallel_loop3A_691, %parallel_loop3A_703 : i32
      %parallel_loop3A_705 = arith.extui %parallel_loop3A_704 : i1 to i32
      %parallel_loop3A_706 = arith.subi %parallel_loop3A_702, %parallel_loop3A_705 : i32
      %parallel_loop3A_707 = arith.cmpi ne, %parallel_loop3A_699, %parallel_loop3A_706 : i32
      %parallel_loop3A_708 = arith.remsi %parallel_loop3A_666, %parallel_loop3A_691 : i32
      %parallel_loop3A_709 = arith.constant 0 : i32
      %parallel_loop3A_710 = arith.cmpi ne, %parallel_loop3A_708, %parallel_loop3A_709 : i32
      %parallel_loop3A_711 = arith.andi %parallel_loop3A_707, %parallel_loop3A_710 : i1
      %parallel_loop3A_712 = arith.constant 1 : i32
      %parallel_loop3A_713 = arith.subi %parallel_loop3A_692, %parallel_loop3A_712 : i32
      %parallel_loop3A_714 = arith.select %parallel_loop3A_711, %parallel_loop3A_713, %parallel_loop3A_692 : i32
      %parallel_loop3A_715 = arith.constant 8 : i32
      %parallel_loop3A_716 = arith.constant 0 : i32
      %parallel_loop3A_717 = arith.cmpi eq, %parallel_loop3A_715, %parallel_loop3A_716 : i32
      %parallel_loop3A_718 = arith.constant 1 : i32
      %parallel_loop3A_719 = arith.select %parallel_loop3A_717, %parallel_loop3A_718, %parallel_loop3A_715 : i32
      %parallel_loop3A_720 = arith.remsi %parallel_loop3A_714, %parallel_loop3A_719 : i32
      %parallel_loop3A_721 = arith.constant 0 : i32
      %parallel_loop3A_722 = arith.cmpi ne, %parallel_loop3A_720, %parallel_loop3A_721 : i32
      %parallel_loop3A_723 = arith.constant 0 : i32
      %parallel_loop3A_724 = arith.cmpi slt, %parallel_loop3A_720, %parallel_loop3A_723 : i32
      %parallel_loop3A_725 = arith.constant 0 : i32
      %parallel_loop3A_726 = arith.cmpi slt, %parallel_loop3A_719, %parallel_loop3A_725 : i32
      %parallel_loop3A_727 = arith.xori %parallel_loop3A_724, %parallel_loop3A_726 : i1
      %parallel_loop3A_728 = arith.andi %parallel_loop3A_727, %parallel_loop3A_722 : i1
      %parallel_loop3A_729 = arith.addi %parallel_loop3A_720, %parallel_loop3A_719 : i32
      %parallel_loop3A_730 = arith.select %parallel_loop3A_728, %parallel_loop3A_729, %parallel_loop3A_720 : i32
      %parallel_loop3A_731 = arith.constant 4 : i32
      %parallel_loop3A_732 = arith.constant 0 : i32
      %parallel_loop3A_733 = arith.cmpi eq, %parallel_loop3A_731, %parallel_loop3A_732 : i32
      %parallel_loop3A_734 = arith.constant 1 : i32
      %parallel_loop3A_735 = arith.select %parallel_loop3A_733, %parallel_loop3A_734, %parallel_loop3A_731 : i32
      %parallel_loop3A_736 = arith.remsi %parallel_loop3A_666, %parallel_loop3A_735 : i32
      %parallel_loop3A_737 = arith.constant 0 : i32
      %parallel_loop3A_738 = arith.cmpi ne, %parallel_loop3A_736, %parallel_loop3A_737 : i32
      %parallel_loop3A_739 = arith.constant 0 : i32
      %parallel_loop3A_740 = arith.cmpi slt, %parallel_loop3A_736, %parallel_loop3A_739 : i32
      %parallel_loop3A_741 = arith.constant 0 : i32
      %parallel_loop3A_742 = arith.cmpi slt, %parallel_loop3A_735, %parallel_loop3A_741 : i32
      %parallel_loop3A_743 = arith.xori %parallel_loop3A_740, %parallel_loop3A_742 : i1
      %parallel_loop3A_744 = arith.andi %parallel_loop3A_743, %parallel_loop3A_738 : i1
      %parallel_loop3A_745 = arith.addi %parallel_loop3A_736, %parallel_loop3A_735 : i32
      %parallel_loop3A_746 = arith.select %parallel_loop3A_744, %parallel_loop3A_745, %parallel_loop3A_736 : i32
      %parallel_loop3A_747 = arith.constant 16 : i32
      %parallel_loop3A_748 = arith.muli %parallel_loop3A_746, %parallel_loop3A_747 : i32
      %parallel_loop3A_749 = arith.constant 64 : i32
      %parallel_loop3A_750 = arith.addi %parallel_loop3A_749, %parallel_loop3A_748 : i32
      %parallel_loop3A_751 = arith.constant 1 : i32
      %parallel_loop3A_752 = arith.index_cast %parallel_loop3A_690 : i32 to index
      %parallel_loop3A_753 = arith.index_cast %parallel_loop3A_751 : i32 to index
      %parallel_loop3A_754 = arith.index_cast %parallel_loop3A_730 : i32 to index
      %parallel_loop3A_755 = arith.index_cast %parallel_loop3A_750 : i32 to index
      %parallel_loop3A_756 = tpu.vector_load %arg5[%parallel_loop3A_752, %parallel_loop3A_753, %parallel_loop3A_754, %parallel_loop3A_755] {strides = array<i32>} : memref<4x2x8x128xi32, #tpu.memory_space<vmem>>, vector<16xi32>,
      %parallel_loop3A_757 = arith.constant 16 : i32
      %parallel_loop3A_758 = arith.muli %parallel_loop3A_746, %parallel_loop3A_757 : i32
      %parallel_loop3A_759 = arith.constant 64 : i32
      %parallel_loop3A_760 = arith.addi %parallel_loop3A_759, %parallel_loop3A_758 : i32
      %parallel_loop3A_761 = arith.constant 1 : i32
      %parallel_loop3A_762 = arith.index_cast %parallel_loop3A_690 : i32 to index
      %parallel_loop3A_763 = arith.index_cast %parallel_loop3A_761 : i32 to index
      %parallel_loop3A_764 = arith.index_cast %parallel_loop3A_730 : i32 to index
      %parallel_loop3A_765 = arith.index_cast %parallel_loop3A_760 : i32 to index
      %parallel_loop3A_766 = tpu.vector_load %arg6[%parallel_loop3A_762, %parallel_loop3A_763, %parallel_loop3A_764, %parallel_loop3A_765] {strides = array<i32>} : memref<4x2x8x128xf32, #tpu.memory_space<vmem>>, vector<16xf32>,
      %parallel_loop3A_767 = arith.constant 16 : i32
      %parallel_loop3A_768 = arith.muli %parallel_loop3A_746, %parallel_loop3A_767 : i32
      %parallel_loop3A_769 = vector.broadcast %parallel_loop3A_768 : i32 to vector<16xi32>
      %parallel_loop3A_770 = arith.addi %parallel_loop3A_769, %iota3A : vector<16xi32>
      %parallel_loop3A_771 = arith.constant 3 : i32
      %parallel_loop3A_772 = vector.broadcast %parallel_loop3A_771 : i32 to vector<16xi32>
      %parallel_loop3A_773 = arith.shrui %parallel_loop3A_770, %parallel_loop3A_772 : vector<16xi32>
      %parallel_loop3A_774 = arith.constant 7 : i32
      %parallel_loop3A_775 = vector.broadcast %parallel_loop3A_774 : i32 to vector<16xi32>
      %parallel_loop3A_776 = arith.shrui %parallel_loop3A_756, %parallel_loop3A_775 : vector<16xi32>
      %parallel_loop3A_777 = arith.constant 7 : i32
      %parallel_loop3A_778 = vector.broadcast %parallel_loop3A_777 : i32 to vector<16xi32>
      %parallel_loop3A_779 = arith.andi %parallel_loop3A_770, %parallel_loop3A_778 : vector<16xi32>
      %parallel_loop3A_780 = arith.constant 127 : i32
      %parallel_loop3A_781 = vector.broadcast %parallel_loop3A_780 : i32 to vector<16xi32>
      %parallel_loop3A_782 = arith.andi %parallel_loop3A_756, %parallel_loop3A_781 : vector<16xi32>
      %parallel_loop3A_783 = arith.constant 1 : i32
      %parallel_loop3A_784 = arith.constant 0 : i32
      %parallel_loop3A_785 = arith.constant 0 : i32
      %parallel_loop3A_786 = arith.constant 0 : i32
      %parallel_loop3A_787 = arith.constant 0 : i32
      %parallel_loop3A_788 = tpu.memref_slice %arg7[%parallel_loop3A_783, %parallel_loop3A_784, %parallel_loop3A_785, %parallel_loop3A_786, %parallel_loop3A_787] : memref<2x8x4x8x128xf32, #tpu.memory_space<vmem>> -> memref<1x8x4x8x128xf32, #tpu.memory_space<vmem>>
      %parallel_loop3A_789 = tpu.memref_squeeze %parallel_loop3A_788 : memref<1x8x4x8x128xf32, #tpu.memory_space<vmem>> -> memref<8x4x8x128xf32, #tpu.memory_space<vmem>>
      tpu.vector_store_idx %parallel_loop3A_789[%parallel_loop3A_773, %parallel_loop3A_776, %parallel_loop3A_779, %parallel_loop3A_782], %parallel_loop3A_766 {add = true} : memref<8x4x8x128xf32, #tpu.memory_space<vmem>>[vector<16xi32>, vector<16xi32>, vector<16xi32>, vector<16xi32>], vector<16xf32>,
    } {sc.loop_unroll_factor = 4 : i64, sc.parallel_access}
    %jit3A_454 = arith.constant 8 : i32
    %div3A_455 = arith.divsi %add3A_377, %jit3A_454 : i32
    %sign3A_456 = arith.constant 0 : i32
    %sign3A_457 = arith.cmpi sgt, %add3A_377, %sign3A_456 : i32
    %sign3A_458 = arith.extui %sign3A_457 : i1 to i32
    %sign3A_459 = arith.constant 0 : i32
    %sign3A_460 = arith.cmpi slt, %add3A_377, %sign3A_459 : i32
    %sign3A_461 = arith.extui %sign3A_460 : i1 to i32
    %sign3A_462 = arith.subi %sign3A_458, %sign3A_461 : i32
    %sign3A_463 = arith.constant 0 : i32
    %sign3A_464 = arith.cmpi sgt, %jit3A_454, %sign3A_463 : i32
    %sign3A_465 = arith.extui %sign3A_464 : i1 to i32
    %sign3A_466 = arith.constant 0 : i32
    %sign3A_467 = arith.cmpi slt, %jit3A_454, %sign3A_466 : i32
    %sign3A_468 = arith.extui %sign3A_467 : i1 to i32
    %sign3A_469 = arith.subi %sign3A_465, %sign3A_468 : i32
    %ne3A_470 = arith.cmpi ne, %sign3A_462, %sign3A_469 : i32
    %rem3A_471 = arith.remsi %add3A_377, %jit3A_454 : i32
    %ne3A_472 = arith.constant 0 : i32
    %ne3A_473 = arith.cmpi ne, %rem3A_471, %ne3A_472 : i32
    %and3A_474 = arith.andi %ne3A_470, %ne3A_473 : i1
    %sub3A_475 = arith.constant 1 : i32
    %sub3A_476 = arith.subi %div3A_455, %sub3A_475 : i32
    %select_n3A_477 = arith.select %and3A_474, %sub3A_476, %div3A_455 : i32
    %jit3A_478 = arith.constant 8 : i32
    %eq3A_479 = arith.constant 0 : i32
    %eq3A_480 = arith.cmpi eq, %jit3A_478, %eq3A_479 : i32
    %jit3A_481 = arith.constant 1 : i32
    %select_n3A_482 = arith.select %eq3A_480, %jit3A_481, %jit3A_478 : i32
    %rem3A_483 = arith.remsi %add3A_377, %select_n3A_482 : i32
    %ne3A_484 = arith.constant 0 : i32
    %ne3A_485 = arith.cmpi ne, %rem3A_483, %ne3A_484 : i32
    %lt3A_486 = arith.constant 0 : i32
    %lt3A_487 = arith.cmpi slt, %rem3A_483, %lt3A_486 : i32
    %lt3A_488 = arith.constant 0 : i32
    %lt3A_489 = arith.cmpi slt, %select_n3A_482, %lt3A_488 : i32
    %ne3A_490 = arith.xori %lt3A_487, %lt3A_489 : i1
    %and3A_491 = arith.andi %ne3A_490, %ne3A_485 : i1
    %add3A_492 = arith.addi %rem3A_483, %select_n3A_482 : i32
    %select_n3A_493 = arith.select %and3A_491, %add3A_492, %rem3A_483 : i32
    %mul3A_494 = arith.constant 8 : i32
    %mul3A_495 = arith.muli %select_n3A_493, %mul3A_494 : i32
    %dma_start3A_496 = arith.constant 1 : i32
    %dma_start3A_497 = arith.constant 1 : i32
    %dma_start3A_498 = arith.constant 0 : i32
    %dma_start3A_499 = arith.constant 0 : i32
    %dma_start3A_500 = arith.constant 0 : i32
    %dma_start3A_501 = arith.constant 0 : i32
    %dma_start3A_502 = tpu.memref_slice %arg7[%dma_start3A_496, %dma_start3A_498, %dma_start3A_499, %dma_start3A_500, %dma_start3A_501] : memref<2x8x4x8x128xf32, #tpu.memory_space<vmem>> -> memref<1x8x4x8x128xf32, #tpu.memory_space<vmem>>
    %dma_start3A_503 = tpu.memref_squeeze %dma_start3A_502 : memref<1x8x4x8x128xf32, #tpu.memory_space<vmem>> -> memref<8x4x8x128xf32, #tpu.memory_space<vmem>>
    %dma_start3A_504 = arith.constant 0 : i32
    %dma_start3A_505 = arith.constant 0 : i32
    %dma_start3A_506 = arith.constant 0 : i32
    %dma_start3A_507 = tpu.memref_slice %arg4[%select_n3A_477, %mul3A_495, %dma_start3A_504, %dma_start3A_505, %dma_start3A_506] : memref<16x64x4x8x128xf32, #tpu.memory_space<hbm>> -> memref<1x8x4x8x128xf32, #tpu.memory_space<hbm>>
    %dma_start3A_508 = tpu.memref_squeeze %dma_start3A_507 : memref<1x8x4x8x128xf32, #tpu.memory_space<hbm>> -> memref<8x4x8x128xf32, #tpu.memory_space<hbm>>
    %dma_start3A_509 = tpu.memref_slice %arg8[%dma_start3A_497] : memref<2x!tpu.dma_semaphore, #tpu.memory_space<semaphore_mem>> -> memref<1x!tpu.dma_semaphore, #tpu.memory_space<semaphore_mem>>
    %dma_start3A_510 = tpu.memref_squeeze %dma_start3A_509 : memref<1x!tpu.dma_semaphore, #tpu.memory_space<semaphore_mem>> -> memref<!tpu.dma_semaphore, #tpu.memory_space<semaphore_mem>>
    %dma_start3A_511 = arith.constant 0 : i32
    %dma_start3A_512 = arith.constant 0 : i32
    %dma_start3A_513 = arith.constant 0 : i32
    %dma_start3A_514 = tpu.memref_slice %arg4[%select_n3A_477, %mul3A_495, %dma_start3A_511, %dma_start3A_512, %dma_start3A_513] : memref<16x64x4x8x128xf32, #tpu.memory_space<hbm>> -> memref<1x8x4x8x128xf32, #tpu.memory_space<hbm>>
    %dma_start3A_515 = tpu.memref_squeeze %dma_start3A_514 : memref<1x8x4x8x128xf32, #tpu.memory_space<hbm>> -> memref<8x4x8x128xf32, #tpu.memory_space<hbm>>
    %dma_start3A_516 = arith.constant 0 : i32
    %dma_start3A_517 = arith.constant 0 : i32
    %dma_start3A_518 = arith.constant 0 : i32
    %dma_start3A_519 = arith.constant 0 : i32
    %dma_start3A_520 = tpu.memref_slice %arg7[%dma_start3A_496, %dma_start3A_516, %dma_start3A_517, %dma_start3A_518, %dma_start3A_519] : memref<2x8x4x8x128xf32, #tpu.memory_space<vmem>> -> memref<1x8x4x8x128xf32, #tpu.memory_space<vmem>>
    %dma_start3A_521 = tpu.memref_squeeze %dma_start3A_520 : memref<1x8x4x8x128xf32, #tpu.memory_space<vmem>> -> memref<8x4x8x128xf32, #tpu.memory_space<vmem>>
    tpu.enqueue_dma source(%dma_start3A_521 : memref<8x4x8x128xf32, #tpu.memory_space<vmem>>) target(%dma_start3A_515 : memref<8x4x8x128xf32, #tpu.memory_space<hbm>>) target_semaphore(%dma_start3A_510 : memref<!tpu.dma_semaphore, #tpu.memory_space<semaphore_mem>>)
    %mul3A_522 = arith.constant 4 : i32
    %mul3A_523 = arith.muli %add3A, %mul3A_522 : i32
    %add3A_524 = arith.constant 2 : i32
    %add3A_525 = arith.addi %mul3A_523, %add3A_524 : i32
    %jit3A_526 = arith.constant 8 : i32
    %div3A_527 = arith.divsi %add3A_525, %jit3A_526 : i32
    %sign3A_528 = arith.constant 0 : i32
    %sign3A_529 = arith.cmpi sgt, %add3A_525, %sign3A_528 : i32
    %sign3A_530 = arith.extui %sign3A_529 : i1 to i32
    %sign3A_531 = arith.constant 0 : i32
    %sign3A_532 = arith.cmpi slt, %add3A_525, %sign3A_531 : i32
    %sign3A_533 = arith.extui %sign3A_532 : i1 to i32
    %sign3A_534 = arith.subi %sign3A_530, %sign3A_533 : i32
    %sign3A_535 = arith.constant 0 : i32
    %sign3A_536 = arith.cmpi sgt, %jit3A_526, %sign3A_535 : i32
    %sign3A_537 = arith.extui %sign3A_536 : i1 to i32
    %sign3A_538 = arith.constant 0 : i32
    %sign3A_539 = arith.cmpi slt, %jit3A_526, %sign3A_538 : i32
    %sign3A_540 = arith.extui %sign3A_539 : i1 to i32
    %sign3A_541 = arith.subi %sign3A_537, %sign3A_540 : i32
    %ne3A_542 = arith.cmpi ne, %sign3A_534, %sign3A_541 : i32
    %rem3A_543 = arith.remsi %add3A_525, %jit3A_526 : i32
    %ne3A_544 = arith.constant 0 : i32
    %ne3A_545 = arith.cmpi ne, %rem3A_543, %ne3A_544 : i32
    %and3A_546 = arith.andi %ne3A_542, %ne3A_545 : i1
    %sub3A_547 = arith.constant 1 : i32
    %sub3A_548 = arith.subi %div3A_527, %sub3A_547 : i32
    %select_n3A_549 = arith.select %and3A_546, %sub3A_548, %div3A_527 : i32
    %jit3A_550 = arith.constant 8 : i32
    %eq3A_551 = arith.constant 0 : i32
    %eq3A_552 = arith.cmpi eq, %jit3A_550, %eq3A_551 : i32
    %jit3A_553 = arith.constant 1 : i32
    %select_n3A_554 = arith.select %eq3A_552, %jit3A_553, %jit3A_550 : i32
    %rem3A_555 = arith.remsi %add3A_525, %select_n3A_554 : i32
    %ne3A_556 = arith.constant 0 : i32
    %ne3A_557 = arith.cmpi ne, %rem3A_555, %ne3A_556 : i32
    %lt3A_558 = arith.constant 0 : i32
    %lt3A_559 = arith.cmpi slt, %rem3A_555, %lt3A_558 : i32
    %lt3A_560 = arith.constant 0 : i32
    %lt3A_561 = arith.cmpi slt, %select_n3A_554, %lt3A_560 : i32
    %ne3A_562 = arith.xori %lt3A_559, %lt3A_561 : i1
    %and3A_563 = arith.andi %ne3A_562, %ne3A_557 : i1
    %add3A_564 = arith.addi %rem3A_555, %select_n3A_554 : i32
    %select_n3A_565 = arith.select %and3A_563, %add3A_564, %rem3A_555 : i32
    %mul3A_566 = arith.constant 8 : i32
    %mul3A_567 = arith.muli %select_n3A_565, %mul3A_566 : i32
    %dma_wait3A_568 = arith.constant 0 : i32
    %dma_wait3A_569 = arith.constant 0 : i32
    %dma_wait3A_570 = arith.constant 0 : i32
    %dma_wait3A_571 = arith.constant 0 : i32
    %dma_wait3A_572 = arith.constant 0 : i32
    %dma_wait3A_573 = arith.constant 0 : i32
    %dma_wait3A_574 = tpu.memref_slice %arg7[%dma_wait3A_568, %dma_wait3A_570, %dma_wait3A_571, %dma_wait3A_572, %dma_wait3A_573] : memref<2x8x4x8x128xf32, #tpu.memory_space<vmem>> -> memref<1x8x4x8x128xf32, #tpu.memory_space<vmem>>
    %dma_wait3A_575 = tpu.memref_squeeze %dma_wait3A_574 : memref<1x8x4x8x128xf32, #tpu.memory_space<vmem>> -> memref<8x4x8x128xf32, #tpu.memory_space<vmem>>
    %dma_wait3A_576 = arith.constant 0 : i32
    %dma_wait3A_577 = arith.constant 0 : i32
    %dma_wait3A_578 = arith.constant 0 : i32
    %dma_wait3A_579 = tpu.memref_slice %arg4[%select_n3A_549, %mul3A_567, %dma_wait3A_576, %dma_wait3A_577, %dma_wait3A_578] : memref<16x64x4x8x128xf32, #tpu.memory_space<hbm>> -> memref<1x8x4x8x128xf32, #tpu.memory_space<hbm>>
    %dma_wait3A_580 = tpu.memref_squeeze %dma_wait3A_579 : memref<1x8x4x8x128xf32, #tpu.memory_space<hbm>> -> memref<8x4x8x128xf32, #tpu.memory_space<hbm>>
    %dma_wait3A_581 = tpu.memref_slice %arg8[%dma_wait3A_569] : memref<2x!tpu.dma_semaphore, #tpu.memory_space<semaphore_mem>> -> memref<1x!tpu.dma_semaphore, #tpu.memory_space<semaphore_mem>>
    %dma_wait3A_582 = tpu.memref_squeeze %dma_wait3A_581 : memref<1x!tpu.dma_semaphore, #tpu.memory_space<semaphore_mem>> -> memref<!tpu.dma_semaphore, #tpu.memory_space<semaphore_mem>>
    %dma_wait3A_583 = arith.constant 0 : i32
    %dma_wait3A_584 = arith.constant 0 : i32
    %dma_wait3A_585 = arith.constant 0 : i32
    %dma_wait3A_586 = tpu.memref_slice %arg4[%select_n3A_549, %mul3A_567, %dma_wait3A_583, %dma_wait3A_584, %dma_wait3A_585] : memref<16x64x4x8x128xf32, #tpu.memory_space<hbm>> -> memref<1x8x4x8x128xf32, #tpu.memory_space<hbm>>
    %dma_wait3A_587 = tpu.memref_squeeze %dma_wait3A_586 : memref<1x8x4x8x128xf32, #tpu.memory_space<hbm>> -> memref<8x4x8x128xf32, #tpu.memory_space<hbm>>
    %dma_wait3A_588 = arith.constant 0 : i32
    %dma_wait3A_589 = arith.constant 0 : i32
    %dma_wait3A_590 = arith.constant 0 : i32
    %dma_wait3A_591 = arith.constant 0 : i32
    %dma_wait3A_592 = tpu.memref_slice %arg7[%dma_wait3A_568, %dma_wait3A_588, %dma_wait3A_589, %dma_wait3A_590, %dma_wait3A_591] : memref<2x8x4x8x128xf32, #tpu.memory_space<vmem>> -> memref<1x8x4x8x128xf32, #tpu.memory_space<vmem>>
    %dma_wait3A_593 = tpu.memref_squeeze %dma_wait3A_592 : memref<1x8x4x8x128xf32, #tpu.memory_space<vmem>> -> memref<8x4x8x128xf32, #tpu.memory_space<vmem>>
    tpu.wait_dma2 semaphore(%dma_wait3A_582 : memref<!tpu.dma_semaphore, #tpu.memory_space<semaphore_mem>>) src(%dma_wait3A_593 : memref<8x4x8x128xf32, #tpu.memory_space<vmem>>) dst(%dma_wait3A_587 : memref<8x4x8x128xf32, #tpu.memory_space<hbm>>)
    %mul3A_594 = arith.constant 4 : i32
    %mul3A_595 = arith.muli %add3A, %mul3A_594 : i32
    %add3A_596 = arith.constant 3 : i32
    %add3A_597 = arith.addi %mul3A_595, %add3A_596 : i32
    %jit3A_598 = arith.constant 8 : i32
    %div3A_599 = arith.divsi %add3A_597, %jit3A_598 : i32
    %sign3A_600 = arith.constant 0 : i32
    %sign3A_601 = arith.cmpi sgt, %add3A_597, %sign3A_600 : i32
    %sign3A_602 = arith.extui %sign3A_601 : i1 to i32
    %sign3A_603 = arith.constant 0 : i32
    %sign3A_604 = arith.cmpi slt, %add3A_597, %sign3A_603 : i32
    %sign3A_605 = arith.extui %sign3A_604 : i1 to i32
    %sign3A_606 = arith.subi %sign3A_602, %sign3A_605 : i32
    %sign3A_607 = arith.constant 0 : i32
    %sign3A_608 = arith.cmpi sgt, %jit3A_598, %sign3A_607 : i32
    %sign3A_609 = arith.extui %sign3A_608 : i1 to i32
    %sign3A_610 = arith.constant 0 : i32
    %sign3A_611 = arith.cmpi slt, %jit3A_598, %sign3A_610 : i32
    %sign3A_612 = arith.extui %sign3A_611 : i1 to i32
    %sign3A_613 = arith.subi %sign3A_609, %sign3A_612 : i32
    %ne3A_614 = arith.cmpi ne, %sign3A_606, %sign3A_613 : i32
    %rem3A_615 = arith.remsi %add3A_597, %jit3A_598 : i32
    %ne3A_616 = arith.constant 0 : i32
    %ne3A_617 = arith.cmpi ne, %rem3A_615, %ne3A_616 : i32
    %and3A_618 = arith.andi %ne3A_614, %ne3A_617 : i1
    %sub3A_619 = arith.constant 1 : i32
    %sub3A_620 = arith.subi %div3A_599, %sub3A_619 : i32
    %select_n3A_621 = arith.select %and3A_618, %sub3A_620, %div3A_599 : i32
    %jit3A_622 = arith.constant 8 : i32
    %eq3A_623 = arith.constant 0 : i32
    %eq3A_624 = arith.cmpi eq, %jit3A_622, %eq3A_623 : i32
    %jit3A_625 = arith.constant 1 : i32
    %select_n3A_626 = arith.select %eq3A_624, %jit3A_625, %jit3A_622 : i32
    %rem3A_627 = arith.remsi %add3A_597, %select_n3A_626 : i32
    %ne3A_628 = arith.constant 0 : i32
    %ne3A_629 = arith.cmpi ne, %rem3A_627, %ne3A_628 : i32
    %lt3A_630 = arith.constant 0 : i32
    %lt3A_631 = arith.cmpi slt, %rem3A_627, %lt3A_630 : i32
    %lt3A_632 = arith.constant 0 : i32
    %lt3A_633 = arith.cmpi slt, %select_n3A_626, %lt3A_632 : i32
    %ne3A_634 = arith.xori %lt3A_631, %lt3A_633 : i1
    %and3A_635 = arith.andi %ne3A_634, %ne3A_629 : i1
    %add3A_636 = arith.addi %rem3A_627, %select_n3A_626 : i32
    %select_n3A_637 = arith.select %and3A_635, %add3A_636, %rem3A_627 : i32
    %mul3A_638 = arith.constant 8 : i32
    %mul3A_639 = arith.muli %select_n3A_637, %mul3A_638 : i32
    %dma_wait3A_640 = arith.constant 1 : i32
    %dma_wait3A_641 = arith.constant 1 : i32
    %dma_wait3A_642 = arith.constant 0 : i32
    %dma_wait3A_643 = arith.constant 0 : i32
    %dma_wait3A_644 = arith.constant 0 : i32
    %dma_wait3A_645 = arith.constant 0 : i32
    %dma_wait3A_646 = tpu.memref_slice %arg7[%dma_wait3A_640, %dma_wait3A_642, %dma_wait3A_643, %dma_wait3A_644, %dma_wait3A_645] : memref<2x8x4x8x128xf32, #tpu.memory_space<vmem>> -> memref<1x8x4x8x128xf32, #tpu.memory_space<vmem>>
    %dma_wait3A_647 = tpu.memref_squeeze %dma_wait3A_646 : memref<1x8x4x8x128xf32, #tpu.memory_space<vmem>> -> memref<8x4x8x128xf32, #tpu.memory_space<vmem>>
    %dma_wait3A_648 = arith.constant 0 : i32
    %dma_wait3A_649 = arith.constant 0 : i32
    %dma_wait3A_650 = arith.constant 0 : i32
    %dma_wait3A_651 = tpu.memref_slice %arg4[%select_n3A_621, %mul3A_639, %dma_wait3A_648, %dma_wait3A_649, %dma_wait3A_650] : memref<16x64x4x8x128xf32, #tpu.memory_space<hbm>> -> memref<1x8x4x8x128xf32, #tpu.memory_space<hbm>>
    %dma_wait3A_652 = tpu.memref_squeeze %dma_wait3A_651 : memref<1x8x4x8x128xf32, #tpu.memory_space<hbm>> -> memref<8x4x8x128xf32, #tpu.memory_space<hbm>>
    %dma_wait3A_653 = tpu.memref_slice %arg8[%dma_wait3A_641] : memref<2x!tpu.dma_semaphore, #tpu.memory_space<semaphore_mem>> -> memref<1x!tpu.dma_semaphore, #tpu.memory_space<semaphore_mem>>
    %dma_wait3A_654 = tpu.memref_squeeze %dma_wait3A_653 : memref<1x!tpu.dma_semaphore, #tpu.memory_space<semaphore_mem>> -> memref<!tpu.dma_semaphore, #tpu.memory_space<semaphore_mem>>
    %dma_wait3A_655 = arith.constant 0 : i32
    %dma_wait3A_656 = arith.constant 0 : i32
    %dma_wait3A_657 = arith.constant 0 : i32
    %dma_wait3A_658 = tpu.memref_slice %arg4[%select_n3A_621, %mul3A_639, %dma_wait3A_655, %dma_wait3A_656, %dma_wait3A_657] : memref<16x64x4x8x128xf32, #tpu.memory_space<hbm>> -> memref<1x8x4x8x128xf32, #tpu.memory_space<hbm>>
    %dma_wait3A_659 = tpu.memref_squeeze %dma_wait3A_658 : memref<1x8x4x8x128xf32, #tpu.memory_space<hbm>> -> memref<8x4x8x128xf32, #tpu.memory_space<hbm>>
    %dma_wait3A_660 = arith.constant 0 : i32
    %dma_wait3A_661 = arith.constant 0 : i32
    %dma_wait3A_662 = arith.constant 0 : i32
    %dma_wait3A_663 = arith.constant 0 : i32
    %dma_wait3A_664 = tpu.memref_slice %arg7[%dma_wait3A_640, %dma_wait3A_660, %dma_wait3A_661, %dma_wait3A_662, %dma_wait3A_663] : memref<2x8x4x8x128xf32, #tpu.memory_space<vmem>> -> memref<1x8x4x8x128xf32, #tpu.memory_space<vmem>>
    %dma_wait3A_665 = tpu.memref_squeeze %dma_wait3A_664 : memref<1x8x4x8x128xf32, #tpu.memory_space<vmem>> -> memref<8x4x8x128xf32, #tpu.memory_space<vmem>>
    tpu.wait_dma2 semaphore(%dma_wait3A_654 : memref<!tpu.dma_semaphore, #tpu.memory_space<semaphore_mem>>) src(%dma_wait3A_665 : memref<8x4x8x128xf32, #tpu.memory_space<vmem>>) dst(%dma_wait3A_659 : memref<8x4x8x128xf32, #tpu.memory_space<hbm>>)
    return
  }
}

module attributes {stable_mosaic.version = 14 : i64} {
  func.func @_mm_body(%arg0: i32, %arg1: memref<8x512x512xf32, #tpu.memory_space<vmem>>, %arg2: memref<8x512x128xf32, #tpu.memory_space<vmem>>, %arg3: memref<8x512x128xf32, #tpu.memory_space<vmem>>) attributes {dimension_semantics = [#tpu.dimension_semantics<arbitrary>], iteration_bounds = array<i64: 2>, scalar_prefetch = 0 : i64, scratch_operands = 0 : i64, tpu.core_type = #tpu.core_type<tc>, window_params = [{transform_indices = @transform_0, window_bounds = array<i64: 8, 512, 512>}, {transform_indices = @transform_1, window_bounds = array<i64: 8, 512, 128>}, {transform_indices = @transform_2, window_bounds = array<i64: 8, 512, 128>}]} {
    %get3A = arith.constant 0 : index
    %get3A_0 = arith.constant 0 : index
    %get3A_1 = arith.constant 0 : index
    %get3A_2 = vector.load %arg1[%get3A, %get3A_0, %get3A_1] : memref<8x512x512xf32, #tpu.memory_space<vmem>>, vector<1x512x512xf32>
    %get3A_3 = vector.shape_cast %get3A_2 : vector<1x512x512xf32> to vector<512x512xf32>
    %get3A_4 = arith.constant 0 : index
    %get3A_5 = arith.constant 0 : index
    %get3A_6 = arith.constant 0 : index
    %get3A_7 = vector.load %arg2[%get3A_4, %get3A_5, %get3A_6] : memref<8x512x128xf32, #tpu.memory_space<vmem>>, vector<1x512x128xf32>
    %get3A_8 = vector.shape_cast %get3A_7 : vector<1x512x128xf32> to vector<512x128xf32>
    %dot_general3A = arith.constant dense<0.000000e+00> : vector<512x128xf32>
    %dot_general3A_9 = tpu.matmul %get3A_3, %get3A_8, %dot_general3A {dimension_numbers = #tpu.dot_dimension_numbers<[1], [0], [0], [1], [0, 0, 1, 1], [], []>, transpose_lhs_hint = false} : vector<512x512xf32>, vector<512x128xf32>, vector<512x128xf32> -> vector<512x128xf32>
    %dot_general3A_10 = arith.constant dense<0.000000e+00> : vector<512x128xf32>
    %dot_general3A_11 = tpu.matmul %get3A_3, %dot_general3A_9, %dot_general3A_10 {dimension_numbers = #tpu.dot_dimension_numbers<[1], [0], [0], [1], [0, 0, 1, 1], [], []>, transpose_lhs_hint = false} : vector<512x512xf32>, vector<512x128xf32>, vector<512x128xf32> -> vector<512x128xf32>
    %swap3A = arith.constant 0 : index
    %swap3A_12 = arith.constant 0 : index
    %swap3A_13 = arith.constant 0 : index
    %swap3A_14 = vector.load %arg3[%swap3A, %swap3A_12, %swap3A_13] : memref<8x512x128xf32, #tpu.memory_space<vmem>>, vector<1x512x128xf32>
    %swap3A_15 = vector.shape_cast %swap3A_14 : vector<1x512x128xf32> to vector<512x128xf32>
    %swap3A_16 = vector.shape_cast %dot_general3A_11 : vector<512x128xf32> to vector<1x512x128xf32>
    tpu.vector_store %arg3[%swap3A, %swap3A_12, %swap3A_13], %swap3A_16 {strides = array<i32>} : memref<8x512x128xf32, #tpu.memory_space<vmem>>, vector<1x512x128xf32>,
    %get3A_17 = arith.constant 1 : index
    %get3A_18 = arith.constant 0 : index
    %get3A_19 = arith.constant 0 : index
    %get3A_20 = vector.load %arg1[%get3A_17, %get3A_18, %get3A_19] : memref<8x512x512xf32, #tpu.memory_space<vmem>>, vector<1x512x512xf32>
    %get3A_21 = vector.shape_cast %get3A_20 : vector<1x512x512xf32> to vector<512x512xf32>
    %get3A_22 = arith.constant 1 : index
    %get3A_23 = arith.constant 0 : index
    %get3A_24 = arith.constant 0 : index
    %get3A_25 = vector.load %arg2[%get3A_22, %get3A_23, %get3A_24] : memref<8x512x128xf32, #tpu.memory_space<vmem>>, vector<1x512x128xf32>
    %get3A_26 = vector.shape_cast %get3A_25 : vector<1x512x128xf32> to vector<512x128xf32>
    %dot_general3A_27 = arith.constant dense<0.000000e+00> : vector<512x128xf32>
    %dot_general3A_28 = tpu.matmul %get3A_21, %get3A_26, %dot_general3A_27 {dimension_numbers = #tpu.dot_dimension_numbers<[1], [0], [0], [1], [0, 0, 1, 1], [], []>, transpose_lhs_hint = false} : vector<512x512xf32>, vector<512x128xf32>, vector<512x128xf32> -> vector<512x128xf32>
    %dot_general3A_29 = arith.constant dense<0.000000e+00> : vector<512x128xf32>
    %dot_general3A_30 = tpu.matmul %get3A_21, %dot_general3A_28, %dot_general3A_29 {dimension_numbers = #tpu.dot_dimension_numbers<[1], [0], [0], [1], [0, 0, 1, 1], [], []>, transpose_lhs_hint = false} : vector<512x512xf32>, vector<512x128xf32>, vector<512x128xf32> -> vector<512x128xf32>
    %swap3A_31 = arith.constant 1 : index
    %swap3A_32 = arith.constant 0 : index
    %swap3A_33 = arith.constant 0 : index
    %swap3A_34 = vector.load %arg3[%swap3A_31, %swap3A_32, %swap3A_33] : memref<8x512x128xf32, #tpu.memory_space<vmem>>, vector<1x512x128xf32>
    %swap3A_35 = vector.shape_cast %swap3A_34 : vector<1x512x128xf32> to vector<512x128xf32>
    %swap3A_36 = vector.shape_cast %dot_general3A_30 : vector<512x128xf32> to vector<1x512x128xf32>
    tpu.vector_store %arg3[%swap3A_31, %swap3A_32, %swap3A_33], %swap3A_36 {strides = array<i32>} : memref<8x512x128xf32, #tpu.memory_space<vmem>>, vector<1x512x128xf32>,
    %get3A_37 = arith.constant 2 : index
    %get3A_38 = arith.constant 0 : index
    %get3A_39 = arith.constant 0 : index
    %get3A_40 = vector.load %arg1[%get3A_37, %get3A_38, %get3A_39] : memref<8x512x512xf32, #tpu.memory_space<vmem>>, vector<1x512x512xf32>
    %get3A_41 = vector.shape_cast %get3A_40 : vector<1x512x512xf32> to vector<512x512xf32>
    %get3A_42 = arith.constant 2 : index
    %get3A_43 = arith.constant 0 : index
    %get3A_44 = arith.constant 0 : index
    %get3A_45 = vector.load %arg2[%get3A_42, %get3A_43, %get3A_44] : memref<8x512x128xf32, #tpu.memory_space<vmem>>, vector<1x512x128xf32>
    %get3A_46 = vector.shape_cast %get3A_45 : vector<1x512x128xf32> to vector<512x128xf32>
    %dot_general3A_47 = arith.constant dense<0.000000e+00> : vector<512x128xf32>
    %dot_general3A_48 = tpu.matmul %get3A_41, %get3A_46, %dot_general3A_47 {dimension_numbers = #tpu.dot_dimension_numbers<[1], [0], [0], [1], [0, 0, 1, 1], [], []>, transpose_lhs_hint = false} : vector<512x512xf32>, vector<512x128xf32>, vector<512x128xf32> -> vector<512x128xf32>
    %dot_general3A_49 = arith.constant dense<0.000000e+00> : vector<512x128xf32>
    %dot_general3A_50 = tpu.matmul %get3A_41, %dot_general3A_48, %dot_general3A_49 {dimension_numbers = #tpu.dot_dimension_numbers<[1], [0], [0], [1], [0, 0, 1, 1], [], []>, transpose_lhs_hint = false} : vector<512x512xf32>, vector<512x128xf32>, vector<512x128xf32> -> vector<512x128xf32>
    %swap3A_51 = arith.constant 2 : index
    %swap3A_52 = arith.constant 0 : index
    %swap3A_53 = arith.constant 0 : index
    %swap3A_54 = vector.load %arg3[%swap3A_51, %swap3A_52, %swap3A_53] : memref<8x512x128xf32, #tpu.memory_space<vmem>>, vector<1x512x128xf32>
    %swap3A_55 = vector.shape_cast %swap3A_54 : vector<1x512x128xf32> to vector<512x128xf32>
    %swap3A_56 = vector.shape_cast %dot_general3A_50 : vector<512x128xf32> to vector<1x512x128xf32>
    tpu.vector_store %arg3[%swap3A_51, %swap3A_52, %swap3A_53], %swap3A_56 {strides = array<i32>} : memref<8x512x128xf32, #tpu.memory_space<vmem>>, vector<1x512x128xf32>,
    %get3A_57 = arith.constant 3 : index
    %get3A_58 = arith.constant 0 : index
    %get3A_59 = arith.constant 0 : index
    %get3A_60 = vector.load %arg1[%get3A_57, %get3A_58, %get3A_59] : memref<8x512x512xf32, #tpu.memory_space<vmem>>, vector<1x512x512xf32>
    %get3A_61 = vector.shape_cast %get3A_60 : vector<1x512x512xf32> to vector<512x512xf32>
    %get3A_62 = arith.constant 3 : index
    %get3A_63 = arith.constant 0 : index
    %get3A_64 = arith.constant 0 : index
    %get3A_65 = vector.load %arg2[%get3A_62, %get3A_63, %get3A_64] : memref<8x512x128xf32, #tpu.memory_space<vmem>>, vector<1x512x128xf32>
    %get3A_66 = vector.shape_cast %get3A_65 : vector<1x512x128xf32> to vector<512x128xf32>
    %dot_general3A_67 = arith.constant dense<0.000000e+00> : vector<512x128xf32>
    %dot_general3A_68 = tpu.matmul %get3A_61, %get3A_66, %dot_general3A_67 {dimension_numbers = #tpu.dot_dimension_numbers<[1], [0], [0], [1], [0, 0, 1, 1], [], []>, transpose_lhs_hint = false} : vector<512x512xf32>, vector<512x128xf32>, vector<512x128xf32> -> vector<512x128xf32>
    %dot_general3A_69 = arith.constant dense<0.000000e+00> : vector<512x128xf32>
    %dot_general3A_70 = tpu.matmul %get3A_61, %dot_general3A_68, %dot_general3A_69 {dimension_numbers = #tpu.dot_dimension_numbers<[1], [0], [0], [1], [0, 0, 1, 1], [], []>, transpose_lhs_hint = false} : vector<512x512xf32>, vector<512x128xf32>, vector<512x128xf32> -> vector<512x128xf32>
    %swap3A_71 = arith.constant 3 : index
    %swap3A_72 = arith.constant 0 : index
    %swap3A_73 = arith.constant 0 : index
    %swap3A_74 = vector.load %arg3[%swap3A_71, %swap3A_72, %swap3A_73] : memref<8x512x128xf32, #tpu.memory_space<vmem>>, vector<1x512x128xf32>
    %swap3A_75 = vector.shape_cast %swap3A_74 : vector<1x512x128xf32> to vector<512x128xf32>
    %swap3A_76 = vector.shape_cast %dot_general3A_70 : vector<512x128xf32> to vector<1x512x128xf32>
    tpu.vector_store %arg3[%swap3A_71, %swap3A_72, %swap3A_73], %swap3A_76 {strides = array<i32>} : memref<8x512x128xf32, #tpu.memory_space<vmem>>, vector<1x512x128xf32>,
    %get3A_77 = arith.constant 4 : index
    %get3A_78 = arith.constant 0 : index
    %get3A_79 = arith.constant 0 : index
    %get3A_80 = vector.load %arg1[%get3A_77, %get3A_78, %get3A_79] : memref<8x512x512xf32, #tpu.memory_space<vmem>>, vector<1x512x512xf32>
    %get3A_81 = vector.shape_cast %get3A_80 : vector<1x512x512xf32> to vector<512x512xf32>
    %get3A_82 = arith.constant 4 : index
    %get3A_83 = arith.constant 0 : index
    %get3A_84 = arith.constant 0 : index
    %get3A_85 = vector.load %arg2[%get3A_82, %get3A_83, %get3A_84] : memref<8x512x128xf32, #tpu.memory_space<vmem>>, vector<1x512x128xf32>
    %get3A_86 = vector.shape_cast %get3A_85 : vector<1x512x128xf32> to vector<512x128xf32>
    %dot_general3A_87 = arith.constant dense<0.000000e+00> : vector<512x128xf32>
    %dot_general3A_88 = tpu.matmul %get3A_81, %get3A_86, %dot_general3A_87 {dimension_numbers = #tpu.dot_dimension_numbers<[1], [0], [0], [1], [0, 0, 1, 1], [], []>, transpose_lhs_hint = false} : vector<512x512xf32>, vector<512x128xf32>, vector<512x128xf32> -> vector<512x128xf32>
    %dot_general3A_89 = arith.constant dense<0.000000e+00> : vector<512x128xf32>
    %dot_general3A_90 = tpu.matmul %get3A_81, %dot_general3A_88, %dot_general3A_89 {dimension_numbers = #tpu.dot_dimension_numbers<[1], [0], [0], [1], [0, 0, 1, 1], [], []>, transpose_lhs_hint = false} : vector<512x512xf32>, vector<512x128xf32>, vector<512x128xf32> -> vector<512x128xf32>
    %swap3A_91 = arith.constant 4 : index
    %swap3A_92 = arith.constant 0 : index
    %swap3A_93 = arith.constant 0 : index
    %swap3A_94 = vector.load %arg3[%swap3A_91, %swap3A_92, %swap3A_93] : memref<8x512x128xf32, #tpu.memory_space<vmem>>, vector<1x512x128xf32>
    %swap3A_95 = vector.shape_cast %swap3A_94 : vector<1x512x128xf32> to vector<512x128xf32>
    %swap3A_96 = vector.shape_cast %dot_general3A_90 : vector<512x128xf32> to vector<1x512x128xf32>
    tpu.vector_store %arg3[%swap3A_91, %swap3A_92, %swap3A_93], %swap3A_96 {strides = array<i32>} : memref<8x512x128xf32, #tpu.memory_space<vmem>>, vector<1x512x128xf32>,
    %get3A_97 = arith.constant 5 : index
    %get3A_98 = arith.constant 0 : index
    %get3A_99 = arith.constant 0 : index
    %get3A_100 = vector.load %arg1[%get3A_97, %get3A_98, %get3A_99] : memref<8x512x512xf32, #tpu.memory_space<vmem>>, vector<1x512x512xf32>
    %get3A_101 = vector.shape_cast %get3A_100 : vector<1x512x512xf32> to vector<512x512xf32>
    %get3A_102 = arith.constant 5 : index
    %get3A_103 = arith.constant 0 : index
    %get3A_104 = arith.constant 0 : index
    %get3A_105 = vector.load %arg2[%get3A_102, %get3A_103, %get3A_104] : memref<8x512x128xf32, #tpu.memory_space<vmem>>, vector<1x512x128xf32>
    %get3A_106 = vector.shape_cast %get3A_105 : vector<1x512x128xf32> to vector<512x128xf32>
    %dot_general3A_107 = arith.constant dense<0.000000e+00> : vector<512x128xf32>
    %dot_general3A_108 = tpu.matmul %get3A_101, %get3A_106, %dot_general3A_107 {dimension_numbers = #tpu.dot_dimension_numbers<[1], [0], [0], [1], [0, 0, 1, 1], [], []>, transpose_lhs_hint = false} : vector<512x512xf32>, vector<512x128xf32>, vector<512x128xf32> -> vector<512x128xf32>
    %dot_general3A_109 = arith.constant dense<0.000000e+00> : vector<512x128xf32>
    %dot_general3A_110 = tpu.matmul %get3A_101, %dot_general3A_108, %dot_general3A_109 {dimension_numbers = #tpu.dot_dimension_numbers<[1], [0], [0], [1], [0, 0, 1, 1], [], []>, transpose_lhs_hint = false} : vector<512x512xf32>, vector<512x128xf32>, vector<512x128xf32> -> vector<512x128xf32>
    %swap3A_111 = arith.constant 5 : index
    %swap3A_112 = arith.constant 0 : index
    %swap3A_113 = arith.constant 0 : index
    %swap3A_114 = vector.load %arg3[%swap3A_111, %swap3A_112, %swap3A_113] : memref<8x512x128xf32, #tpu.memory_space<vmem>>, vector<1x512x128xf32>
    %swap3A_115 = vector.shape_cast %swap3A_114 : vector<1x512x128xf32> to vector<512x128xf32>
    %swap3A_116 = vector.shape_cast %dot_general3A_110 : vector<512x128xf32> to vector<1x512x128xf32>
    tpu.vector_store %arg3[%swap3A_111, %swap3A_112, %swap3A_113], %swap3A_116 {strides = array<i32>} : memref<8x512x128xf32, #tpu.memory_space<vmem>>, vector<1x512x128xf32>,
    %get3A_117 = arith.constant 6 : index
    %get3A_118 = arith.constant 0 : index
    %get3A_119 = arith.constant 0 : index
    %get3A_120 = vector.load %arg1[%get3A_117, %get3A_118, %get3A_119] : memref<8x512x512xf32, #tpu.memory_space<vmem>>, vector<1x512x512xf32>
    %get3A_121 = vector.shape_cast %get3A_120 : vector<1x512x512xf32> to vector<512x512xf32>
    %get3A_122 = arith.constant 6 : index
    %get3A_123 = arith.constant 0 : index
    %get3A_124 = arith.constant 0 : index
    %get3A_125 = vector.load %arg2[%get3A_122, %get3A_123, %get3A_124] : memref<8x512x128xf32, #tpu.memory_space<vmem>>, vector<1x512x128xf32>
    %get3A_126 = vector.shape_cast %get3A_125 : vector<1x512x128xf32> to vector<512x128xf32>
    %dot_general3A_127 = arith.constant dense<0.000000e+00> : vector<512x128xf32>
    %dot_general3A_128 = tpu.matmul %get3A_121, %get3A_126, %dot_general3A_127 {dimension_numbers = #tpu.dot_dimension_numbers<[1], [0], [0], [1], [0, 0, 1, 1], [], []>, transpose_lhs_hint = false} : vector<512x512xf32>, vector<512x128xf32>, vector<512x128xf32> -> vector<512x128xf32>
    %dot_general3A_129 = arith.constant dense<0.000000e+00> : vector<512x128xf32>
    %dot_general3A_130 = tpu.matmul %get3A_121, %dot_general3A_128, %dot_general3A_129 {dimension_numbers = #tpu.dot_dimension_numbers<[1], [0], [0], [1], [0, 0, 1, 1], [], []>, transpose_lhs_hint = false} : vector<512x512xf32>, vector<512x128xf32>, vector<512x128xf32> -> vector<512x128xf32>
    %swap3A_131 = arith.constant 6 : index
    %swap3A_132 = arith.constant 0 : index
    %swap3A_133 = arith.constant 0 : index
    %swap3A_134 = vector.load %arg3[%swap3A_131, %swap3A_132, %swap3A_133] : memref<8x512x128xf32, #tpu.memory_space<vmem>>, vector<1x512x128xf32>
    %swap3A_135 = vector.shape_cast %swap3A_134 : vector<1x512x128xf32> to vector<512x128xf32>
    %swap3A_136 = vector.shape_cast %dot_general3A_130 : vector<512x128xf32> to vector<1x512x128xf32>
    tpu.vector_store %arg3[%swap3A_131, %swap3A_132, %swap3A_133], %swap3A_136 {strides = array<i32>} : memref<8x512x128xf32, #tpu.memory_space<vmem>>, vector<1x512x128xf32>,
    %get3A_137 = arith.constant 7 : index
    %get3A_138 = arith.constant 0 : index
    %get3A_139 = arith.constant 0 : index
    %get3A_140 = vector.load %arg1[%get3A_137, %get3A_138, %get3A_139] : memref<8x512x512xf32, #tpu.memory_space<vmem>>, vector<1x512x512xf32>
    %get3A_141 = vector.shape_cast %get3A_140 : vector<1x512x512xf32> to vector<512x512xf32>
    %get3A_142 = arith.constant 7 : index
    %get3A_143 = arith.constant 0 : index
    %get3A_144 = arith.constant 0 : index
    %get3A_145 = vector.load %arg2[%get3A_142, %get3A_143, %get3A_144] : memref<8x512x128xf32, #tpu.memory_space<vmem>>, vector<1x512x128xf32>
    %get3A_146 = vector.shape_cast %get3A_145 : vector<1x512x128xf32> to vector<512x128xf32>
    %dot_general3A_147 = arith.constant dense<0.000000e+00> : vector<512x128xf32>
    %dot_general3A_148 = tpu.matmul %get3A_141, %get3A_146, %dot_general3A_147 {dimension_numbers = #tpu.dot_dimension_numbers<[1], [0], [0], [1], [0, 0, 1, 1], [], []>, transpose_lhs_hint = false} : vector<512x512xf32>, vector<512x128xf32>, vector<512x128xf32> -> vector<512x128xf32>
    %dot_general3A_149 = arith.constant dense<0.000000e+00> : vector<512x128xf32>
    %dot_general3A_150 = tpu.matmul %get3A_141, %dot_general3A_148, %dot_general3A_149 {dimension_numbers = #tpu.dot_dimension_numbers<[1], [0], [0], [1], [0, 0, 1, 1], [], []>, transpose_lhs_hint = false} : vector<512x512xf32>, vector<512x128xf32>, vector<512x128xf32> -> vector<512x128xf32>
    %swap3A_151 = arith.constant 7 : index
    %swap3A_152 = arith.constant 0 : index
    %swap3A_153 = arith.constant 0 : index
    %swap3A_154 = vector.load %arg3[%swap3A_151, %swap3A_152, %swap3A_153] : memref<8x512x128xf32, #tpu.memory_space<vmem>>, vector<1x512x128xf32>
    %swap3A_155 = vector.shape_cast %swap3A_154 : vector<1x512x128xf32> to vector<512x128xf32>
    %swap3A_156 = vector.shape_cast %dot_general3A_150 : vector<512x128xf32> to vector<1x512x128xf32>
    tpu.vector_store %arg3[%swap3A_151, %swap3A_152, %swap3A_153], %swap3A_156 {strides = array<i32>} : memref<8x512x128xf32, #tpu.memory_space<vmem>>, vector<1x512x128xf32>,
    return
  }
  func.func @transform_0(%arg0: i32) -> (i32, i32, i32) {
    %c0_i32 = arith.constant 0 : i32
    %c0_i32_0 = arith.constant 0 : i32
    %c0_i32_1 = arith.constant 0 : i32
    return %arg0, %c0_i32, %c0_i32_0 : i32, i32, i32
  }
  func.func @transform_1(%arg0: i32) -> (i32, i32, i32) {
    %c0_i32 = arith.constant 0 : i32
    %c0_i32_0 = arith.constant 0 : i32
    %c0_i32_1 = arith.constant 0 : i32
    return %arg0, %c0_i32, %c0_i32_0 : i32, i32, i32
  }
  func.func @transform_2(%arg0: i32) -> (i32, i32, i32) {
    %c0_i32 = arith.constant 0 : i32
    %c0_i32_0 = arith.constant 0 : i32
    %c0_i32_1 = arith.constant 0 : i32
    return %arg0, %c0_i32, %c0_i32_0 : i32, i32, i32
  }
}

</mosaic_0001>

<sc_bundles>
// kernel: kernel.4.cloned.1.call-start
scs
__scs_entry_jumppad:
0x0: {  	(pc) =	sbr.rel $0x88, $3  }
0x1: {  	(tag) =	ssettag $0x0;
	lr =	simm.s32 $0x1  }
0x2: {  	[smem:$0x3F9E] =	sst lr;
	_ =	strace $0xD0000000  }
0x3: {  	_ = 	snop  }
0x4: {  	_ = 	snop  }
0x5: {  	_ = 	snop  }
0x6: {  	_ = 	snop  }
0x7: {  	_ = 	snop  }
__scs_overlays_trampoline_lowered:
0x8: {  	[smem:$0x3FAD] =	sst s0  }
0x9: {  	[smem:$0x3FAE] =	sst s1  }
0xa: {  	[smem:$0x3FAF] =	sst s2  }
0xb: {  	[smem:$0x3FB0] =	sst s3  }
0xc: {  	[smem:$0x3FB1] =	sst s4  }
0xd: {  	[smem:$0x3FB2] =	sst s5  }
0xe: {  	[smem:$0x3FB3] =	sst s6  }
0xf: {  	[smem:$0x3FB4] =	sst s7  }
0x10: {  	[smem:$0x3FB5] =	sst s8  }
0x11: {  	[smem:$0x3FB6] =	sst s9;
	s0 =	simm.s32 @!p0 $0x0  }
0x12: {  	s1 =	sld [smem:$0x3F9C];
	s0 =	simm.s32 @p0 $0x1  }
0x13: {  	[smem:$0x3FB7] =	sst s0;
	s0 =	simm.s32 @!p1 $0x0  }
0x14: {  	s2 =	sld [smem:$0x3F9B];
	s0 =	simm.s32 @p1 $0x1  }
0x15: {  	[smem:$0x3FB8] =	sst s0;
	s0 =	simm.s32 @!p2 $0x0  }
0x16: {  	s3 =	sld [smem:$0x3FDB];
	s0 =	simm.s32 @p2 $0x1  }
0x17: {  	s4 =	simm.s32 $0x1BF5;
	[smem:$0x3FBA] =	sst s0  }
0x18: {  	s0 =	sld [smem:$0x3F9D];
	_ =	swait.ge [sflag:s4], $0x0  }
0x19: {  	s7 =	sld [smem:$0x3F9E]  }
0x1a: {  	s8 =	sadd.s32 $0xFFFFE003, lr  }
0x1b: {  	s9 =	sadd.s32 $0xFFFFFEF7, lr;
	s5 =	simm.s32 $0xFFFFFFFF;
	p2 =	slt.u32 s8, $0xFFFFF086  }
0x1c: {  	p1 =	slt.u32 s9, $0xF7A;
	s5 =	simm.s32 @!p2 $0x0  }
0x1d: {  	s5 =	simm.s32 @p1 $0x1;
	p0 =	seq.s32 s7, s2  }
0x1e: {  	s7 =	smul.u32 @!p0 $0xF7A, s2;
	p2 =	seq.s32 @!p0 s5, $0x0  }
0x1f: {  	s9 =	smul.u32 $0xF7A, s1;
	s8 =	simm.s32 @!p0 $0x1BF5;
	p2 =	por !p2, p0  }
0x20: {  	[sflag:s8] =	ssyncset.s32 @!p0 $0xFFFFF086;
	s6 =	sadd.s32 @!p0 s3, s7;
	s7 =	simm.s32 @!p0 $0x108  }
0x21: {  	s3 =	sadd.s32 s3, s9;
	s6 =	sadd.s32 @!p0 $0x88, s6;
	s7 =	simm.s32 @p2 $0x1082  }
0x22: {  	[simem:s7], [sflag:s8] =	dma.local @!p0 [hbm:s6], $0xF7A  }
0x23: {  	s9 =	sor.u32 $0xD0000000, s2;
	s6 =	simm.s32 $0x108;
	_ =	swait.ge @!p0 [sflag:s8], $0x0  }
0x24: {  	s3 =	sadd.s32 $0x88, s3;
	s6 =	simm.s32 @!p1 $0x1082;
	[sflag:s4] =	ssyncset.s32 $0xFFFFF086  }
0x25: {  	[simem:s6], [sflag:s4] =	dma.local [hbm:s3], $0xF7A  }
0x26: {  	[smem:$0x3F9E] =	sst s1;
	(tag) =	ssettag s2;
	_ =	strace s9  }
0x27: {  	s1 =	sld [smem:$0x3FAE]  }
0x28: {  	s2 =	sld [smem:$0x3FAF]  }
0x29: {  	s4 =	sld [smem:$0x3FB1]  }
0x2a: {  	p0 =	seq.s32 s5, $0x0;
	s5 =	sld [smem:$0x3FB2]  }
0x2b: {  	s6 =	sld [smem:$0x3FB3]  }
0x2c: {  	s7 =	sld [smem:$0x3FB4]  }
0x2d: {  	s3 =	simm.s32 $0x108;
	s8 =	sld [smem:$0x3FB5]  }
0x2e: {  	s3 =	simm.s32 @!p0 $0x1082;
	s9 =	sld [smem:$0x3FB6]  }
0x2f: {  	lr =	sadd.s32 s0, s3;
	s0 =	sld [smem:$0x3FAD]  }
0x30: {  	s3 =	sld [smem:$0x3FB0]  }
0x31: {  	[smem:$0x3FB9] =	sst s10  }
0x32: {  	s10 =	sld [smem:$0x3FB7];
	_ =	sdelay $0x3  }
0x33: {  	p0 =	seq.s32 s10, $0x1;
	s10 =	sld [smem:$0x3FB9];
	_ =	sdelay $0x3  }
0x34: {  	[smem:$0x3FB9] =	sst s10  }
0x35: {  	s10 =	sld [smem:$0x3FB8];
	_ =	sdelay $0x3  }
0x36: {  	p1 =	seq.s32 s10, $0x1;
	s10 =	sld [smem:$0x3FB9];
	_ =	sdelay $0x3  }
0x37: {  	[smem:$0x3FB9] =	sst s10  }
0x38: {  	s10 =	sld [smem:$0x3FBA]  }
0x39: {  	_ = 	snop;
	(pc) =	sbr.ind lr, $3  }
0x3a: {  	_ = 	snop  }
0x3b: {  	_ = 	snop  }
0x3c: {  	p2 =	seq.s32 s10, $0x1;
	s10 =	sld [smem:$0x3FB9]  }
0x3d: {  	_ =	shalt  }
0x3e: {  	_ =	shalt  }
0x3f: {  	_ =	shalt  }
0x40: {  	_ =	shalt  }
0x41: {  	_ =	shalt  }
0x42: {  	_ =	shalt  }
0x43: {  	_ =	shalt  }
0x44: {  	_ =	shalt  }
0x45: {  	_ =	shalt  }
0x46: {  	_ =	shalt  }
0x47: {  	_ =	shalt  }
0x48: {  	_ =	shalt  }
0x49: {  	_ =	shalt  }
0x4a: {  	_ =	shalt  }
0x4b: {  	_ =	shalt  }
0x4c: {  	_ =	shalt  }
0x4d: {  	_ =	shalt  }
0x4e: {  	_ =	shalt  }
0x4f: {  	_ =	shalt  }
0x50: {  	_ =	shalt  }
0x51: {  	_ =	shalt  }
0x52: {  	_ =	shalt  }
0x53: {  	_ =	shalt  }
0x54: {  	_ =	shalt  }
0x55: {  	_ =	shalt  }
0x56: {  	_ =	shalt  }
0x57: {  	_ =	shalt  }
0x58: {  	_ =	shalt  }
0x59: {  	_ =	shalt  }
0x5a: {  	_ =	shalt  }
0x5b: {  	_ =	shalt  }
0x5c: {  	_ =	shalt  }
0x5d: {  	_ =	shalt  }
0x5e: {  	_ =	shalt  }
0x5f: {  	_ =	shalt  }
0x60: {  	_ =	shalt  }
0x61: {  	_ =	shalt  }
0x62: {  	_ =	shalt  }
0x63: {  	_ =	shalt  }
0x64: {  	_ =	shalt  }
0x65: {  	_ =	shalt  }
0x66: {  	_ =	shalt  }
0x67: {  	_ =	shalt  }
0x68: {  	_ =	shalt  }
0x69: {  	_ =	shalt  }
0x6a: {  	_ =	shalt  }
0x6b: {  	_ =	shalt  }
0x6c: {  	_ =	shalt  }
0x6d: {  	_ =	shalt  }
0x6e: {  	_ =	shalt  }
0x6f: {  	_ =	shalt  }
0x70: {  	_ =	shalt  }
0x71: {  	_ =	shalt  }
0x72: {  	_ =	shalt  }
0x73: {  	_ =	shalt  }
0x74: {  	_ =	shalt  }
0x75: {  	_ =	shalt  }
0x76: {  	_ =	shalt  }
0x77: {  	_ =	shalt  }
0x78: {  	_ =	shalt  }
0x79: {  	_ =	shalt  }
0x7a: {  	_ =	shalt  }
0x7b: {  	_ =	shalt  }
0x7c: {  	_ =	shalt  }
0x7d: {  	_ =	shalt  }
0x7e: {  	_ =	shalt  }
0x7f: {  	_ =	shalt  }
0x80: {  	_ =	shalt  }
0x81: {  	_ =	shalt  }
0x82: {  	_ =	shalt  }
0x83: {  	_ =	shalt  }
0x84: {  	_ =	shalt  }
0x85: {  	_ =	shalt  }
0x86: {  	_ =	shalt  }
0x87: {  	_ =	shalt  }
.Lfunc_end0:
.L_simem_size_0:
called_computation_lowered:
.L_overlay_start_0:
0x88: {  	s2 =	sld [smem:$0x3FD9]  }
0x89: {  	s3 =	sld [smem:$0x3FFE];
	_ =	sdelay $0x1  }
0x8a: {  	s1 =	srdreg.scid  }
0x8b: {  	s0 =	sand.u32 $0x1, s1  }
0x8c: {  	s17 =	sshll.u32 s0, $0xA;
	s2 =	sadd.s32 s3, s2  }
0x8d: {  	s2 =	sadd.s32 s2, s17  }
0x8e: {  	[smem:$0x3FC5] =	sst s2  }
0x8f: {  	_ = 	snop  }
0x90: {  	s2 =	sld [smem:$0x3FC8]  }
0x91: {  	s18 =	sld [smem:$0x3FC7];
	(tm) =	ssettm $0x1  }
0x92: {  	s4 =	sld [smem:$0x3FFB];
	_ =	sdelay $0x3  }
0x93: {  	_ =	strace s4  }
0x94: {  	s4 =	sld [smem:$0x3FFC];
	_ =	sdelay $0x3  }
0x95: {  	_ =	strace s4  }
0x96: {  	s4 =	sld [smem:$0x3FFD];
	_ =	sdelay $0x3  }
0x97: {  	_ =	strace s4  }
0x98: {  	_ =	strace $0x8FFFFFFF  }
0x99: {  	s19 =	sld [smem:$0x3FDB];
	_ =	sdelay $0x1  }
0x9a: {  	s5 =	simm.s32 $_scs_section_size  }
0x9b: {  	s6 =	simm.s32 $_size__tile_overlayer_lowered;
	s7 =	simm.s32 $_tile_overlayer_lowered  }
0x9c: {  	s22 =	simm.s32 $0x1BFF;
	s21 =	sshll.u32 s7, $0x1;
	s4 =	sadd.s32 s5, s19  }
0x9d: {  	s8 =	simm.s32 $0x0;
	s20 =	sshll.u32 s6, $0x1;
	s6 =	sadd.s32 s21, s4  }
0x9e: {  	[timem:s8], [sflag:s22] =	dma.local [hbm:s6], s20  }
0x9f: {  	_ =	swait.ge [sflag:s22], s20  }
0xa0: {  	s5 =	ssub.s32 $0x0, s20;
	[sflag:s22] =	ssyncset.done $0x0  }
0xa1: {  	[sflag:s22] =	ssyncadd.s32 s5;
	_ =	sdelay $0x1  }
0xa2: {  	s23 =	simm.s32 $0x1B8B  }
0xa3: {  	_ =	swait.ge [sflag:s23], $0x1  }
0xa4: {  	[sflag:s23] =	ssyncset.done $0x0  }
0xa5: {  	s25 =	simm.s32 $0x1B8E;
	s24 =	sld [smem:$0x3FFE];
	[sflag:s23] =	ssyncadd.s32 $0xFFFFFFFF  }
0xa6: {  	s26 =	simm.s32 $execute0_lowered;
	[smem:$0x3FD2] =	sst s25  }
0xa7: {  	s6 =	sshll.u32 s26, $0x1;
	_ =	strace $0x80000046;
	[dreg:$0x1] =	wrdreg $0xFFFFFFFF  }
0xa8: {  	s28 =	simm.s32 $_size_execute0_lowered;
	s4 =	sadd.s32 s4, s6;
	[dreg:$0x0] =	wrdreg $0x0  }
0xa9: {  	s6 =	sshll.u32 s28, $0x1;
	[dreg:$0x2] =	wrdreg s4  }
0xaa: {  	[dreg:$0x3] =	wrdreg s6  }
0xab: {  	[dreg:$0x4] =	wrdreg $0xC0  }
0xac: {  	_ =	task [dreg:s8], $0x5FFFF  }
0xad: {  	[dreg:$0x1] =	wrdreg $0xFFFFFFFF  }
0xae: {  	[dreg:$0x0] =	wrdreg $0x60  }
0xaf: {  	[dreg:$0x2] =	wrdreg s2  }
0xb0: {  	[dreg:$0x3] =	wrdreg s18  }
0xb1: {  	[dreg:$0x4] =	wrdreg s24  }
0xb2: {  	[dreg:$0x5] =	wrdreg $0x9  }
0xb3: {  	_ =	task.clear_ibuf [dreg:s8], $0x6FFFF;
	_ =	strace $0x90000046  }
0xb4: {  	s29 =	simm.s32 $0x9;
	_ =	strace $0x80000048  }
0xb5: {  	_ =	swait.ge [sflag:s29], $0x1  }
0xb6: {  	[sflag:s29] =	ssyncadd.s32 $0xFFFFFFFF  }
0xb7: {  	_ =	strace $0x90000048  }
0xb8: {  	_ =	sfence  }
0xb9: {  	s30 =	sld [smem:$0x0];
	_ =	sdelay $0x2  }
0xba: {  	s31 =	sshll.u32 s1, $0xD;
	s1 =	sshrl.u32 s1, $0x2  }
0xbb: {  	s3 =	sand.u32 $0x4000, s31;
	s1 =	sadd.s32 s1, s30  }
0xbc: {  	s0 =	sor.u32 s3, s0;
	s1 =	sshll.u32 s1, $0x11  }
0xbd: {  	s0 =	sor.u32 s1, s0  }
0xbe: {  	s0 =	sadd.s32 $0x8F2B, s0  }
0xbf: {  	[sflag:s0] =	ssyncadd.remote.s32 $0x1  }
0xc0: {  	_ =	sfence.sel $0xFFFF  }
0xc1: {  	[dreg:$0x0] =	wrdreg $0xFFFFFFFF;
	(pc) =	sbr.abs _section_cstart, $3  }
0xc2: {  	[dreg:$0x1] =	wrdreg $0xFFFFFFFF  }
0xc3: {  	_ =	task.clear_ibuf [dreg:s8], $0x2FFFF;
	_ =	strace $0x9FFFFFFF  }
0xc4: {  	(tm) =	ssettm $0x7FFFFFFF  }
0xc5: {  	_ =	shalt  }
tec
execute0_lowered:
.L_overlay_start_1:
0x0: {  	(tag) =	ssettag $0x1  }
0x1: {  	v0 =	vimm.s32 $0x1380;
	vm14 =	vcmask $0x300  }
0x2: {  	vm13 =	vcmask $0x704;
	vm12 =	vcmask $0xB08;
	vm11 =	vcmask $0xF0C  }
0x3: {  	vm10 =	vcmask $0x1310;
	vm9 =	vcmask $0x1714;
	vm8 =	vcmask $0x1B18  }
0x4: {  	vm7 =	vcmask $0x1F1C;
	vm6 =	vcmask $0x2320;
	vm5 =	vcmask $0x2724  }
0x5: {  	vm4 =	vcmask $0x2B28;
	vm3 =	vcmask $0x2F2C;
	vm2 =	vcmask $0x3330  }
0x6: {  	vm1 =	vcmask $0x3734;
	vm0 =	vcmask $0x3B38;
	v2 =	vimm.s32 $0x3380  }
0x7: {  	v3 =	vimm.s32 $0x5380;
	v4 =	vimm.s32 $0x7380;
	v0 =	vsel vm14, $0x0, v0  }
0x8: {  	v2 =	vsel vm14, $0x2000, v2;
	v3 =	vsel vm14, $0x4000, v3;
	v4 =	vsel vm14, $0x6000, v4  }
0x9: {  	v0 =	vsel vm13, $0x80, v0;
	v2 =	vsel vm13, $0x2080, v2;
	v3 =	vsel vm13, $0x4080, v3  }
0xa: {  	v4 =	vsel vm13, $0x6080, v4;
	v0 =	vsel vm12, $0x100, v0;
	v2 =	vsel vm12, $0x2100, v2  }
0xb: {  	s4 =	rddreg [dreg:$0x0];
	v3 =	vsel vm12, $0x4100, v3;
	v4 =	vsel vm12, $0x6100, v4;
	v0 =	vsel vm11, $0x180, v0  }
0xc: {  	s1 =	srdreg.scid;
	s6 =	rddreg [dreg:$0x1];
	v2 =	vsel vm11, $0x2180, v2;
	v3 =	vsel vm11, $0x4180, v3;
	v4 =	vsel vm11, $0x6180, v4  }
0xd: {  	s0 =	stileid.u32;
	s3 =	rddreg [dreg:$0x2];
	v0 =	vsel vm10, $0x200, v0;
	v2 =	vsel vm10, $0x2200, v2;
	v3 =	vsel vm10, $0x4200, v3  }
0xe: {  	s2 =	simm.s32 $0x0;
	s7 =	simm.s32 $0x1;
	s13 =	simm.s32 $0x2000;
	v4 =	vsel vm10, $0x6200, v4;
	v0 =	vsel vm9, $0x280, v0;
	v2 =	vsel vm9, $0x2280, v2  }
0xf: {  	s14 =	simm.s32 $0x3;
	s15 =	simm.s32 $0x4000;
	s16 =	simm.s32 $0xC000;
	v3 =	vsel vm9, $0x4280, v3;
	v4 =	vsel vm9, $0x6280, v4;
	v0 =	vsel vm8, $0x300, v0  }
0x10: {  	s17 =	simm.s32 $0x2;
	s18 =	simm.s32 $0x0;
	s5 =	sand.u32 $0x1, s1;
	v2 =	vsel vm8, $0x2300, v2;
	v3 =	vsel vm8, $0x4300, v3;
	v4 =	vsel vm8, $0x6300, v4  }
0x11: {  	[smem:$0x7FF] =	sst s2;
	s8 =	sadd.s32 $0x800, s3;
	s1 =	sor.u32 s5, s0;
	v0 =	vsel vm7, $0x380, v0;
	v2 =	vsel vm7, $0x2380, v2;
	v3 =	vsel vm7, $0x4380, v3  }
0x12: {  	s3 =	simm.s32 $0x1;
	p1 =	seq.s32 s5, $0x1;
	p0 =	seq.s32 s1, $0x0;
	v4 =	vsel vm7, $0x6380, v4;
	v0 =	vsel vm6, $0x1000, v0;
	v2 =	vsel vm6, $0x3000, v2  }
0x13: {  	s29 =	sshll.u32 s0, $0xF;
	s28 =	ssub.s32 $0x2, s5;
	p0 =	por !p0, !p1;
	v3 =	vsel vm6, $0x5000, v3;
	v4 =	vsel vm6, $0x7000, v4;
	v0 =	vsel vm5, $0x1080, v0  }
0x14: {  	s10 =	sshll.u32 s5, $0xB;
	s5 =	sshll.u32 s5, $0xE;
	p0 =	por !p0, !p0;
	v2 =	vsel vm5, $0x3080, v2;
	v3 =	vsel vm5, $0x5080, v3;
	v4 =	vsel vm5, $0x7080, v4  }
0x15: {  	s1 =	rddreg [dreg:$0x3];
	_ =	strace $0x80000047;
	s7 =	simm.s32 @!p0 $0x0;
	v0 =	vsel vm4, $0x1100, v0;
	v2 =	vsel vm4, $0x3100, v2;
	v3 =	vsel vm4, $0x5100, v3  }
0x16: {  	s9 =	sshrl.u32 s28, $0x1;
	s30 =	sadd.s32 s8, s5;
	s7 =	ssub.s32 s0, s7;
	v4 =	vsel vm4, $0x7100, v4;
	v0 =	vsel vm3, $0x1180, v0;
	v2 =	vsel vm3, $0x3180, v2  }
0x17: {  	s12 =	sor.u32 s29, s5;
	s11 =	ssub.s32 s28, s9;
	s7 =	sshll.u32 s7, $0xE;
	v3 =	vsel vm3, $0x5180, v3;
	v4 =	vsel vm3, $0x7180, v4;
	v0 =	vsel vm2, $0x1200, v0  }
0x18: {  	s31 =	sadd.s32 s12, s8;
	s12 =	simm.s32 $0x1000;
	s7 =	sor.u32 s10, s7;
	v2 =	vsel vm2, $0x3200, v2;
	v3 =	vsel vm2, $0x5200, v3;
	v4 =	vsel vm2, $0x7200, v4  }
0x19: {  	s8 =	sadd.s32 $0x2000, s31;
	s9 =	sadd.s32 $0x3000, s31;
	s7 =	sshrl.u32 s7, $0x3;
	v1 =	vsel vm1, $0x1280, v0;
	v0 =	vimm.f32 $0.0e+00;
	v2 =	vsel vm1, $0x3280, v2  }
0x1a: {  	s10 =	smax.u32 s11, $0x1;
	s11 =	simm.s32 $0x800;
	s4 =	sadd.s32 s4, s7;
	v3 =	vsel vm1, $0x5280, v3;
	v4 =	vsel vm1, $0x7280, v4;
	v1 =	vsel vm0, $0x1300, v1  }
0x1b: {  	s5 =	sadd.s32 s6, s7;
	s6 =	sadd.s32 s29, s30;
	s7 =	sadd.s32 $0x1000, s31;
	v2 =	vsel vm0, $0x3300, v2;
	v3 =	vsel vm0, $0x5300, v3;
	v4 =	vsel vm0, $0x7300, v4  }
.LBB2_1:
0x1c: {  	[tilespmem:s2], [sflag:$0x3] =	stream.strided.gather [hbm4b:s4+s11], $0x2000, s12, s11, $0x38;
	[tilespmem:$0x14000] =	vst v63  }
0x1d: {  	s19 =	simm.s32 $0xFFFFFFFC  }
0x1e: {  	p0 =	por $0x0, $0x0;
	s20 =	simm.s32 $0x0;
	s21 =	simm.s32 $0x0  }
0x1f: {  	[tilespmem:s13], [sflag:$0x3] =	stream.strided.gather [hbm4b:s5+s11], $0x2000, s12, s11, $0x38;
	[tilespmem:$0x14000] =	vst v63  }
.LBB2_2:
0x20: {  	s22 =	sand.u32 $0x7000, s21;
	s23 =	sand.u32 $0x200, s20  }
0x21: {  	s22 =	sor.u32 s23, s22  }
0x22: {  	[tilespmem:s22+$0x4000] =	vst v0  }
0x23: {  	[tilespmem:s22+$0x4010] =	vst v0  }
0x24: {  	[tilespmem:s22+$0x4020] =	vst v0  }
0x25: {  	[tilespmem:s22+$0x4030] =	vst v0  }
0x26: {  	[tilespmem:s22+$0x4040] =	vst v0  }
0x27: {  	[tilespmem:s22+$0x4050] =	vst v0  }
0x28: {  	[tilespmem:s22+$0x4060] =	vst v0  }
0x29: {  	[tilespmem:s22+$0x4070] =	vst v0  }
0x2a: {  	[tilespmem:s22+$0x4400] =	vst v0  }
0x2b: {  	[tilespmem:s22+$0x4410] =	vst v0  }
0x2c: {  	[tilespmem:s22+$0x4420] =	vst v0  }
0x2d: {  	[tilespmem:s22+$0x4430] =	vst v0  }
0x2e: {  	[tilespmem:s22+$0x4440] =	vst v0  }
0x2f: {  	[tilespmem:s22+$0x4450] =	vst v0  }
0x30: {  	[tilespmem:s22+$0x4460] =	vst v0  }
0x31: {  	[tilespmem:s22+$0x4470] =	vst v0  }
0x32: {  	[tilespmem:s22+$0x4800] =	vst v0  }
0x33: {  	[tilespmem:s22+$0x4810] =	vst v0  }
0x34: {  	[tilespmem:s22+$0x4820] =	vst v0  }
0x35: {  	[tilespmem:s22+$0x4830] =	vst v0  }
0x36: {  	[tilespmem:s22+$0x4840] =	vst v0  }
0x37: {  	[tilespmem:s22+$0x4850] =	vst v0  }
0x38: {  	[tilespmem:s22+$0x4860] =	vst v0  }
0x39: {  	[tilespmem:s22+$0x4870] =	vst v0  }
0x3a: {  	[tilespmem:s22+$0x4C00] =	vst v0  }
0x3b: {  	[tilespmem:s22+$0x4C10] =	vst v0  }
0x3c: {  	[tilespmem:s22+$0x4C20] =	vst v0  }
0x3d: {  	[tilespmem:s22+$0x4C30] =	vst v0  }
0x3e: {  	[tilespmem:s22+$0x4C40] =	vst v0  }
0x3f: {  	[tilespmem:s22+$0x4C50] =	vst v0  }
0x40: {  	[tilespmem:s22+$0x4C60] =	vst v0  }
0x41: {  	[tilespmem:s22+$0x4C70] =	vst v0  }
0x42: {  	[tilespmem:s22+$0xC000] =	vst v0  }
0x43: {  	[tilespmem:s22+$0xC010] =	vst v0  }
0x44: {  	[tilespmem:s22+$0xC020] =	vst v0  }
0x45: {  	[tilespmem:s22+$0xC030] =	vst v0  }
0x46: {  	[tilespmem:s22+$0xC040] =	vst v0  }
0x47: {  	[tilespmem:s22+$0xC050] =	vst v0  }
0x48: {  	[tilespmem:s22+$0xC060] =	vst v0  }
0x49: {  	[tilespmem:s22+$0xC070] =	vst v0  }
0x4a: {  	[tilespmem:s22+$0xC400] =	vst v0  }
0x4b: {  	[tilespmem:s22+$0xC410] =	vst v0  }
0x4c: {  	[tilespmem:s22+$0xC420] =	vst v0  }
0x4d: {  	[tilespmem:s22+$0xC430] =	vst v0  }
0x4e: {  	[tilespmem:s22+$0xC440] =	vst v0  }
0x4f: {  	[tilespmem:s22+$0xC450] =	vst v0  }
0x50: {  	[tilespmem:s22+$0xC460] =	vst v0  }
0x51: {  	[tilespmem:s22+$0xC470] =	vst v0  }
0x52: {  	[tilespmem:s22+$0x4080] =	vst v0  }
0x53: {  	[tilespmem:s22+$0x4090] =	vst v0  }
0x54: {  	[tilespmem:s22+$0x40A0] =	vst v0  }
0x55: {  	[tilespmem:s22+$0x40B0] =	vst v0  }
0x56: {  	[tilespmem:s22+$0x40C0] =	vst v0  }
0x57: {  	[tilespmem:s22+$0x40D0] =	vst v0  }
0x58: {  	[tilespmem:s22+$0x40E0] =	vst v0  }
0x59: {  	[tilespmem:s22+$0x40F0] =	vst v0  }
0x5a: {  	[tilespmem:s22+$0x4480] =	vst v0  }
0x5b: {  	[tilespmem:s22+$0x4490] =	vst v0  }
0x5c: {  	[tilespmem:s22+$0x44A0] =	vst v0  }
0x5d: {  	[tilespmem:s22+$0x44B0] =	vst v0  }
0x5e: {  	[tilespmem:s22+$0x44C0] =	vst v0  }
0x5f: {  	[tilespmem:s22+$0x44D0] =	vst v0  }
0x60: {  	[tilespmem:s22+$0x44E0] =	vst v0  }
0x61: {  	[tilespmem:s22+$0x44F0] =	vst v0  }
0x62: {  	[tilespmem:s22+$0x4880] =	vst v0  }
0x63: {  	[tilespmem:s22+$0x4890] =	vst v0  }
0x64: {  	[tilespmem:s22+$0x48A0] =	vst v0  }
0x65: {  	[tilespmem:s22+$0x48B0] =	vst v0  }
0x66: {  	[tilespmem:s22+$0x48C0] =	vst v0  }
0x67: {  	[tilespmem:s22+$0x48D0] =	vst v0  }
0x68: {  	[tilespmem:s22+$0x48E0] =	vst v0  }
0x69: {  	[tilespmem:s22+$0x48F0] =	vst v0  }
0x6a: {  	[tilespmem:s22+$0x4C80] =	vst v0  }
0x6b: {  	[tilespmem:s22+$0x4C90] =	vst v0  }
0x6c: {  	[tilespmem:s22+$0x4CA0] =	vst v0  }
0x6d: {  	[tilespmem:s22+$0x4CB0] =	vst v0  }
0x6e: {  	[tilespmem:s22+$0x4CC0] =	vst v0  }
0x6f: {  	[tilespmem:s22+$0x4CD0] =	vst v0  }
0x70: {  	[tilespmem:s22+$0x4CE0] =	vst v0  }
0x71: {  	[tilespmem:s22+$0x4CF0] =	vst v0  }
0x72: {  	[tilespmem:s22+$0xC080] =	vst v0  }
0x73: {  	[tilespmem:s22+$0xC090] =	vst v0  }
0x74: {  	[tilespmem:s22+$0xC0A0] =	vst v0  }
0x75: {  	[tilespmem:s22+$0xC0B0] =	vst v0  }
0x76: {  	[tilespmem:s22+$0xC0C0] =	vst v0  }
0x77: {  	[tilespmem:s22+$0xC0D0] =	vst v0  }
0x78: {  	[tilespmem:s22+$0xC0E0] =	vst v0  }
0x79: {  	[tilespmem:s22+$0xC0F0] =	vst v0  }
0x7a: {  	[tilespmem:s22+$0xC480] =	vst v0  }
0x7b: {  	[tilespmem:s22+$0xC490] =	vst v0  }
0x7c: {  	[tilespmem:s22+$0xC4A0] =	vst v0  }
0x7d: {  	[tilespmem:s22+$0xC4B0] =	vst v0  }
0x7e: {  	[tilespmem:s22+$0xC4C0] =	vst v0  }
0x7f: {  	[tilespmem:s22+$0xC4D0] =	vst v0  }
0x80: {  	[tilespmem:s22+$0xC4E0] =	vst v0  }
0x81: {  	[tilespmem:s22+$0xC4F0] =	vst v0  }
0x82: {  	[tilespmem:s22+$0x4100] =	vst v0  }
0x83: {  	[tilespmem:s22+$0x4110] =	vst v0  }
0x84: {  	[tilespmem:s22+$0x4120] =	vst v0  }
0x85: {  	[tilespmem:s22+$0x4130] =	vst v0  }
0x86: {  	[tilespmem:s22+$0x4140] =	vst v0  }
0x87: {  	[tilespmem:s22+$0x4150] =	vst v0  }
0x88: {  	[tilespmem:s22+$0x4160] =	vst v0  }
0x89: {  	[tilespmem:s22+$0x4170] =	vst v0  }
0x8a: {  	[tilespmem:s22+$0x4500] =	vst v0  }
0x8b: {  	[tilespmem:s22+$0x4510] =	vst v0  }
0x8c: {  	[tilespmem:s22+$0x4520] =	vst v0  }
0x8d: {  	[tilespmem:s22+$0x4530] =	vst v0  }
0x8e: {  	[tilespmem:s22+$0x4540] =	vst v0  }
0x8f: {  	[tilespmem:s22+$0x4550] =	vst v0  }
0x90: {  	[tilespmem:s22+$0x4560] =	vst v0  }
0x91: {  	[tilespmem:s22+$0x4570] =	vst v0  }
0x92: {  	[tilespmem:s22+$0x4900] =	vst v0  }
0x93: {  	[tilespmem:s22+$0x4910] =	vst v0  }
0x94: {  	[tilespmem:s22+$0x4920] =	vst v0  }
0x95: {  	[tilespmem:s22+$0x4930] =	vst v0  }
0x96: {  	[tilespmem:s22+$0x4940] =	vst v0  }
0x97: {  	[tilespmem:s22+$0x4950] =	vst v0  }
0x98: {  	[tilespmem:s22+$0x4960] =	vst v0  }
0x99: {  	[tilespmem:s22+$0x4970] =	vst v0  }
0x9a: {  	[tilespmem:s22+$0x4D00] =	vst v0  }
0x9b: {  	[tilespmem:s22+$0x4D10] =	vst v0  }
0x9c: {  	[tilespmem:s22+$0x4D20] =	vst v0  }
0x9d: {  	[tilespmem:s22+$0x4D30] =	vst v0  }
0x9e: {  	[tilespmem:s22+$0x4D40] =	vst v0  }
0x9f: {  	[tilespmem:s22+$0x4D50] =	vst v0  }
0xa0: {  	[tilespmem:s22+$0x4D60] =	vst v0  }
0xa1: {  	[tilespmem:s22+$0x4D70] =	vst v0  }
0xa2: {  	[tilespmem:s22+$0xC100] =	vst v0  }
0xa3: {  	[tilespmem:s22+$0xC110] =	vst v0  }
0xa4: {  	[tilespmem:s22+$0xC120] =	vst v0  }
0xa5: {  	[tilespmem:s22+$0xC130] =	vst v0  }
0xa6: {  	[tilespmem:s22+$0xC140] =	vst v0  }
0xa7: {  	[tilespmem:s22+$0xC150] =	vst v0  }
0xa8: {  	[tilespmem:s22+$0xC160] =	vst v0  }
0xa9: {  	[tilespmem:s22+$0xC170] =	vst v0  }
0xaa: {  	[tilespmem:s22+$0xC500] =	vst v0  }
0xab: {  	[tilespmem:s22+$0xC510] =	vst v0  }
0xac: {  	[tilespmem:s22+$0xC520] =	vst v0  }
0xad: {  	[tilespmem:s22+$0xC530] =	vst v0  }
0xae: {  	[tilespmem:s22+$0xC540] =	vst v0  }
0xaf: {  	[tilespmem:s22+$0xC550] =	vst v0  }
0xb0: {  	[tilespmem:s22+$0xC560] =	vst v0  }
0xb1: {  	[tilespmem:s22+$0xC570] =	vst v0  }
0xb2: {  	[tilespmem:s22+$0x4180] =	vst v0  }
0xb3: {  	[tilespmem:s22+$0x4190] =	vst v0  }
0xb4: {  	[tilespmem:s22+$0x41A0] =	vst v0  }
0xb5: {  	[tilespmem:s22+$0x41B0] =	vst v0  }
0xb6: {  	[tilespmem:s22+$0x41C0] =	vst v0  }
0xb7: {  	[tilespmem:s22+$0x41D0] =	vst v0  }
0xb8: {  	[tilespmem:s22+$0x41E0] =	vst v0  }
0xb9: {  	[tilespmem:s22+$0x41F0] =	vst v0  }
0xba: {  	[tilespmem:s22+$0x4580] =	vst v0  }
0xbb: {  	[tilespmem:s22+$0x4590] =	vst v0  }
0xbc: {  	[tilespmem:s22+$0x45A0] =	vst v0  }
0xbd: {  	[tilespmem:s22+$0x45B0] =	vst v0  }
0xbe: {  	[tilespmem:s22+$0x45C0] =	vst v0  }
0xbf: {  	[tilespmem:s22+$0x45D0] =	vst v0  }
0xc0: {  	[tilespmem:s22+$0x45E0] =	vst v0  }
0xc1: {  	[tilespmem:s22+$0x45F0] =	vst v0  }
0xc2: {  	[tilespmem:s22+$0x4980] =	vst v0  }
0xc3: {  	[tilespmem:s22+$0x4990] =	vst v0  }
0xc4: {  	[tilespmem:s22+$0x49A0] =	vst v0  }
0xc5: {  	[tilespmem:s22+$0x49B0] =	vst v0  }
0xc6: {  	[tilespmem:s22+$0x49C0] =	vst v0  }
0xc7: {  	[tilespmem:s22+$0x49D0] =	vst v0  }
0xc8: {  	[tilespmem:s22+$0x49E0] =	vst v0  }
0xc9: {  	[tilespmem:s22+$0x49F0] =	vst v0  }
0xca: {  	[tilespmem:s22+$0x4D80] =	vst v0  }
0xcb: {  	[tilespmem:s22+$0x4D90] =	vst v0  }
0xcc: {  	[tilespmem:s22+$0x4DA0] =	vst v0  }
0xcd: {  	[tilespmem:s22+$0x4DB0] =	vst v0  }
0xce: {  	[tilespmem:s22+$0x4DC0] =	vst v0  }
0xcf: {  	[tilespmem:s22+$0x4DD0] =	vst v0  }
0xd0: {  	[tilespmem:s22+$0x4DE0] =	vst v0  }
0xd1: {  	[tilespmem:s22+$0x4DF0] =	vst v0  }
0xd2: {  	[tilespmem:s22+$0xC180] =	vst v0  }
0xd3: {  	[tilespmem:s22+$0xC190] =	vst v0  }
0xd4: {  	[tilespmem:s22+$0xC1A0] =	vst v0  }
0xd5: {  	[tilespmem:s22+$0xC1B0] =	vst v0  }
0xd6: {  	[tilespmem:s22+$0xC1C0] =	vst v0  }
0xd7: {  	[tilespmem:s22+$0xC1D0] =	vst v0  }
0xd8: {  	[tilespmem:s22+$0xC1E0] =	vst v0  }
0xd9: {  	[tilespmem:s22+$0xC1F0] =	vst v0  }
0xda: {  	[tilespmem:s22+$0xC580] =	vst v0  }
0xdb: {  	[tilespmem:s22+$0xC590] =	vst v0  }
0xdc: {  	[tilespmem:s22+$0xC5A0] =	vst v0  }
0xdd: {  	s23 =	simm.s32 $0x1;
	[tilespmem:s22+$0xC5B0] =	vst v0  }
0xde: {  	s23 =	simm.s32 @!p0 $0x0;
	[tilespmem:s22+$0xC5C0] =	vst v0  }
0xdf: {  	[tilespmem:s22+$0xC5D0] =	vst v0;
	s23 =	sshll.u32 s23, $0x9  }
0xe0: {  	[tilespmem:s22+$0xC5E0] =	vst v0;
	s23 =	sadd.s32 s23, s21  }
0xe1: {  	[tilespmem:s22+$0xC5F0] =	vst v0;
	s24 =	sor.u32 $0x8800, s23  }
0xe2: {  	[tilespmem:s24+$0x4000] =	vst v0  }
0xe3: {  	[tilespmem:s24+$0x4010] =	vst v0  }
0xe4: {  	[tilespmem:s24+$0x4020] =	vst v0  }
0xe5: {  	[tilespmem:s24+$0x4030] =	vst v0  }
0xe6: {  	[tilespmem:s24+$0x4040] =	vst v0  }
0xe7: {  	[tilespmem:s24+$0x4050] =	vst v0  }
0xe8: {  	[tilespmem:s24+$0x4060] =	vst v0  }
0xe9: {  	s25 =	sor.u32 $0x8C00, s23;
	[tilespmem:s24+$0x4070] =	vst v0  }
0xea: {  	[tilespmem:s25+$0x4000] =	vst v0  }
0xeb: {  	[tilespmem:s25+$0x4010] =	vst v0  }
0xec: {  	[tilespmem:s25+$0x4020] =	vst v0  }
0xed: {  	[tilespmem:s25+$0x4030] =	vst v0  }
0xee: {  	[tilespmem:s25+$0x4040] =	vst v0  }
0xef: {  	[tilespmem:s25+$0x4050] =	vst v0  }
0xf0: {  	s28 =	sadd.s32 $0x100, s23;
	[tilespmem:s25+$0x4060] =	vst v0  }
0xf1: {  	s29 =	sor.u32 $0x8800, s28;
	[tilespmem:s25+$0x4070] =	vst v0  }
0xf2: {  	[tilespmem:s29+$0x4000] =	vst v0  }
0xf3: {  	[tilespmem:s29+$0x4010] =	vst v0  }
0xf4: {  	[tilespmem:s29+$0x4020] =	vst v0  }
0xf5: {  	[tilespmem:s29+$0x4030] =	vst v0  }
0xf6: {  	[tilespmem:s29+$0x4040] =	vst v0  }
0xf7: {  	[tilespmem:s29+$0x4050] =	vst v0  }
0xf8: {  	s26 =	sadd.s32 $0x80, s23;
	s23 =	sadd.s32 $0x180, s23;
	[tilespmem:s29+$0x4060] =	vst v0  }
0xf9: {  	s30 =	sor.u32 $0x8800, s23;
	[tilespmem:s29+$0x4070] =	vst v0  }
0xfa: {  	[tilespmem:s30+$0x4000] =	vst v0  }
0xfb: {  	[tilespmem:s30+$0x4010] =	vst v0  }
0xfc: {  	[tilespmem:s30+$0x4020] =	vst v0  }
0xfd: {  	[tilespmem:s30+$0x4030] =	vst v0  }
0xfe: {  	[tilespmem:s30+$0x4040] =	vst v0  }
0xff: {  	[tilespmem:s30+$0x4050] =	vst v0  }
0x100: {  	[tilespmem:s30+$0x4060] =	vst v0  }
0x101: {  	s25 =	sor.u32 $0x8800, s26;
	[tilespmem:s30+$0x4070] =	vst v0  }
0x102: {  	[tilespmem:s25+$0x4000] =	vst v0  }
0x103: {  	[tilespmem:s25+$0x4010] =	vst v0  }
0x104: {  	[tilespmem:s25+$0x4020] =	vst v0  }
0x105: {  	[tilespmem:s25+$0x4030] =	vst v0  }
0x106: {  	[tilespmem:s25+$0x4040] =	vst v0  }
0x107: {  	[tilespmem:s25+$0x4050] =	vst v0  }
0x108: {  	[tilespmem:s25+$0x4060] =	vst v0  }
0x109: {  	s31 =	sor.u32 $0x8C00, s23;
	[tilespmem:s25+$0x4070] =	vst v0  }
0x10a: {  	[tilespmem:s31+$0x4000] =	vst v0  }
0x10b: {  	[tilespmem:s31+$0x4010] =	vst v0  }
0x10c: {  	[tilespmem:s31+$0x4020] =	vst v0  }
0x10d: {  	[tilespmem:s31+$0x4030] =	vst v0  }
0x10e: {  	[tilespmem:s31+$0x4040] =	vst v0  }
0x10f: {  	[tilespmem:s31+$0x4050] =	vst v0  }
0x110: {  	[tilespmem:s31+$0x4060] =	vst v0  }
0x111: {  	s24 =	sor.u32 $0x8C00, s26;
	[tilespmem:s31+$0x4070] =	vst v0  }
0x112: {  	[tilespmem:s24+$0x4000] =	vst v0  }
0x113: {  	[tilespmem:s24+$0x4010] =	vst v0  }
0x114: {  	[tilespmem:s24+$0x4020] =	vst v0  }
0x115: {  	[tilespmem:s24+$0x4030] =	vst v0  }
0x116: {  	[tilespmem:s24+$0x4040] =	vst v0  }
0x117: {  	[tilespmem:s24+$0x4050] =	vst v0  }
0x118: {  	[tilespmem:s24+$0x4060] =	vst v0  }
0x119: {  	[tilespmem:s24+$0x4070] =	vst v0;
	s24 =	sor.u32 $0x8C00, s28  }
0x11a: {  	[tilespmem:s24+$0x4000] =	vst v0  }
0x11b: {  	s19 =	sadd.s32 $0x4, s19;
	[tilespmem:s24+$0x4010] =	vst v0  }
0x11c: {  	p1 =	slt.u32 s19, $0x3C;
	[tilespmem:s24+$0x4020] =	vst v0  }
.Ltmp0:
0x11d: {  	[tilespmem:s24+$0x4030] =	vst v0;
	(pc) =	sbr.rel @p1 .LBB2_2-.Ltmp0, $4  }
0x11e: {  	[tilespmem:s24+$0x4040] =	vst v0  }
0x11f: {  	[tilespmem:s24+$0x4050] =	vst v0  }
0x120: {  	[tilespmem:s24+$0x4060] =	vst v0  }
0x121: {  	s20 =	sadd.s32 $0x200, s20;
	p0 =	por !p0, !p0;
	s21 =	sadd.s32 $0x800, s21;
	[tilespmem:s24+$0x4070] =	vst v0  }
0x122: {  	_ =	swait.ge [sflag:s14], $0x2000  }
0x123: {  	[sflag:s14] =	ssyncset.done $0x0  }
0x124: {  	[sflag:s14] =	ssyncadd.s32 $0xFFFFE000  }
0x125: {  	s19 =	simm.s32 $0x0;
	_ =	swait.ge [sflag:s14], $0x2000  }
0x126: {  	s20 =	sand.u32 $0x1800, s19;
	s19 =	sand.u32 $0x380, s19;
	[sflag:s14] =	ssyncset.done $0x0  }
0x127: {  	s19 =	sor.u32 s19, s20;
	[sflag:s14] =	ssyncadd.s32 $0xFFFFE000  }
0x128: {  	v5 =	vld [tilespmem:s19+$0x0]  }
0x129: {  	v7 =	vld [tilespmem:s19+$0x10]  }
0x12a: {  	v8 =	vld [tilespmem:s19+$0x20]  }
0x12b: {  	v6 =	vld [tilespmem:s19+$0x30];
	_ =	sdelay $0x1  }
0x12c: {  	v9 =	vshll.u32 v5, $0x3  }
0x12d: {  	v5 =	vand.u32 $0x7F, v5;
	v9 =	vand.u32 $0xFFFFFC00, v9  }
0x12e: {  	v10 =	vshll.u32 v7, $0x3;
	v9 =	vor.u32 v5, v9;
	v5 =	vshll.u32 v8, $0x3  }
0x12f: {  	v12 =	vand.u32 $0x7F, v8;
	v13 =	vshll.u32 v6, $0x3;
	v8 =	vld [tilespmem:s19+$0x2010];
	v11 =	vand.u32 $0xFFFFFC00, v5  }
0x130: {  	s21 =	simm.s32 $0x80;
	s22 =	simm.s32 $0x100;
	s20 =	simm.s32 $0x0;
	v10 =	vand.u32 $0xFFFFFC00, v10;
	v5 =	vld [tilespmem:s19+$0x2030];
	v12 =	vor.u32 v12, v11;
	v11 =	vand.u32 $0xFFFFFC00, v13  }
.LBB2_4:
0x131: {  	s23 =	sand.u32 $0x1800, s22;
	s24 =	sand.u32 $0x380, s21;
	s20 =	sadd.s32 $0x4, s20;
	v13 =	vld [tilespmem:s19+$0x2000]  }
0x132: {  	v7 =	vand.u32 $0x7F, v7;
	v12 =	vadd.s32 v3, v12;
	p0 =	slt.u32 s20, $0x7C;
	v14 =	vld [tilespmem:s19+$0x2020];
	s19 =	sor.u32 s24, s23  }
0x133: {  	v9 =	vadd.s32 v1, v9;
	v6 =	vand.u32 $0x7F, v6;
	v10 =	vor.u32 v7, v10;
	v15 =	vld [tilespmem:s19+$0x0]  }
0x134: {  	v6 =	vor.u32 v6, v11;
	v10 =	vadd.s32 v2, v10;
	v7 =	vld [tilespmem:s19+$0x10]  }
0x135: {  	v16 =	vadd.s32 v4, v6;
	v11 =	vld [tilespmem:s19+$0x20]  }
0x136: {  	v6 =	vld [tilespmem:s19+$0x30]  }
0x137: {  	[tilespmem:v12+s15+$0x0] =	vst.idx.add.f32.msk $0xffff, v14  }
.Ltmp1:
0x138: {  	v12 =	vshll.u32 v15, $0x3;
	[tilespmem:v9+s15+$0x0] =	vst.idx.add.f32.msk $0xffff, v13;
	(pc) =	sbr.rel @p0 .LBB2_4-.Ltmp1, $4  }
0x139: {  	v9 =	vand.u32 $0xFFFFFC00, v12;
	v12 =	vand.u32 $0x7F, v15;
	v13 =	vshll.u32 v7, $0x3;
	[tilespmem:v10+s15+$0x0] =	vst.idx.add.f32.msk $0xffff, v8  }
0x13a: {  	v9 =	vor.u32 v12, v9;
	v10 =	vand.u32 $0xFFFFFC00, v13;
	v8 =	vshll.u32 v11, $0x3;
	[tilespmem:v16+s15+$0x0] =	vst.idx.add.f32.msk $0xffff, v5  }
0x13b: {  	v11 =	vand.u32 $0x7F, v11;
	v12 =	vand.u32 $0xFFFFFC00, v8;
	v5 =	vld [tilespmem:s19+$0x2030];
	v13 =	vshll.u32 v6, $0x3  }
0x13c: {  	s21 =	sadd.s32 $0x80, s21;
	s22 =	sadd.s32 $0x100, s22;
	v8 =	vld [tilespmem:s19+$0x2010];
	v12 =	vor.u32 v11, v12;
	v11 =	vand.u32 $0xFFFFFC00, v13  }
0x13d: {  	v7 =	vand.u32 $0x7F, v7;
	v13 =	vld [tilespmem:s19+$0x2020];
	v12 =	vadd.s32 v3, v12  }
0x13e: {  	v14 =	vld [tilespmem:s19+$0x2000];
	v9 =	vadd.s32 v1, v9;
	v6 =	vand.u32 $0x7F, v6;
	v7 =	vor.u32 v7, v10  }
0x13f: {  	v6 =	vor.u32 v6, v11;
	v7 =	vadd.s32 v2, v7  }
0x140: {  	v6 =	vadd.s32 v4, v6;
	_ =	sdelay $0x1  }
0x141: {  	[tilespmem:v12+s15+$0x0] =	vst.idx.add.f32.msk $0xffff, v13  }
0x142: {  	s31 =	simm.s32 $0x0;
	[tilespmem:v9+s15+$0x0] =	vst.idx.add.f32.msk $0xffff, v14  }
0x143: {  	s20 =	sand.u32 $0x1800, s31;
	s19 =	sand.u32 $0x380, s31;
	[tilespmem:v7+s15+$0x0] =	vst.idx.add.f32.msk $0xffff, v8  }
0x144: {  	s19 =	sor.u32 s19, s20;
	[tilespmem:v6+s15+$0x0] =	vst.idx.add.f32.msk $0xffff, v5  }
0x145: {  	[hbm4b:s6+s31] =	stream.linear.scatter [tilespmem:s15], [sflag:$0x1], $0x8000, $0x38;
	[tilespmem:$0x14000] =	vst v63  }
0x146: {  	v5 =	vld [tilespmem:s19+$0x40]  }
0x147: {  	v7 =	vld [tilespmem:s19+$0x50]  }
0x148: {  	v8 =	vld [tilespmem:s19+$0x60]  }
0x149: {  	v6 =	vld [tilespmem:s19+$0x70];
	_ =	sdelay $0x1  }
0x14a: {  	v9 =	vshll.u32 v5, $0x3  }
0x14b: {  	v5 =	vand.u32 $0x7F, v5;
	v9 =	vand.u32 $0xFFFFFC00, v9  }
0x14c: {  	v10 =	vshll.u32 v7, $0x3;
	v9 =	vor.u32 v5, v9;
	v5 =	vshll.u32 v8, $0x3  }
0x14d: {  	v12 =	vand.u32 $0x7F, v8;
	v13 =	vshll.u32 v6, $0x3;
	v8 =	vld [tilespmem:s19+$0x2050];
	v11 =	vand.u32 $0xFFFFFC00, v5  }
0x14e: {  	s21 =	simm.s32 $0x80;
	s22 =	simm.s32 $0x100;
	s20 =	simm.s32 $0x0;
	v10 =	vand.u32 $0xFFFFFC00, v10;
	v5 =	vld [tilespmem:s19+$0x2070];
	v12 =	vor.u32 v12, v11;
	v11 =	vand.u32 $0xFFFFFC00, v13  }
.LBB2_6:
0x14f: {  	s23 =	sand.u32 $0x1800, s22;
	s24 =	sand.u32 $0x380, s21;
	s20 =	sadd.s32 $0x4, s20;
	v13 =	vld [tilespmem:s19+$0x2040]  }
0x150: {  	v7 =	vand.u32 $0x7F, v7;
	v12 =	vadd.s32 v3, v12;
	p0 =	slt.u32 s20, $0x7C;
	v14 =	vld [tilespmem:s19+$0x2060];
	s19 =	sor.u32 s24, s23  }
0x151: {  	v9 =	vadd.s32 v1, v9;
	v6 =	vand.u32 $0x7F, v6;
	v10 =	vor.u32 v7, v10;
	v15 =	vld [tilespmem:s19+$0x40]  }
0x152: {  	v6 =	vor.u32 v6, v11;
	v10 =	vadd.s32 v2, v10;
	v7 =	vld [tilespmem:s19+$0x50]  }
0x153: {  	v16 =	vadd.s32 v4, v6;
	v11 =	vld [tilespmem:s19+$0x60]  }
0x154: {  	v6 =	vld [tilespmem:s19+$0x70]  }
0x155: {  	[tilespmem:v12+s16+$0x0] =	vst.idx.add.f32.msk $0xffff, v14  }
.Ltmp2:
0x156: {  	v12 =	vshll.u32 v15, $0x3;
	[tilespmem:v9+s16+$0x0] =	vst.idx.add.f32.msk $0xffff, v13;
	(pc) =	sbr.rel @p0 .LBB2_6-.Ltmp2, $4  }
0x157: {  	v9 =	vand.u32 $0xFFFFFC00, v12;
	v12 =	vand.u32 $0x7F, v15;
	v13 =	vshll.u32 v7, $0x3;
	[tilespmem:v10+s16+$0x0] =	vst.idx.add.f32.msk $0xffff, v8  }
0x158: {  	v9 =	vor.u32 v12, v9;
	v10 =	vand.u32 $0xFFFFFC00, v13;
	v8 =	vshll.u32 v11, $0x3;
	[tilespmem:v16+s16+$0x0] =	vst.idx.add.f32.msk $0xffff, v5  }
0x159: {  	v11 =	vand.u32 $0x7F, v11;
	v12 =	vand.u32 $0xFFFFFC00, v8;
	v5 =	vld [tilespmem:s19+$0x2070];
	v13 =	vshll.u32 v6, $0x3  }
0x15a: {  	s21 =	sadd.s32 $0x80, s21;
	s22 =	sadd.s32 $0x100, s22;
	v8 =	vld [tilespmem:s19+$0x2050];
	v12 =	vor.u32 v11, v12;
	v11 =	vand.u32 $0xFFFFFC00, v13  }
0x15b: {  	v7 =	vand.u32 $0x7F, v7;
	v13 =	vld [tilespmem:s19+$0x2060];
	v12 =	vadd.s32 v3, v12  }
0x15c: {  	v14 =	vld [tilespmem:s19+$0x2040];
	v9 =	vadd.s32 v1, v9;
	v6 =	vand.u32 $0x7F, v6;
	v7 =	vor.u32 v7, v10  }
0x15d: {  	v6 =	vor.u32 v6, v11;
	v7 =	vadd.s32 v2, v7  }
0x15e: {  	v6 =	vadd.s32 v4, v6;
	_ =	sdelay $0x1  }
0x15f: {  	[tilespmem:v12+s16+$0x0] =	vst.idx.add.f32.msk $0xffff, v13  }
0x160: {  	[tilespmem:v9+s16+$0x0] =	vst.idx.add.f32.msk $0xffff, v14  }
0x161: {  	[tilespmem:v7+s16+$0x0] =	vst.idx.add.f32.msk $0xffff, v8  }
0x162: {  	s21 =	simm.s32 $0x0;
	[tilespmem:v6+s16+$0x0] =	vst.idx.add.f32.msk $0xffff, v5  }
0x163: {  	[hbm4b:s7+s21] =	stream.linear.scatter [tilespmem:s16], [sflag:$0x2], $0x8000, $0x38;
	[tilespmem:$0x14000] =	vst v63  }
0x164: {  	s29 =	sand.u32 $0x6000, s21;
	_ =	swait.ge [sflag:s3], $0x8000  }
0x165: {  	s22 =	sand.u32 $0x380, s21;
	s19 =	sshrl.u32 s29, $0x2;
	[sflag:s3] =	ssyncset.done $0x0  }
0x166: {  	s19 =	sor.u32 s22, s19;
	[sflag:s3] =	ssyncadd.s32 $0xFFFF8000  }
0x167: {  	v5 =	vld [tilespmem:s19+$0x30]  }
0x168: {  	v6 =	vld [tilespmem:s19+$0x0]  }
0x169: {  	s30 =	simm.s32 $0x400;
	v7 =	vld [tilespmem:s19+$0x10]  }
0x16a: {  	s20 =	sand.u32 $0x6000, s30;
	v8 =	vld [tilespmem:s19+$0x20];
	s19 =	simm.s32 $0x80  }
0x16b: {  	s20 =	sshrl.u32 s20, $0x2;
	s23 =	sand.u32 $0x380, s19  }
0x16c: {  	s20 =	sor.u32 s23, s20  }
0x16d: {  	v11 =	vld [tilespmem:s20+$0x30];
	v9 =	vshll.u32 v5, $0x3;
	v10 =	vshll.u32 v6, $0x3;
	v5 =	vand.u32 $0x7F, v5  }
0x16e: {  	v12 =	vshll.u32 v7, $0x3;
	v9 =	vand.u32 $0xFFFFFC00, v9;
	v10 =	vand.u32 $0xFFFFFC00, v10  }
0x16f: {  	v13 =	vld [tilespmem:s20+$0x0];
	v5 =	vor.u32 v5, v9;
	v9 =	vand.u32 $0xFFFFFC00, v12;
	v12 =	vshll.u32 v8, $0x3  }
0x170: {  	v15 =	vld [tilespmem:s20+$0x10];
	v8 =	vand.u32 $0x7F, v8;
	v14 =	vadd.s32 v4, v5;
	v5 =	vand.u32 $0x7F, v6  }
0x171: {  	s31 =	simm.s32 $0x800;
	v16 =	vld [tilespmem:s20+$0x20];
	v6 =	vand.u32 $0x7F, v7;
	v7 =	vand.u32 $0xFFFFFC00, v12;
	v5 =	vor.u32 v5, v10  }
0x172: {  	s23 =	simm.s32 $0x100;
	s20 =	sand.u32 $0x6000, s31;
	v6 =	vor.u32 v6, v9;
	v9 =	vand.u32 $0x7F, v11;
	v12 =	vadd.s32 v1, v5  }
0x173: {  	s24 =	sand.u32 $0x380, s23;
	s20 =	sshrl.u32 s20, $0x2;
	v5 =	vor.u32 v8, v7;
	v17 =	vadd.s32 v2, v6;
	v6 =	vshll.u32 v11, $0x3  }
0x174: {  	s25 =	sor.u32 s24, s20;
	v7 =	vshll.u32 v13, $0x3;
	v5 =	vadd.s32 v3, v5;
	v6 =	vand.u32 $0xFFFFFC00, v6  }
0x175: {  	v8 =	vld [tilespmem:s25+$0x30];
	v18 =	vand.u32 $0xFFFFFC00, v7;
	v7 =	vshll.u32 v15, $0x3;
	v6 =	vor.u32 v9, v6  }
0x176: {  	v10 =	vld [tilespmem:s25+$0x0];
	[tilespmem:v14+s15+$0x0] =	vst.idx.msk $0xffff, v0;
	v14 =	vand.u32 $0xFFFFFC00, v7;
	v7 =	vshll.u32 v16, $0x3;
	v9 =	vadd.s32 v4, v6  }
0x177: {  	v13 =	vand.u32 $0x7F, v13;
	v15 =	vand.u32 $0x7F, v15;
	v6 =	vld [tilespmem:s25+$0x10];
	v11 =	vand.u32 $0xFFFFFC00, v7;
	[tilespmem:v12+s15+$0x0] =	vst.idx.msk $0xffff, v0  }
0x178: {  	s20 =	simm.s32 $0x0;
	s24 =	simm.s32 $0x8;
	v7 =	vld [tilespmem:s25+$0x20];
	s25 =	simm.s32 $0xC00;
	v12 =	vor.u32 v13, v18;
	v13 =	vor.u32 v15, v14;
	v14 =	vand.u32 $0x7F, v16;
	[tilespmem:v17+s15+$0x0] =	vst.idx.msk $0xffff, v0  }
.LBB2_8:
0x179: {  	s26 =	sand.u32 $0x6000, s25;
	s24 =	sadd.s32 $0x4, s24;
	s23 =	sadd.s32 $0x80, s23;
	v12 =	vadd.s32 v1, v12;
	v15 =	vadd.s32 v2, v13;
	v11 =	vor.u32 v14, v11  }
0x17a: {  	s28 =	sand.u32 $0x380, s23;
	s26 =	sshrl.u32 s26, $0x2;
	p0 =	slt.u32 s24, $0x7C;
	v13 =	vshll.u32 v8, $0x3;
	[tilespmem:v5+s15+$0x0] =	vst.idx.msk $0xffff, v0;
	v5 =	vadd.s32 v3, v11  }
.Ltmp3:
0x17b: {  	v14 =	vand.u32 $0x7F, v8;
	s26 =	sor.u32 s28, s26;
	v11 =	vshll.u32 v10, $0x3;
	v13 =	vand.u32 $0xFFFFFC00, v13;
	[tilespmem:v9+s15+$0x0] =	vst.idx.msk $0xffff, v0;
	v16 =	vmovc v10;
	(pc) =	sbr.rel @p0 .LBB2_8-.Ltmp3, $4  }
0x17c: {  	v8 =	vld [tilespmem:s26+$0x30];
	v17 =	vand.u32 $0xFFFFFC00, v11;
	v9 =	vshll.u32 v6, $0x3;
	v11 =	vor.u32 v14, v13  }
0x17d: {  	v10 =	vld [tilespmem:s26+$0x0];
	v13 =	vand.u32 $0xFFFFFC00, v9;
	v14 =	vshll.u32 v7, $0x3;
	v9 =	vadd.s32 v4, v11  }
0x17e: {  	v16 =	vand.u32 $0x7F, v16;
	v18 =	vand.u32 $0x7F, v6;
	v6 =	vld [tilespmem:s26+$0x10];
	v11 =	vand.u32 $0xFFFFFC00, v14;
	[tilespmem:v12+s15+$0x0] =	vst.idx.msk $0xffff, v0  }
0x17f: {  	s25 =	sadd.s32 $0x400, s25;
	v12 =	vor.u32 v16, v17;
	v13 =	vor.u32 v18, v13;
	v14 =	vand.u32 $0x7F, v7;
	v7 =	vld [tilespmem:s26+$0x20];
	[tilespmem:v15+s15+$0x0] =	vst.idx.msk $0xffff, v0  }
0x180: {  	v12 =	vadd.s32 v1, v12;
	v13 =	vadd.s32 v2, v13;
	v11 =	vor.u32 v14, v11  }
0x181: {  	v14 =	vshll.u32 v8, $0x3;
	v11 =	vadd.s32 v3, v11;
	v8 =	vand.u32 $0x7F, v8  }
0x182: {  	v15 =	vshll.u32 v10, $0x3;
	v14 =	vand.u32 $0xFFFFFC00, v14;
	v10 =	vand.u32 $0x7F, v10  }
0x183: {  	v15 =	vand.u32 $0xFFFFFC00, v15;
	v8 =	vor.u32 v8, v14;
	v14 =	vshll.u32 v6, $0x3  }
0x184: {  	v6 =	vand.u32 $0x7F, v6;
	v14 =	vand.u32 $0xFFFFFC00, v14;
	v10 =	vor.u32 v10, v15  }
0x185: {  	[tilespmem:v5+s15+$0x0] =	vst.idx.msk $0xffff, v0;
	v15 =	vshll.u32 v7, $0x3;
	v5 =	vadd.s32 v4, v8;
	v7 =	vand.u32 $0x7F, v7  }
0x186: {  	[tilespmem:v9+s15+$0x0] =	vst.idx.msk $0xffff, v0;
	v8 =	vand.u32 $0xFFFFFC00, v15;
	v6 =	vor.u32 v6, v14;
	v9 =	vadd.s32 v1, v10  }
0x187: {  	[tilespmem:v12+s15+$0x0] =	vst.idx.msk $0xffff, v0;
	v6 =	vadd.s32 v2, v6;
	v7 =	vor.u32 v7, v8  }
0x188: {  	[tilespmem:v13+s15+$0x0] =	vst.idx.msk $0xffff, v0;
	v7 =	vadd.s32 v3, v7  }
0x189: {  	[tilespmem:v11+s15+$0x0] =	vst.idx.msk $0xffff, v0  }
0x18a: {  	[tilespmem:v5+s15+$0x0] =	vst.idx.msk $0xffff, v0  }
0x18b: {  	[tilespmem:v9+s15+$0x0] =	vst.idx.msk $0xffff, v0  }
0x18c: {  	s21 =	sand.u32 $0x1800, s21;
	[tilespmem:v6+s15+$0x0] =	vst.idx.msk $0xffff, v0  }
0x18d: {  	s21 =	sor.u32 s22, s21;
	[tilespmem:v7+s15+$0x0] =	vst.idx.msk $0xffff, v0  }
0x18e: {  	v5 =	vld [tilespmem:s21+$0x400]  }
0x18f: {  	v7 =	vld [tilespmem:s21+$0x410]  }
0x190: {  	v8 =	vld [tilespmem:s21+$0x420]  }
0x191: {  	v6 =	vld [tilespmem:s21+$0x430];
	_ =	sdelay $0x1  }
0x192: {  	v9 =	vshll.u32 v5, $0x3  }
0x193: {  	v5 =	vand.u32 $0x7F, v5;
	v9 =	vand.u32 $0xFFFFFC00, v9  }
0x194: {  	v10 =	vshll.u32 v7, $0x3;
	v9 =	vor.u32 v5, v9;
	v5 =	vshll.u32 v8, $0x3  }
0x195: {  	v12 =	vand.u32 $0x7F, v8;
	v13 =	vshll.u32 v6, $0x3;
	v8 =	vld [tilespmem:s21+$0x2410];
	v11 =	vand.u32 $0xFFFFFC00, v5  }
0x196: {  	s22 =	simm.s32 $0x100;
	v10 =	vand.u32 $0xFFFFFC00, v10;
	v5 =	vld [tilespmem:s21+$0x2430];
	v12 =	vor.u32 v12, v11;
	v11 =	vand.u32 $0xFFFFFC00, v13  }
.LBB2_10:
0x197: {  	s23 =	sand.u32 $0x1800, s22;
	s24 =	sand.u32 $0x380, s19;
	s20 =	sadd.s32 $0x4, s20;
	v13 =	vld [tilespmem:s21+$0x2400]  }
0x198: {  	v7 =	vand.u32 $0x7F, v7;
	v12 =	vadd.s32 v3, v12;
	p0 =	slt.u32 s20, $0x7C;
	v14 =	vld [tilespmem:s21+$0x2420];
	s21 =	sor.u32 s24, s23  }
0x199: {  	v9 =	vadd.s32 v1, v9;
	v6 =	vand.u32 $0x7F, v6;
	v10 =	vor.u32 v7, v10;
	v15 =	vld [tilespmem:s21+$0x400]  }
0x19a: {  	v6 =	vor.u32 v6, v11;
	v10 =	vadd.s32 v2, v10;
	v7 =	vld [tilespmem:s21+$0x410]  }
0x19b: {  	v16 =	vadd.s32 v4, v6;
	v11 =	vld [tilespmem:s21+$0x420]  }
0x19c: {  	v6 =	vld [tilespmem:s21+$0x430]  }
0x19d: {  	[tilespmem:v12+s15+$0x0] =	vst.idx.add.f32.msk $0xffff, v14  }
.Ltmp4:
0x19e: {  	v12 =	vshll.u32 v15, $0x3;
	[tilespmem:v9+s15+$0x0] =	vst.idx.add.f32.msk $0xffff, v13;
	(pc) =	sbr.rel @p0 .LBB2_10-.Ltmp4, $4  }
0x19f: {  	v9 =	vand.u32 $0xFFFFFC00, v12;
	v12 =	vand.u32 $0x7F, v15;
	v13 =	vshll.u32 v7, $0x3;
	[tilespmem:v10+s15+$0x0] =	vst.idx.add.f32.msk $0xffff, v8  }
0x1a0: {  	v9 =	vor.u32 v12, v9;
	v10 =	vand.u32 $0xFFFFFC00, v13;
	v8 =	vshll.u32 v11, $0x3;
	[tilespmem:v16+s15+$0x0] =	vst.idx.add.f32.msk $0xffff, v5  }
0x1a1: {  	v11 =	vand.u32 $0x7F, v11;
	v12 =	vand.u32 $0xFFFFFC00, v8;
	v5 =	vld [tilespmem:s21+$0x2430];
	v13 =	vshll.u32 v6, $0x3  }
0x1a2: {  	s19 =	sadd.s32 $0x80, s19;
	s22 =	sadd.s32 $0x100, s22;
	v8 =	vld [tilespmem:s21+$0x2410];
	v12 =	vor.u32 v11, v12;
	v11 =	vand.u32 $0xFFFFFC00, v13  }
0x1a3: {  	v7 =	vand.u32 $0x7F, v7;
	v13 =	vld [tilespmem:s21+$0x2420];
	v12 =	vadd.s32 v3, v12  }
0x1a4: {  	v14 =	vld [tilespmem:s21+$0x2400];
	v9 =	vadd.s32 v1, v9;
	v6 =	vand.u32 $0x7F, v6;
	v7 =	vor.u32 v7, v10  }
0x1a5: {  	v6 =	vor.u32 v6, v11;
	v7 =	vadd.s32 v2, v7  }
0x1a6: {  	v6 =	vadd.s32 v4, v6;
	_ =	sdelay $0x1  }
0x1a7: {  	[tilespmem:v12+s15+$0x0] =	vst.idx.add.f32.msk $0xffff, v13  }
0x1a8: {  	[tilespmem:v9+s15+$0x0] =	vst.idx.add.f32.msk $0xffff, v14  }
0x1a9: {  	[tilespmem:v7+s15+$0x0] =	vst.idx.add.f32.msk $0xffff, v8  }
0x1aa: {  	s21 =	simm.s32 $0x0;
	[tilespmem:v6+s15+$0x0] =	vst.idx.add.f32.msk $0xffff, v5  }
0x1ab: {  	[hbm4b:s8+s21] =	stream.linear.scatter [tilespmem:s15], [sflag:$0x1], $0x8000, $0x38;
	[tilespmem:$0x14000] =	vst v63  }
0x1ac: {  	s19 =	sand.u32 $0x6000, s21;
	_ =	swait.ge [sflag:s17], $0x8000  }
0x1ad: {  	s22 =	sand.u32 $0x380, s21;
	s19 =	sshrl.u32 s19, $0x2;
	[sflag:s17] =	ssyncset.done $0x0  }
0x1ae: {  	s19 =	sor.u32 s22, s19;
	[sflag:s17] =	ssyncadd.s32 $0xFFFF8000  }
0x1af: {  	v5 =	vld [tilespmem:s19+$0x70]  }
0x1b0: {  	v6 =	vld [tilespmem:s19+$0x40]  }
0x1b1: {  	s30 =	simm.s32 $0x400;
	v7 =	vld [tilespmem:s19+$0x50]  }
0x1b2: {  	s20 =	sand.u32 $0x6000, s30;
	v8 =	vld [tilespmem:s19+$0x60];
	s19 =	simm.s32 $0x80  }
0x1b3: {  	s20 =	sshrl.u32 s20, $0x2;
	s23 =	sand.u32 $0x380, s19  }
0x1b4: {  	s20 =	sor.u32 s23, s20  }
0x1b5: {  	v11 =	vld [tilespmem:s20+$0x70];
	v9 =	vshll.u32 v5, $0x3;
	v10 =	vshll.u32 v6, $0x3;
	v5 =	vand.u32 $0x7F, v5  }
0x1b6: {  	v12 =	vshll.u32 v7, $0x3;
	v9 =	vand.u32 $0xFFFFFC00, v9;
	v10 =	vand.u32 $0xFFFFFC00, v10  }
0x1b7: {  	v13 =	vld [tilespmem:s20+$0x40];
	v5 =	vor.u32 v5, v9;
	v9 =	vand.u32 $0xFFFFFC00, v12;
	v12 =	vshll.u32 v8, $0x3  }
0x1b8: {  	v15 =	vld [tilespmem:s20+$0x50];
	v8 =	vand.u32 $0x7F, v8;
	v14 =	vadd.s32 v4, v5;
	v5 =	vand.u32 $0x7F, v6  }
0x1b9: {  	s31 =	simm.s32 $0x800;
	v16 =	vld [tilespmem:s20+$0x60];
	v6 =	vand.u32 $0x7F, v7;
	v7 =	vand.u32 $0xFFFFFC00, v12;
	v5 =	vor.u32 v5, v10  }
0x1ba: {  	s23 =	simm.s32 $0x100;
	s20 =	sand.u32 $0x6000, s31;
	v6 =	vor.u32 v6, v9;
	v9 =	vand.u32 $0x7F, v11;
	v12 =	vadd.s32 v1, v5  }
0x1bb: {  	s24 =	sand.u32 $0x380, s23;
	s20 =	sshrl.u32 s20, $0x2;
	v5 =	vor.u32 v8, v7;
	v17 =	vadd.s32 v2, v6;
	v6 =	vshll.u32 v11, $0x3  }
0x1bc: {  	s25 =	sor.u32 s24, s20;
	v7 =	vshll.u32 v13, $0x3;
	v5 =	vadd.s32 v3, v5;
	v6 =	vand.u32 $0xFFFFFC00, v6  }
0x1bd: {  	v8 =	vld [tilespmem:s25+$0x70];
	v18 =	vand.u32 $0xFFFFFC00, v7;
	v7 =	vshll.u32 v15, $0x3;
	v6 =	vor.u32 v9, v6  }
0x1be: {  	v10 =	vld [tilespmem:s25+$0x40];
	[tilespmem:v14+s16+$0x0] =	vst.idx.msk $0xffff, v0;
	v14 =	vand.u32 $0xFFFFFC00, v7;
	v7 =	vshll.u32 v16, $0x3;
	v9 =	vadd.s32 v4, v6  }
0x1bf: {  	v13 =	vand.u32 $0x7F, v13;
	v15 =	vand.u32 $0x7F, v15;
	v6 =	vld [tilespmem:s25+$0x50];
	v11 =	vand.u32 $0xFFFFFC00, v7;
	[tilespmem:v12+s16+$0x0] =	vst.idx.msk $0xffff, v0  }
0x1c0: {  	s20 =	simm.s32 $0x0;
	s24 =	simm.s32 $0x8;
	v7 =	vld [tilespmem:s25+$0x60];
	s25 =	simm.s32 $0xC00;
	v12 =	vor.u32 v13, v18;
	v13 =	vor.u32 v15, v14;
	v14 =	vand.u32 $0x7F, v16;
	[tilespmem:v17+s16+$0x0] =	vst.idx.msk $0xffff, v0  }
.LBB2_12:
0x1c1: {  	s26 =	sand.u32 $0x6000, s25;
	s24 =	sadd.s32 $0x4, s24;
	s23 =	sadd.s32 $0x80, s23;
	v12 =	vadd.s32 v1, v12;
	v15 =	vadd.s32 v2, v13;
	v11 =	vor.u32 v14, v11  }
0x1c2: {  	s28 =	sand.u32 $0x380, s23;
	s26 =	sshrl.u32 s26, $0x2;
	p0 =	slt.u32 s24, $0x7C;
	v13 =	vshll.u32 v8, $0x3;
	[tilespmem:v5+s16+$0x0] =	vst.idx.msk $0xffff, v0;
	v5 =	vadd.s32 v3, v11  }
.Ltmp5:
0x1c3: {  	v14 =	vand.u32 $0x7F, v8;
	s26 =	sor.u32 s28, s26;
	v11 =	vshll.u32 v10, $0x3;
	v13 =	vand.u32 $0xFFFFFC00, v13;
	[tilespmem:v9+s16+$0x0] =	vst.idx.msk $0xffff, v0;
	v16 =	vmovc v10;
	(pc) =	sbr.rel @p0 .LBB2_12-.Ltmp5, $4  }
0x1c4: {  	v8 =	vld [tilespmem:s26+$0x70];
	v17 =	vand.u32 $0xFFFFFC00, v11;
	v9 =	vshll.u32 v6, $0x3;
	v11 =	vor.u32 v14, v13  }
0x1c5: {  	v10 =	vld [tilespmem:s26+$0x40];
	v13 =	vand.u32 $0xFFFFFC00, v9;
	v14 =	vshll.u32 v7, $0x3;
	v9 =	vadd.s32 v4, v11  }
0x1c6: {  	v16 =	vand.u32 $0x7F, v16;
	v18 =	vand.u32 $0x7F, v6;
	v6 =	vld [tilespmem:s26+$0x50];
	v11 =	vand.u32 $0xFFFFFC00, v14;
	[tilespmem:v12+s16+$0x0] =	vst.idx.msk $0xffff, v0  }
0x1c7: {  	s25 =	sadd.s32 $0x400, s25;
	v12 =	vor.u32 v16, v17;
	v13 =	vor.u32 v18, v13;
	v14 =	vand.u32 $0x7F, v7;
	v7 =	vld [tilespmem:s26+$0x60];
	[tilespmem:v15+s16+$0x0] =	vst.idx.msk $0xffff, v0  }
0x1c8: {  	v12 =	vadd.s32 v1, v12;
	v13 =	vadd.s32 v2, v13;
	v11 =	vor.u32 v14, v11  }
0x1c9: {  	v14 =	vshll.u32 v8, $0x3;
	v11 =	vadd.s32 v3, v11;
	v8 =	vand.u32 $0x7F, v8  }
0x1ca: {  	v15 =	vshll.u32 v10, $0x3;
	v14 =	vand.u32 $0xFFFFFC00, v14;
	v10 =	vand.u32 $0x7F, v10  }
0x1cb: {  	v15 =	vand.u32 $0xFFFFFC00, v15;
	v8 =	vor.u32 v8, v14;
	v14 =	vshll.u32 v6, $0x3  }
0x1cc: {  	v6 =	vand.u32 $0x7F, v6;
	v14 =	vand.u32 $0xFFFFFC00, v14;
	v10 =	vor.u32 v10, v15  }
0x1cd: {  	[tilespmem:v5+s16+$0x0] =	vst.idx.msk $0xffff, v0;
	v15 =	vshll.u32 v7, $0x3;
	v5 =	vadd.s32 v4, v8;
	v7 =	vand.u32 $0x7F, v7  }
0x1ce: {  	[tilespmem:v9+s16+$0x0] =	vst.idx.msk $0xffff, v0;
	v8 =	vand.u32 $0xFFFFFC00, v15;
	v6 =	vor.u32 v6, v14;
	v9 =	vadd.s32 v1, v10  }
0x1cf: {  	[tilespmem:v12+s16+$0x0] =	vst.idx.msk $0xffff, v0;
	v6 =	vadd.s32 v2, v6;
	v7 =	vor.u32 v7, v8  }
0x1d0: {  	[tilespmem:v13+s16+$0x0] =	vst.idx.msk $0xffff, v0;
	v7 =	vadd.s32 v3, v7  }
0x1d1: {  	[tilespmem:v11+s16+$0x0] =	vst.idx.msk $0xffff, v0  }
0x1d2: {  	[tilespmem:v5+s16+$0x0] =	vst.idx.msk $0xffff, v0  }
0x1d3: {  	[tilespmem:v9+s16+$0x0] =	vst.idx.msk $0xffff, v0  }
0x1d4: {  	s21 =	sand.u32 $0x1800, s21;
	[tilespmem:v6+s16+$0x0] =	vst.idx.msk $0xffff, v0  }
0x1d5: {  	s21 =	sor.u32 s22, s21;
	[tilespmem:v7+s16+$0x0] =	vst.idx.msk $0xffff, v0  }
0x1d6: {  	v5 =	vld [tilespmem:s21+$0x440]  }
0x1d7: {  	v7 =	vld [tilespmem:s21+$0x450]  }
0x1d8: {  	v8 =	vld [tilespmem:s21+$0x460]  }
0x1d9: {  	v6 =	vld [tilespmem:s21+$0x470];
	_ =	sdelay $0x1  }
0x1da: {  	v9 =	vshll.u32 v5, $0x3  }
0x1db: {  	v5 =	vand.u32 $0x7F, v5;
	v9 =	vand.u32 $0xFFFFFC00, v9  }
0x1dc: {  	v10 =	vshll.u32 v7, $0x3;
	v9 =	vor.u32 v5, v9;
	v5 =	vshll.u32 v8, $0x3  }
0x1dd: {  	v12 =	vand.u32 $0x7F, v8;
	v13 =	vshll.u32 v6, $0x3;
	v8 =	vld [tilespmem:s21+$0x2450];
	v11 =	vand.u32 $0xFFFFFC00, v5  }
0x1de: {  	s22 =	simm.s32 $0x100;
	v10 =	vand.u32 $0xFFFFFC00, v10;
	v5 =	vld [tilespmem:s21+$0x2470];
	v12 =	vor.u32 v12, v11;
	v11 =	vand.u32 $0xFFFFFC00, v13  }
.LBB2_14:
0x1df: {  	s23 =	sand.u32 $0x1800, s22;
	s24 =	sand.u32 $0x380, s19;
	s20 =	sadd.s32 $0x4, s20;
	v13 =	vld [tilespmem:s21+$0x2440]  }
0x1e0: {  	v7 =	vand.u32 $0x7F, v7;
	v12 =	vadd.s32 v3, v12;
	p0 =	slt.u32 s20, $0x7C;
	v14 =	vld [tilespmem:s21+$0x2460];
	s21 =	sor.u32 s24, s23  }
0x1e1: {  	v9 =	vadd.s32 v1, v9;
	v6 =	vand.u32 $0x7F, v6;
	v10 =	vor.u32 v7, v10;
	v15 =	vld [tilespmem:s21+$0x440]  }
0x1e2: {  	v6 =	vor.u32 v6, v11;
	v10 =	vadd.s32 v2, v10;
	v7 =	vld [tilespmem:s21+$0x450]  }
0x1e3: {  	v16 =	vadd.s32 v4, v6;
	v11 =	vld [tilespmem:s21+$0x460]  }
0x1e4: {  	v6 =	vld [tilespmem:s21+$0x470]  }
0x1e5: {  	[tilespmem:v12+s16+$0x0] =	vst.idx.add.f32.msk $0xffff, v14  }
.Ltmp6:
0x1e6: {  	v12 =	vshll.u32 v15, $0x3;
	[tilespmem:v9+s16+$0x0] =	vst.idx.add.f32.msk $0xffff, v13;
	(pc) =	sbr.rel @p0 .LBB2_14-.Ltmp6, $4  }
0x1e7: {  	v9 =	vand.u32 $0xFFFFFC00, v12;
	v12 =	vand.u32 $0x7F, v15;
	v13 =	vshll.u32 v7, $0x3;
	[tilespmem:v10+s16+$0x0] =	vst.idx.add.f32.msk $0xffff, v8  }
0x1e8: {  	v9 =	vor.u32 v12, v9;
	v10 =	vand.u32 $0xFFFFFC00, v13;
	v8 =	vshll.u32 v11, $0x3;
	[tilespmem:v16+s16+$0x0] =	vst.idx.add.f32.msk $0xffff, v5  }
0x1e9: {  	v11 =	vand.u32 $0x7F, v11;
	v12 =	vand.u32 $0xFFFFFC00, v8;
	v5 =	vld [tilespmem:s21+$0x2470];
	v13 =	vshll.u32 v6, $0x3  }
0x1ea: {  	s19 =	sadd.s32 $0x80, s19;
	s22 =	sadd.s32 $0x100, s22;
	v8 =	vld [tilespmem:s21+$0x2450];
	v12 =	vor.u32 v11, v12;
	v11 =	vand.u32 $0xFFFFFC00, v13  }
0x1eb: {  	v7 =	vand.u32 $0x7F, v7;
	v13 =	vld [tilespmem:s21+$0x2460];
	v12 =	vadd.s32 v3, v12  }
0x1ec: {  	v14 =	vld [tilespmem:s21+$0x2440];
	v9 =	vadd.s32 v1, v9;
	v6 =	vand.u32 $0x7F, v6;
	v7 =	vor.u32 v7, v10  }
0x1ed: {  	v6 =	vor.u32 v6, v11;
	v7 =	vadd.s32 v2, v7  }
0x1ee: {  	v6 =	vadd.s32 v4, v6;
	_ =	sdelay $0x1  }
0x1ef: {  	[tilespmem:v12+s16+$0x0] =	vst.idx.add.f32.msk $0xffff, v13  }
0x1f0: {  	[tilespmem:v9+s16+$0x0] =	vst.idx.add.f32.msk $0xffff, v14  }
0x1f1: {  	[tilespmem:v7+s16+$0x0] =	vst.idx.add.f32.msk $0xffff, v8  }
0x1f2: {  	s18 =	sadd.s32 $0x1, s18;
	[tilespmem:v6+s16+$0x0] =	vst.idx.add.f32.msk $0xffff, v5  }
0x1f3: {  	[hbm4b:s9+s2] =	stream.linear.scatter [tilespmem:s16], [sflag:$0x2], $0x8000, $0x38;
	[tilespmem:$0x14000] =	vst v63  }
0x1f4: {  	p0 =	sne.s32 s18, s10;
	_ =	swait.ge [sflag:s3], $0x8000  }
.Ltmp7:
0x1f5: {  	[sflag:s3] =	ssyncset.done $0x0;
	(pc) =	sbr.rel @p0 .LBB2_1-.Ltmp7, $4  }
0x1f6: {  	[sflag:s3] =	ssyncadd.s32 $0xFFFF8000  }
0x1f7: {  	_ =	swait.ge [sflag:s17], $0x8000  }
0x1f8: {  	[sflag:s17] =	ssyncset.done $0x0  }
0x1f9: {  	[sflag:s17] =	ssyncadd.s32 $0xFFFF8000  }
0x1fa: {  	_ =	sfence.sel $0x180000  }
0x1fb: {  	[bflag:$0x0] =	sbarrier.arrive $0xFFFF  }
0x1fc: {  	p0 =	sne.s32 s0, $0x0;
	_ =	strace $0x90000047  }
0x1fd: {  	s0 =	sadd.s32 @!p0 $0x100000, s1;
	[bflag:$0x2] =	sbarrier.arrive $0xFFFF  }
0x1fe: {  	[sflag:s0] =	ssyncadd.tile.s32 @!p0 $0x1;
	_ =	shalt  }
.Lfunc_end2:
_tile_overlayer_lowered:
.L_overlay_start_2:
0x1ff: {  	(tag) =	ssettag $0x2  }
0x200: {  	s0 =	rddreg [dreg:$0x0];
	s2 =	stileid.u32  }
0x201: {  	s1 =	rddreg [dreg:$0x1];
	p0 =	sne.s32 s2, $0x0  }
0x202: {  	s3 =	rddreg [dreg:$0x2];
	[bflag:$0x3] =	sbarrier.arrive $0xFFFF;
	s2 =	simm.s32 @!p0 $0x1C04  }
0x203: {  	[timem:s3], [sflag:s2] =	dma.local @!p0 [hbm:s0], s1  }
0x204: {  	s0 =	simm.s32 @!p0 $0x4  }
0x205: {  	_ =	swait.ge @!p0 [sflag:s0], s1  }
0x206: {  	s1 =	ssub.s32 @!p0 $0x0, s1;
	[sflag:s0] =	ssyncset.done @!p0 $0x0  }
0x207: {  	[sflag:s0] =	ssyncadd.s32 @!p0 s1  }
0x208: {  	[bflag:$0x3] =	sbarrier.arrive $0xFFFF  }
0x209: {  	_ =	shalt  }

</sc_bundles>
